<compile_context>
chip_gen: v7x
topology: tpu7x:2x2x1
jax: 0.10.2.dev20260603
libtpu: 0.0.44.dev20260713+nightly
codegen_flags: <defaults>
</compile_context>

<pallas_src>
import jax
import jax.numpy as jnp
from jax import lax
from jax.experimental import pallas as pl
from jax.experimental.pallas import tpu as pltpu, tpu_sc as plsc

N, H, W, C = 2, 224, 224, 96
G, K, PAD = 6, 3, 1
P = K * K
GC = C // G
HB = 16
NJ = H // HB
PIX = N * H * W
B = PIX * G
NW = 32
RPW = B // NW
E = 128
NCHUNK = RPW // E
IDX_COLS = 128


def _bf16_rne(x):
    u = lax.bitcast_convert_type(x, jnp.uint32)
    r = (u + jnp.uint32(0x7FFF) + ((u >> 16) & jnp.uint32(1))) \
        & jnp.uint32(0xFFFF0000)
    return lax.bitcast_convert_type(r, jnp.float32)


def _gelu(x):
    c = 0.7978845608028654
    return 0.5 * x * (1 + jnp.tanh(c * (x + 0.044715 * x ** 3)))


def _head_body(in_hbm, Wp, bp, dwk, dwb, gamma, beta, Woy, boy, Wox, box,
               Wm, bm, xo, idxo, masko, inp_v, sem):
    n = pl.program_id(0)
    j = pl.program_id(1)
    r0 = j * HB

    @pl.when(j == 0)
    def _():
        cp = pltpu.make_async_copy(in_hbm.at[n, pl.ds(0, HB + 1)],
                                   inp_v.at[pl.ds(1, HB + 1)], sem)
        cp.start()
        cp.wait()
        inp_v[0, :, :] = jnp.zeros((W, C), jnp.float32)

    @pl.when(j == NJ - 1)
    def _():
        cp = pltpu.make_async_copy(in_hbm.at[n, pl.ds(H - HB - 1, HB + 1)],
                                   inp_v.at[pl.ds(0, HB + 1)], sem)
        cp.start()
        cp.wait()
        inp_v[HB + 1, :, :] = jnp.zeros((W, C), jnp.float32)

    @pl.when((j > 0) & (j < NJ - 1))
    def _():
        cp = pltpu.make_async_copy(in_hbm.at[n, pl.ds(r0 - 1, HB + 2)],
                                   inp_v.at[:], sem)
        cp.start()
        cp.wait()

    xin = inp_v[...]

    xrp = _bf16_rne(xin)
    acc = jnp.zeros((HB, W, C), jnp.float32)
    zcol = jnp.zeros((HB, 1, C), jnp.float32)
    for dy in range(3):
        rows = xrp[dy:dy + HB]
        for dx in range(3):
            if dx == 0:
                s = jnp.concatenate([zcol, rows[:, :W - 1]], axis=1)
            elif dx == 1:
                s = rows
            else:
                s = jnp.concatenate([rows[:, 1:], zcol], axis=1)
            acc = acc + s * dwk[dy * 3 + dx]
    acc = acc + dwb[0]

    mu = jnp.mean(acc, -1, keepdims=True)
    var = jnp.mean((acc - mu) ** 2, -1, keepdims=True)
    x1 = (acc - mu) / jnp.sqrt(var + 1e-6) * gamma[0] + beta[0]
    x1 = _gelu(x1)
    x1f = x1.reshape(HB * W, C)

    center = xin[1:1 + HB].reshape(HB * W, C)
    xo[...] = jnp.dot(center, Wp[...],
                      preferred_element_type=jnp.float32, precision=lax.Precision.DEFAULT) + bp[0]

    offy = jnp.dot(x1f, Woy[...], preferred_element_type=jnp.float32, precision=lax.Precision.DEFAULT) + boy[0]
    offx = jnp.dot(x1f, Wox[...], preferred_element_type=jnp.float32, precision=lax.Precision.DEFAULT) + box[0]

    Z = jnp.dot(x1f, Wm[...], preferred_element_type=jnp.float32, precision=lax.Precision.DEFAULT) + bm[0]
    Mx = jnp.max(Z, -1, keepdims=True)
    Ez = jnp.exp(Z - Mx)
    ii = lax.broadcasted_iota(jnp.int32, (G * P, G * P), 0) // P
    jj = lax.broadcasted_iota(jnp.int32, (G * P, G * P), 1) // P
    bd = (ii == jj).astype(jnp.float32)
    den = jnp.dot(Ez, bd, preferred_element_type=jnp.float32, precision=lax.Precision.HIGHEST)
    msk = Ez / den

    ri = lax.broadcasted_iota(jnp.int32, (HB * W, 1), 0)
    hh = r0 + ri // W
    ww = ri % W
    refy = ww.astype(jnp.float32) + 1.5
    refx = hh.astype(jnp.float32) + 1.5
    kk = lax.broadcasted_iota(jnp.int32, (HB * W, G * P), 1)
    pp = kk % P
    gg = kk // P
    gy = (pp // 3 - 1).astype(jnp.float32)
    gx = (pp % 3 - 1).astype(jnp.float32)
    iy = jnp.clip((refy + gy + offy).astype(jnp.int32), 0, H + 1)
    ix = jnp.clip((refx + gx + offx).astype(jnp.int32), 0, W + 1)
    valid = (iy >= 1) & (iy <= H) & (ix >= 1) & (ix <= W)
    iyu = jnp.clip(iy - 1, 0, H - 1)
    ixu = jnp.clip(ix - 1, 0, W - 1)
    idxo[...] = ((n * H + iyu) * W + ixu) * G + gg
    masko[...] = msk * valid.astype(jnp.float32)


def _head(input, Wp, bp, dwk9, dwb, gamma, beta, Woy, boy, Wox, box, Wm, bm):
    blk = lambda: pl.BlockSpec((HB * W, G * P), lambda n, j: (n * NJ + j, 0))
    full = lambda a: pl.BlockSpec(a.shape, lambda n, j: (0,) * a.ndim)
    weights = (Wp, bp, dwk9, dwb, gamma, beta, Woy, boy, Wox, box, Wm, bm)
    return pl.pallas_call(
        _head_body,
        grid=(N, NJ),
        in_specs=[pl.BlockSpec(memory_space=pltpu.MemorySpace.HBM)]
        + [full(w) for w in weights],
        out_specs=[
            pl.BlockSpec((HB * W, C), lambda n, j: (n * NJ + j, 0)),
            blk(),
            blk(),
        ],
        out_shape=[
            jax.ShapeDtypeStruct((PIX, C), jnp.float32),
            jax.ShapeDtypeStruct((PIX, G * P), jnp.int32),
            jax.ShapeDtypeStruct((PIX, G * P), jnp.float32),
        ],
        scratch_shapes=[
            pltpu.VMEM((HB + 2, W, C), jnp.float32),
            pltpu.SemaphoreType.DMA,
        ],
    )(input, *weights)


def _sc_body(table, idxf, maskf, out, idx_v, rows_v, mask_v, out_v,
             isem, gsem, osem):
    nc = 2
    wid = lax.axis_index("s") * nc + lax.axis_index("c")

    def stage_in(c, b):
        base = wid * RPW + c * E
        pltpu.async_copy(idxf.at[pl.ds(base * P, E * P)], idx_v.at[b], isem)
        pltpu.async_copy(maskf.at[pl.ds(base * P, E * P)],
                         mask_v.at[b, pl.ds(0, E * P)], isem)

    def wait_in(c, b):
        base = wid * RPW + c * E
        pltpu.make_async_copy(idxf.at[pl.ds(base * P, E * P)],
                              idx_v.at[b], isem).wait()
        pltpu.make_async_copy(maskf.at[pl.ds(base * P, E * P)],
                              mask_v.at[b, pl.ds(0, E * P)], isem).wait()

    def fire_gathers(b):
        for q in range(P):
            pltpu.async_copy(
                table.at[idx_v.at[b, pl.ds(q * IDX_COLS, IDX_COLS)]],
                rows_v.at[b, pl.ds(q * IDX_COLS, IDX_COLS)], gsem)

    def drain_gathers(b):
        for q in range(P):
            pltpu.make_async_copy(
                table.at[idx_v.at[b, pl.ds(q * IDX_COLS, IDX_COLS)]],
                rows_v.at[b, pl.ds(q * IDX_COLS, IDX_COLS)], gsem).wait()

    lanes = lax.iota(jnp.int32, GC)
    dnums = lax.GatherDimensionNumbers(
        offset_dims=(), collapsed_slice_dims=(0,), start_index_map=(0,))

    def lane_bcast(v, p):
        idx = jnp.full((GC, 1), p, jnp.int32)
        return lax.gather(v, idx, dnums, (1,),
                          mode=lax.GatherScatterMode.PROMISE_IN_BOUNDS)

    stage_in(0, 0)
    wait_in(0, 0)
    fire_gathers(0)
    stage_in(1, 1)

    def chunk(c, _):
        b = lax.rem(c, 2)
        nb = 1 - b
        base = wid * RPW + c * E

        drain_gathers(b)

        @pl.when(c + 1 < NCHUNK)
        def _():
            wait_in(c + 1, nb)
            fire_gathers(nb)

        @pl.when(c >= 2)
        def _():
            pltpu.make_async_copy(
                out_v.at[b], out.at[pl.ds(base - 2 * E, E)], osem).wait()

        def erow(e, _):
            mvec = plsc.load_gather(mask_v.at[b], [e * P + lanes])
            acc = jnp.zeros((GC,), jnp.float32)
            for p in range(P):
                acc = acc + rows_v[b, e * P + p] * lane_bcast(mvec, p)
            out_v[b, e] = acc
            return 0

        lax.fori_loop(0, E, erow, 0, unroll=2)
        pltpu.async_copy(out_v.at[b], out.at[pl.ds(base, E)], osem)

        @pl.when(c + 2 < NCHUNK)
        def _():
            stage_in(c + 2, b)

        return 0

    lax.fori_loop(0, NCHUNK, chunk, 0)
    for c in (NCHUNK - 2, NCHUNK - 1):
        b = c % 2
        base = wid * RPW + c * E
        pltpu.make_async_copy(out_v.at[b], out.at[pl.ds(base, E)],
                              osem).wait()


def _sc_gather(table, idxf, maskf):
    mesh = plsc.VectorSubcoreMesh(core_axis_name="c", subcore_axis_name="s")
    return pl.kernel(
        _sc_body,
        out_type=jax.ShapeDtypeStruct((B, GC), jnp.float32),
        mesh=mesh,
        compiler_params=pltpu.CompilerParams(needs_layout_passes=False,
                                             use_tc_tiling_on_sc=False),
        scratch_types=[
            pltpu.VMEM((2, E * P), jnp.int32),
            pltpu.VMEM((2, E * P, GC), jnp.float32),
            pltpu.VMEM((2, E * P + GC), jnp.float32),
            pltpu.VMEM((2, E, GC), jnp.float32),
            pltpu.SemaphoreType.DMA,
            pltpu.SemaphoreType.DMA,
            pltpu.SemaphoreType.DMA,
        ],
    )(table, idxf, maskf)


def _tail_body(y, Wout, bout, out):
    out[...] = jnp.dot(y[...], Wout[...],
                       preferred_element_type=jnp.float32, precision=lax.Precision.DEFAULT) + bout[0]


def _tail(y, Wout, bout):
    RB = 2048
    return pl.pallas_call(
        _tail_body,
        grid=(PIX // RB,),
        in_specs=[
            pl.BlockSpec((RB, C), lambda i: (i, 0)),
            pl.BlockSpec((C, C), lambda i: (0, 0)),
            pl.BlockSpec((1, C), lambda i: (0, 0)),
        ],
        out_specs=pl.BlockSpec((RB, C), lambda i: (i, 0)),
        out_shape=jax.ShapeDtypeStruct((PIX, C), jnp.float32),
    )(y, Wout, bout)


def kernel(input, Wp, bp, dwk, dwb, gamma, beta, Wo, bo, Wm, bm, Wout, bout):
    Woy, Wox = Wo[:, 0::2], Wo[:, 1::2]
    boy, box = bo[0::2], bo[1::2]
    r1 = lambda v: v.reshape(1, -1)
    xo, idxo, masko = _head(input, Wp, r1(bp), dwk.reshape(P, C), r1(dwb),
                            r1(gamma), r1(beta), Woy, r1(boy), Wox, r1(box),
                            Wm, r1(bm))
    out_core = _sc_gather(xo.reshape(B, GC),
                          idxo.reshape(B * P),
                          masko.reshape(B * P))
    y = _tail(out_core.reshape(PIX, C), Wout, r1(bout))
    return y.reshape(N, H, W, C)

# --- scband reference (transcript-rebuilt; emitter-appended) ---
"""Pipeline reference for scband-dcnv3-4733053960651 (READ-ONLY COPY).

The authoritative reference and input builder live on the scoring server;
editing this copy changes nothing except your own understanding.
"""

import jax, jax.numpy as jnp
import numpy as np

N, H, W, C = 2, 224, 224, 96
G, K, PAD = 6, 3, 1
P = K * K
GC = C // G
OS = 1.0


def _gelu(x):
    return 0.5 * x * (1 + jnp.tanh(np.sqrt(2 / np.pi) * (x + 0.044715 * x ** 3)))


def _ln(x, g, b):
    mu = jnp.mean(x, -1, keepdims=True)
    var = jnp.mean((x - mu) ** 2, -1, keepdims=True)
    return (x - mu) / jnp.sqrt(var + 1e-6) * g + b


def _dw(x, k, b):
    y = jax.lax.conv_general_dilated(x, k, (1, 1), 'SAME', dimension_numbers=('NHWC', 'HWIO', 'NHWC'), feature_group_count=C)
    return y + b


def _core(x, offset, mask):
    x = jnp.pad(x, ((0, 0), (PAD, PAD), (PAD, PAD), (0, 0)))
    Hi, Wi = H + 2 * PAD, W + 2 * PAD
    a = jnp.linspace(1.5, 1.5 + (H - 1), H)
    bb = jnp.linspace(1.5, 1.5 + (W - 1), W)
    ry, rx = jnp.meshgrid(a, bb)
    ref = jnp.stack((ry.reshape(-1)[None], rx.reshape(-1)[None]), -1).reshape(1, H, W, 1, 2)
    pts = jnp.linspace(-1.0, 1.0, K)
    gx, gy = jnp.meshgrid(pts, pts)
    grid = jnp.repeat(jnp.stack([gy, gx], -1).reshape(-1, 1, 2), G, axis=1).transpose(1, 0, 2).reshape(1, 1, 1, G * P, 2)
    loc = jnp.broadcast_to(ref + grid * OS, (N, H, W, G * P, 2)).reshape(N, H, W, G * P * 2) + offset * OS
    sg = loc.reshape(N, H * W, G, P, 2).transpose(0, 2, 1, 3, 4).reshape(N * G, H * W * P, 2).astype(jnp.int32)
    inp = x.reshape(N, Hi * Wi, G, GC).transpose(0, 2, 1, 3).reshape(N * G, Hi, Wi, GC)
    iy = jnp.clip(sg[..., 0], 0, Hi - 1)
    ix = jnp.clip(sg[..., 1], 0, Wi - 1)
    g = inp[jnp.arange(N * G)[:, None], iy, ix].reshape(N * G, H, W, P, GC)
    m = mask.reshape(N, H, W, G, P).transpose(0, 3, 1, 2, 4).reshape(N * G, H, W, P, 1)
    out = jnp.sum(g * m, -2).reshape(N, G, H, W, GC).transpose(0, 2, 3, 1, 4).reshape(N, H, W, C)
    return out


def setup_inputs(seed: int = 0):
    key = jax.random.key(seed)
    ks = [jax.random.fold_in(key, i) for i in range(8)]
    d = {}
    d['input'] = jax.random.normal(ks[0], (N, H, W, C), jnp.float32)
    d['Wp'] = jax.random.normal(ks[1], (C, C), jnp.float32) * 0.05
    d['bp'] = jnp.zeros((C,), jnp.float32)
    d['dwk'] = jax.random.normal(ks[2], (K, K, 1, C), jnp.float32) * 0.05
    d['dwb'] = jnp.zeros((C,), jnp.float32)
    d['gamma'] = jnp.ones((C,), jnp.float32)
    d['beta'] = jnp.zeros((C,), jnp.float32)
    d['Wo'] = jax.random.normal(ks[3], (C, G * P * 2), jnp.float32) * 0.05
    d['bo'] = jnp.zeros((G * P * 2,), jnp.float32)
    d['Wm'] = jax.random.normal(ks[4], (C, G * P), jnp.float32) * 0.05
    d['bm'] = jnp.zeros((G * P,), jnp.float32)
    d['Wout'] = jax.random.normal(ks[5], (C, C), jnp.float32) * 0.05
    d['bout'] = jnp.zeros((C,), jnp.float32)
    return d


def reference(input, Wp, bp, dwk, dwb, gamma, beta, Wo, bo, Wm, bm, Wout, bout):
    x = input @ Wp + bp
    x1 = _gelu(_ln(_dw(input, dwk, dwb), gamma, beta))
    offset = x1 @ Wo + bo
    m = jax.nn.softmax((x1 @ Wm + bm).reshape(N, H, W, G, P), -1).reshape(N, H, W, G * P)
    y = _core(x, offset, m)
    return y @ Wout + bout

if __name__ == "__main__":
    import jax
    _d = setup_inputs()
    print(jax.jit(kernel)(*tuple(_d.values())))

</pallas_src>

<mosaic_0001>
#map = affine_map<(d0, d1) -> (0, 0)>
#map1 = affine_map<(d0, d1) -> (0)>
module attributes {stable_mosaic.version = 14 : i64} {
  func.func @_sc_body(%arg0: i32, %arg1: i32, %arg2: memref<602112x16xf32, #tpu.memory_space<hbm>>, %arg3: memref<5419008xi32, #tpu.memory_space<hbm>>, %arg4: memref<5419008xf32, #tpu.memory_space<hbm>>, %arg5: memref<602112x16xf32, #tpu.memory_space<hbm>>, %arg6: memref<2x1152xi32, #tpu.memory_space<vmem>>, %arg7: memref<2x1152x16xf32, #tpu.memory_space<vmem>>, %arg8: memref<2x1168xf32, #tpu.memory_space<vmem>>, %arg9: memref<2x128x16xf32, #tpu.memory_space<vmem>>, %arg10: memref<!tpu.dma_semaphore, #tpu.memory_space<semaphore_mem>>, %arg11: memref<!tpu.dma_semaphore, #tpu.memory_space<semaphore_mem>>, %arg12: memref<!tpu.dma_semaphore, #tpu.memory_space<semaphore_mem>>) attributes {dimension_semantics = [#tpu.dimension_semantics<core_parallel>, #tpu.dimension_semantics<subcore_parallel>], iteration_bounds = array<i64: 2, 16>, scalar_prefetch = 0 : i64, scratch_operands = 7 : i64, tpu.core_type = #tpu.core_type<sc_vector_subcore>, window_params = [{transform_indices = #map}, {transform_indices = #map1}, {transform_indices = #map1}, {transform_indices = #map}]} {
    %mul3A = arith.constant 2 : i32
    %mul3A_0 = arith.muli %arg1, %mul3A : i32
    %add3A = arith.addi %mul3A_0, %arg0 : i32
    %iota3A = tpu.iota {dimensions = array<i32: 0>} : vector<16xi32>
    %mul3A_1 = arith.constant 18816 : i32
    %mul3A_2 = arith.muli %add3A, %mul3A_1 : i32
    %add3A_3 = arith.constant 0 : i32
    %add3A_4 = arith.addi %mul3A_2, %add3A_3 : i32
    %mul3A_5 = arith.constant 9 : i32
    %mul3A_6 = arith.muli %add3A_4, %mul3A_5 : i32
    %dma_start3A = arith.constant 0 : i32
    %dma_start3A_7 = arith.constant 0 : i32
    %dma_start3A_8 = tpu.memref_slice %arg6[%dma_start3A, %dma_start3A_7] : memref<2x1152xi32, #tpu.memory_space<vmem>> -> memref<1x1152xi32, #tpu.memory_space<vmem>>
    %dma_start3A_9 = tpu.memref_squeeze %dma_start3A_8 : memref<1x1152xi32, #tpu.memory_space<vmem>> -> memref<1152xi32, #tpu.memory_space<vmem>>
    %dma_start3A_10 = tpu.memref_slice %arg3[%mul3A_6] : memref<5419008xi32, #tpu.memory_space<hbm>> -> memref<1152xi32, #tpu.memory_space<hbm>>
    %dma_start3A_11 = arith.constant 0 : i32
    %dma_start3A_12 = tpu.memref_slice %arg6[%dma_start3A, %dma_start3A_11] : memref<2x1152xi32, #tpu.memory_space<vmem>> -> memref<1x1152xi32, #tpu.memory_space<vmem>>
    %dma_start3A_13 = tpu.memref_squeeze %dma_start3A_12 : memref<1x1152xi32, #tpu.memory_space<vmem>> -> memref<1152xi32, #tpu.memory_space<vmem>>
    %dma_start3A_14 = tpu.memref_slice %arg3[%mul3A_6] : memref<5419008xi32, #tpu.memory_space<hbm>> -> memref<1152xi32, #tpu.memory_space<hbm>>
    tpu.enqueue_dma source(%dma_start3A_14 : memref<1152xi32, #tpu.memory_space<hbm>>) target(%dma_start3A_13 : memref<1152xi32, #tpu.memory_space<vmem>>) target_semaphore(%arg10 : memref<!tpu.dma_semaphore, #tpu.memory_space<semaphore_mem>>)
    %mul3A_15 = arith.constant 9 : i32
    %mul3A_16 = arith.muli %add3A_4, %mul3A_15 : i32
    %dma_start3A_17 = arith.constant 0 : i32
    %dma_start3A_18 = arith.constant 0 : i32
    %dma_start3A_19 = tpu.memref_slice %arg8[%dma_start3A_17, %dma_start3A_18] : memref<2x1168xf32, #tpu.memory_space<vmem>> -> memref<1x1152xf32, #tpu.memory_space<vmem>>
    %dma_start3A_20 = tpu.memref_squeeze %dma_start3A_19 : memref<1x1152xf32, #tpu.memory_space<vmem>> -> memref<1152xf32, #tpu.memory_space<vmem>>
    %dma_start3A_21 = tpu.memref_slice %arg4[%mul3A_16] : memref<5419008xf32, #tpu.memory_space<hbm>> -> memref<1152xf32, #tpu.memory_space<hbm>>
    %dma_start3A_22 = arith.constant 0 : i32
    %dma_start3A_23 = tpu.memref_slice %arg8[%dma_start3A_17, %dma_start3A_22] : memref<2x1168xf32, #tpu.memory_space<vmem>> -> memref<1x1152xf32, #tpu.memory_space<vmem>>
    %dma_start3A_24 = tpu.memref_squeeze %dma_start3A_23 : memref<1x1152xf32, #tpu.memory_space<vmem>> -> memref<1152xf32, #tpu.memory_space<vmem>>
    %dma_start3A_25 = tpu.memref_slice %arg4[%mul3A_16] : memref<5419008xf32, #tpu.memory_space<hbm>> -> memref<1152xf32, #tpu.memory_space<hbm>>
    tpu.enqueue_dma source(%dma_start3A_25 : memref<1152xf32, #tpu.memory_space<hbm>>) target(%dma_start3A_24 : memref<1152xf32, #tpu.memory_space<vmem>>) target_semaphore(%arg10 : memref<!tpu.dma_semaphore, #tpu.memory_space<semaphore_mem>>)
    %mul3A_26 = arith.constant 18816 : i32
    %mul3A_27 = arith.muli %add3A, %mul3A_26 : i32
    %add3A_28 = arith.constant 0 : i32
    %add3A_29 = arith.addi %mul3A_27, %add3A_28 : i32
    %mul3A_30 = arith.constant 9 : i32
    %mul3A_31 = arith.muli %add3A_29, %mul3A_30 : i32
    %dma_wait3A = arith.constant 0 : i32
    %dma_wait3A_32 = arith.constant 0 : i32
    %dma_wait3A_33 = tpu.memref_slice %arg6[%dma_wait3A, %dma_wait3A_32] : memref<2x1152xi32, #tpu.memory_space<vmem>> -> memref<1x1152xi32, #tpu.memory_space<vmem>>
    %dma_wait3A_34 = tpu.memref_squeeze %dma_wait3A_33 : memref<1x1152xi32, #tpu.memory_space<vmem>> -> memref<1152xi32, #tpu.memory_space<vmem>>
    %dma_wait3A_35 = tpu.memref_slice %arg3[%mul3A_31] : memref<5419008xi32, #tpu.memory_space<hbm>> -> memref<1152xi32, #tpu.memory_space<hbm>>
    %dma_wait3A_36 = arith.constant 0 : i32
    %dma_wait3A_37 = tpu.memref_slice %arg6[%dma_wait3A, %dma_wait3A_36] : memref<2x1152xi32, #tpu.memory_space<vmem>> -> memref<1x1152xi32, #tpu.memory_space<vmem>>
    %dma_wait3A_38 = tpu.memref_squeeze %dma_wait3A_37 : memref<1x1152xi32, #tpu.memory_space<vmem>> -> memref<1152xi32, #tpu.memory_space<vmem>>
    %dma_wait3A_39 = tpu.memref_slice %arg3[%mul3A_31] : memref<5419008xi32, #tpu.memory_space<hbm>> -> memref<1152xi32, #tpu.memory_space<hbm>>
    tpu.wait_dma2 semaphore(%arg10 : memref<!tpu.dma_semaphore, #tpu.memory_space<semaphore_mem>>) src(%dma_wait3A_39 : memref<1152xi32, #tpu.memory_space<hbm>>) dst(%dma_wait3A_38 : memref<1152xi32, #tpu.memory_space<vmem>>)
    %mul3A_40 = arith.constant 9 : i32
    %mul3A_41 = arith.muli %add3A_29, %mul3A_40 : i32
    %dma_wait3A_42 = arith.constant 0 : i32
    %dma_wait3A_43 = arith.constant 0 : i32
    %dma_wait3A_44 = tpu.memref_slice %arg8[%dma_wait3A_42, %dma_wait3A_43] : memref<2x1168xf32, #tpu.memory_space<vmem>> -> memref<1x1152xf32, #tpu.memory_space<vmem>>
    %dma_wait3A_45 = tpu.memref_squeeze %dma_wait3A_44 : memref<1x1152xf32, #tpu.memory_space<vmem>> -> memref<1152xf32, #tpu.memory_space<vmem>>
    %dma_wait3A_46 = tpu.memref_slice %arg4[%mul3A_41] : memref<5419008xf32, #tpu.memory_space<hbm>> -> memref<1152xf32, #tpu.memory_space<hbm>>
    %dma_wait3A_47 = arith.constant 0 : i32
    %dma_wait3A_48 = tpu.memref_slice %arg8[%dma_wait3A_42, %dma_wait3A_47] : memref<2x1168xf32, #tpu.memory_space<vmem>> -> memref<1x1152xf32, #tpu.memory_space<vmem>>
    %dma_wait3A_49 = tpu.memref_squeeze %dma_wait3A_48 : memref<1x1152xf32, #tpu.memory_space<vmem>> -> memref<1152xf32, #tpu.memory_space<vmem>>
    %dma_wait3A_50 = tpu.memref_slice %arg4[%mul3A_41] : memref<5419008xf32, #tpu.memory_space<hbm>> -> memref<1152xf32, #tpu.memory_space<hbm>>
    tpu.wait_dma2 semaphore(%arg10 : memref<!tpu.dma_semaphore, #tpu.memory_space<semaphore_mem>>) src(%dma_wait3A_50 : memref<1152xf32, #tpu.memory_space<hbm>>) dst(%dma_wait3A_49 : memref<1152xf32, #tpu.memory_space<vmem>>)
    %dma_start3A_51 = arith.constant 0 : i32
    %dma_start3A_52 = arith.constant 0 : i32
    %dma_start3A_53 = arith.constant 0 : i32
    %dma_start3A_54 = arith.constant 0 : i32
    %dma_start3A_55 = tpu.memref_slice %arg7[%dma_start3A_52, %dma_start3A_53, %dma_start3A_54] : memref<2x1152x16xf32, #tpu.memory_space<vmem>> -> memref<1x128x16xf32, #tpu.memory_space<vmem>>
    %dma_start3A_56 = tpu.memref_squeeze %dma_start3A_55 : memref<1x128x16xf32, #tpu.memory_space<vmem>> -> memref<128x16xf32, #tpu.memory_space<vmem>>
    %dma_start3A_57 = arith.constant 0 : i32
    %dma_start3A_58 = tpu.memref_slice %arg6[%dma_start3A_51, %dma_start3A_57] : memref<2x1152xi32, #tpu.memory_space<vmem>> -> memref<1x128xi32, #tpu.memory_space<vmem>>
    %dma_start3A_59 = tpu.memref_squeeze %dma_start3A_58 : memref<1x128xi32, #tpu.memory_space<vmem>> -> memref<128xi32, #tpu.memory_space<vmem>>
    %dma_start3A_60 = arith.constant 0 : i32
    %dma_start3A_61 = arith.constant 0 : i32
    %dma_start3A_62 = tpu.memref_slice %arg2[%dma_start3A_60, %dma_start3A_61] : memref<602112x16xf32, #tpu.memory_space<hbm>> -> memref<602112x16xf32, #tpu.memory_space<hbm>>
    tpu.enqueue_indirect_dma source(%dma_start3A_62 : memref<602112x16xf32, #tpu.memory_space<hbm>>) target(%dma_start3A_56 : memref<128x16xf32, #tpu.memory_space<vmem>>) offsets(%dma_start3A_59 : memref<128xi32, #tpu.memory_space<vmem>>) semaphore(%arg11 : memref<!tpu.dma_semaphore, #tpu.memory_space<semaphore_mem>>)
    %dma_start3A_63 = arith.constant 0 : i32
    %dma_start3A_64 = arith.constant 0 : i32
    %dma_start3A_65 = arith.constant 128 : i32
    %dma_start3A_66 = arith.constant 0 : i32
    %dma_start3A_67 = tpu.memref_slice %arg7[%dma_start3A_64, %dma_start3A_65, %dma_start3A_66] : memref<2x1152x16xf32, #tpu.memory_space<vmem>> -> memref<1x128x16xf32, #tpu.memory_space<vmem>>
    %dma_start3A_68 = tpu.memref_squeeze %dma_start3A_67 : memref<1x128x16xf32, #tpu.memory_space<vmem>> -> memref<128x16xf32, #tpu.memory_space<vmem>>
    %dma_start3A_69 = arith.constant 128 : i32
    %dma_start3A_70 = tpu.memref_slice %arg6[%dma_start3A_63, %dma_start3A_69] : memref<2x1152xi32, #tpu.memory_space<vmem>> -> memref<1x128xi32, #tpu.memory_space<vmem>>
    %dma_start3A_71 = tpu.memref_squeeze %dma_start3A_70 : memref<1x128xi32, #tpu.memory_space<vmem>> -> memref<128xi32, #tpu.memory_space<vmem>>
    %dma_start3A_72 = arith.constant 0 : i32
    %dma_start3A_73 = arith.constant 0 : i32
    %dma_start3A_74 = tpu.memref_slice %arg2[%dma_start3A_72, %dma_start3A_73] : memref<602112x16xf32, #tpu.memory_space<hbm>> -> memref<602112x16xf32, #tpu.memory_space<hbm>>
    tpu.enqueue_indirect_dma source(%dma_start3A_74 : memref<602112x16xf32, #tpu.memory_space<hbm>>) target(%dma_start3A_68 : memref<128x16xf32, #tpu.memory_space<vmem>>) offsets(%dma_start3A_71 : memref<128xi32, #tpu.memory_space<vmem>>) semaphore(%arg11 : memref<!tpu.dma_semaphore, #tpu.memory_space<semaphore_mem>>)
    %dma_start3A_75 = arith.constant 0 : i32
    %dma_start3A_76 = arith.constant 0 : i32
    %dma_start3A_77 = arith.constant 256 : i32
    %dma_start3A_78 = arith.constant 0 : i32
    %dma_start3A_79 = tpu.memref_slice %arg7[%dma_start3A_76, %dma_start3A_77, %dma_start3A_78] : memref<2x1152x16xf32, #tpu.memory_space<vmem>> -> memref<1x128x16xf32, #tpu.memory_space<vmem>>
    %dma_start3A_80 = tpu.memref_squeeze %dma_start3A_79 : memref<1x128x16xf32, #tpu.memory_space<vmem>> -> memref<128x16xf32, #tpu.memory_space<vmem>>
    %dma_start3A_81 = arith.constant 256 : i32
    %dma_start3A_82 = tpu.memref_slice %arg6[%dma_start3A_75, %dma_start3A_81] : memref<2x1152xi32, #tpu.memory_space<vmem>> -> memref<1x128xi32, #tpu.memory_space<vmem>>
    %dma_start3A_83 = tpu.memref_squeeze %dma_start3A_82 : memref<1x128xi32, #tpu.memory_space<vmem>> -> memref<128xi32, #tpu.memory_space<vmem>>
    %dma_start3A_84 = arith.constant 0 : i32
    %dma_start3A_85 = arith.constant 0 : i32
    %dma_start3A_86 = tpu.memref_slice %arg2[%dma_start3A_84, %dma_start3A_85] : memref<602112x16xf32, #tpu.memory_space<hbm>> -> memref<602112x16xf32, #tpu.memory_space<hbm>>
    tpu.enqueue_indirect_dma source(%dma_start3A_86 : memref<602112x16xf32, #tpu.memory_space<hbm>>) target(%dma_start3A_80 : memref<128x16xf32, #tpu.memory_space<vmem>>) offsets(%dma_start3A_83 : memref<128xi32, #tpu.memory_space<vmem>>) semaphore(%arg11 : memref<!tpu.dma_semaphore, #tpu.memory_space<semaphore_mem>>)
    %dma_start3A_87 = arith.constant 0 : i32
    %dma_start3A_88 = arith.constant 0 : i32
    %dma_start3A_89 = arith.constant 384 : i32
    %dma_start3A_90 = arith.constant 0 : i32
    %dma_start3A_91 = tpu.memref_slice %arg7[%dma_start3A_88, %dma_start3A_89, %dma_start3A_90] : memref<2x1152x16xf32, #tpu.memory_space<vmem>> -> memref<1x128x16xf32, #tpu.memory_space<vmem>>
    %dma_start3A_92 = tpu.memref_squeeze %dma_start3A_91 : memref<1x128x16xf32, #tpu.memory_space<vmem>> -> memref<128x16xf32, #tpu.memory_space<vmem>>
    %dma_start3A_93 = arith.constant 384 : i32
    %dma_start3A_94 = tpu.memref_slice %arg6[%dma_start3A_87, %dma_start3A_93] : memref<2x1152xi32, #tpu.memory_space<vmem>> -> memref<1x128xi32, #tpu.memory_space<vmem>>
    %dma_start3A_95 = tpu.memref_squeeze %dma_start3A_94 : memref<1x128xi32, #tpu.memory_space<vmem>> -> memref<128xi32, #tpu.memory_space<vmem>>
    %dma_start3A_96 = arith.constant 0 : i32
    %dma_start3A_97 = arith.constant 0 : i32
    %dma_start3A_98 = tpu.memref_slice %arg2[%dma_start3A_96, %dma_start3A_97] : memref<602112x16xf32, #tpu.memory_space<hbm>> -> memref<602112x16xf32, #tpu.memory_space<hbm>>
    tpu.enqueue_indirect_dma source(%dma_start3A_98 : memref<602112x16xf32, #tpu.memory_space<hbm>>) target(%dma_start3A_92 : memref<128x16xf32, #tpu.memory_space<vmem>>) offsets(%dma_start3A_95 : memref<128xi32, #tpu.memory_space<vmem>>) semaphore(%arg11 : memref<!tpu.dma_semaphore, #tpu.memory_space<semaphore_mem>>)
    %dma_start3A_99 = arith.constant 0 : i32
    %dma_start3A_100 = arith.constant 0 : i32
    %dma_start3A_101 = arith.constant 512 : i32
    %dma_start3A_102 = arith.constant 0 : i32
    %dma_start3A_103 = tpu.memref_slice %arg7[%dma_start3A_100, %dma_start3A_101, %dma_start3A_102] : memref<2x1152x16xf32, #tpu.memory_space<vmem>> -> memref<1x128x16xf32, #tpu.memory_space<vmem>>
    %dma_start3A_104 = tpu.memref_squeeze %dma_start3A_103 : memref<1x128x16xf32, #tpu.memory_space<vmem>> -> memref<128x16xf32, #tpu.memory_space<vmem>>
    %dma_start3A_105 = arith.constant 512 : i32
    %dma_start3A_106 = tpu.memref_slice %arg6[%dma_start3A_99, %dma_start3A_105] : memref<2x1152xi32, #tpu.memory_space<vmem>> -> memref<1x128xi32, #tpu.memory_space<vmem>>
    %dma_start3A_107 = tpu.memref_squeeze %dma_start3A_106 : memref<1x128xi32, #tpu.memory_space<vmem>> -> memref<128xi32, #tpu.memory_space<vmem>>
    %dma_start3A_108 = arith.constant 0 : i32
    %dma_start3A_109 = arith.constant 0 : i32
    %dma_start3A_110 = tpu.memref_slice %arg2[%dma_start3A_108, %dma_start3A_109] : memref<602112x16xf32, #tpu.memory_space<hbm>> -> memref<602112x16xf32, #tpu.memory_space<hbm>>
    tpu.enqueue_indirect_dma source(%dma_start3A_110 : memref<602112x16xf32, #tpu.memory_space<hbm>>) target(%dma_start3A_104 : memref<128x16xf32, #tpu.memory_space<vmem>>) offsets(%dma_start3A_107 : memref<128xi32, #tpu.memory_space<vmem>>) semaphore(%arg11 : memref<!tpu.dma_semaphore, #tpu.memory_space<semaphore_mem>>)
    %dma_start3A_111 = arith.constant 0 : i32
    %dma_start3A_112 = arith.constant 0 : i32
    %dma_start3A_113 = arith.constant 640 : i32
    %dma_start3A_114 = arith.constant 0 : i32
    %dma_start3A_115 = tpu.memref_slice %arg7[%dma_start3A_112, %dma_start3A_113, %dma_start3A_114] : memref<2x1152x16xf32, #tpu.memory_space<vmem>> -> memref<1x128x16xf32, #tpu.memory_space<vmem>>
    %dma_start3A_116 = tpu.memref_squeeze %dma_start3A_115 : memref<1x128x16xf32, #tpu.memory_space<vmem>> -> memref<128x16xf32, #tpu.memory_space<vmem>>
    %dma_start3A_117 = arith.constant 640 : i32
    %dma_start3A_118 = tpu.memref_slice %arg6[%dma_start3A_111, %dma_start3A_117] : memref<2x1152xi32, #tpu.memory_space<vmem>> -> memref<1x128xi32, #tpu.memory_space<vmem>>
    %dma_start3A_119 = tpu.memref_squeeze %dma_start3A_118 : memref<1x128xi32, #tpu.memory_space<vmem>> -> memref<128xi32, #tpu.memory_space<vmem>>
    %dma_start3A_120 = arith.constant 0 : i32
    %dma_start3A_121 = arith.constant 0 : i32
    %dma_start3A_122 = tpu.memref_slice %arg2[%dma_start3A_120, %dma_start3A_121] : memref<602112x16xf32, #tpu.memory_space<hbm>> -> memref<602112x16xf32, #tpu.memory_space<hbm>>
    tpu.enqueue_indirect_dma source(%dma_start3A_122 : memref<602112x16xf32, #tpu.memory_space<hbm>>) target(%dma_start3A_116 : memref<128x16xf32, #tpu.memory_space<vmem>>) offsets(%dma_start3A_119 : memref<128xi32, #tpu.memory_space<vmem>>) semaphore(%arg11 : memref<!tpu.dma_semaphore, #tpu.memory_space<semaphore_mem>>)
    %dma_start3A_123 = arith.constant 0 : i32
    %dma_start3A_124 = arith.constant 0 : i32
    %dma_start3A_125 = arith.constant 768 : i32
    %dma_start3A_126 = arith.constant 0 : i32
    %dma_start3A_127 = tpu.memref_slice %arg7[%dma_start3A_124, %dma_start3A_125, %dma_start3A_126] : memref<2x1152x16xf32, #tpu.memory_space<vmem>> -> memref<1x128x16xf32, #tpu.memory_space<vmem>>
    %dma_start3A_128 = tpu.memref_squeeze %dma_start3A_127 : memref<1x128x16xf32, #tpu.memory_space<vmem>> -> memref<128x16xf32, #tpu.memory_space<vmem>>
    %dma_start3A_129 = arith.constant 768 : i32
    %dma_start3A_130 = tpu.memref_slice %arg6[%dma_start3A_123, %dma_start3A_129] : memref<2x1152xi32, #tpu.memory_space<vmem>> -> memref<1x128xi32, #tpu.memory_space<vmem>>
    %dma_start3A_131 = tpu.memref_squeeze %dma_start3A_130 : memref<1x128xi32, #tpu.memory_space<vmem>> -> memref<128xi32, #tpu.memory_space<vmem>>
    %dma_start3A_132 = arith.constant 0 : i32
    %dma_start3A_133 = arith.constant 0 : i32
    %dma_start3A_134 = tpu.memref_slice %arg2[%dma_start3A_132, %dma_start3A_133] : memref<602112x16xf32, #tpu.memory_space<hbm>> -> memref<602112x16xf32, #tpu.memory_space<hbm>>
    tpu.enqueue_indirect_dma source(%dma_start3A_134 : memref<602112x16xf32, #tpu.memory_space<hbm>>) target(%dma_start3A_128 : memref<128x16xf32, #tpu.memory_space<vmem>>) offsets(%dma_start3A_131 : memref<128xi32, #tpu.memory_space<vmem>>) semaphore(%arg11 : memref<!tpu.dma_semaphore, #tpu.memory_space<semaphore_mem>>)
    %dma_start3A_135 = arith.constant 0 : i32
    %dma_start3A_136 = arith.constant 0 : i32
    %dma_start3A_137 = arith.constant 896 : i32
    %dma_start3A_138 = arith.constant 0 : i32
    %dma_start3A_139 = tpu.memref_slice %arg7[%dma_start3A_136, %dma_start3A_137, %dma_start3A_138] : memref<2x1152x16xf32, #tpu.memory_space<vmem>> -> memref<1x128x16xf32, #tpu.memory_space<vmem>>
    %dma_start3A_140 = tpu.memref_squeeze %dma_start3A_139 : memref<1x128x16xf32, #tpu.memory_space<vmem>> -> memref<128x16xf32, #tpu.memory_space<vmem>>
    %dma_start3A_141 = arith.constant 896 : i32
    %dma_start3A_142 = tpu.memref_slice %arg6[%dma_start3A_135, %dma_start3A_141] : memref<2x1152xi32, #tpu.memory_space<vmem>> -> memref<1x128xi32, #tpu.memory_space<vmem>>
    %dma_start3A_143 = tpu.memref_squeeze %dma_start3A_142 : memref<1x128xi32, #tpu.memory_space<vmem>> -> memref<128xi32, #tpu.memory_space<vmem>>
    %dma_start3A_144 = arith.constant 0 : i32
    %dma_start3A_145 = arith.constant 0 : i32
    %dma_start3A_146 = tpu.memref_slice %arg2[%dma_start3A_144, %dma_start3A_145] : memref<602112x16xf32, #tpu.memory_space<hbm>> -> memref<602112x16xf32, #tpu.memory_space<hbm>>
    tpu.enqueue_indirect_dma source(%dma_start3A_146 : memref<602112x16xf32, #tpu.memory_space<hbm>>) target(%dma_start3A_140 : memref<128x16xf32, #tpu.memory_space<vmem>>) offsets(%dma_start3A_143 : memref<128xi32, #tpu.memory_space<vmem>>) semaphore(%arg11 : memref<!tpu.dma_semaphore, #tpu.memory_space<semaphore_mem>>)
    %dma_start3A_147 = arith.constant 0 : i32
    %dma_start3A_148 = arith.constant 0 : i32
    %dma_start3A_149 = arith.constant 1024 : i32
    %dma_start3A_150 = arith.constant 0 : i32
    %dma_start3A_151 = tpu.memref_slice %arg7[%dma_start3A_148, %dma_start3A_149, %dma_start3A_150] : memref<2x1152x16xf32, #tpu.memory_space<vmem>> -> memref<1x128x16xf32, #tpu.memory_space<vmem>>
    %dma_start3A_152 = tpu.memref_squeeze %dma_start3A_151 : memref<1x128x16xf32, #tpu.memory_space<vmem>> -> memref<128x16xf32, #tpu.memory_space<vmem>>
    %dma_start3A_153 = arith.constant 1024 : i32
    %dma_start3A_154 = tpu.memref_slice %arg6[%dma_start3A_147, %dma_start3A_153] : memref<2x1152xi32, #tpu.memory_space<vmem>> -> memref<1x128xi32, #tpu.memory_space<vmem>>
    %dma_start3A_155 = tpu.memref_squeeze %dma_start3A_154 : memref<1x128xi32, #tpu.memory_space<vmem>> -> memref<128xi32, #tpu.memory_space<vmem>>
    %dma_start3A_156 = arith.constant 0 : i32
    %dma_start3A_157 = arith.constant 0 : i32
    %dma_start3A_158 = tpu.memref_slice %arg2[%dma_start3A_156, %dma_start3A_157] : memref<602112x16xf32, #tpu.memory_space<hbm>> -> memref<602112x16xf32, #tpu.memory_space<hbm>>
    tpu.enqueue_indirect_dma source(%dma_start3A_158 : memref<602112x16xf32, #tpu.memory_space<hbm>>) target(%dma_start3A_152 : memref<128x16xf32, #tpu.memory_space<vmem>>) offsets(%dma_start3A_155 : memref<128xi32, #tpu.memory_space<vmem>>) semaphore(%arg11 : memref<!tpu.dma_semaphore, #tpu.memory_space<semaphore_mem>>)
    %mul3A_159 = arith.constant 18816 : i32
    %mul3A_160 = arith.muli %add3A, %mul3A_159 : i32
    %add3A_161 = arith.constant 128 : i32
    %add3A_162 = arith.addi %mul3A_160, %add3A_161 : i32
    %mul3A_163 = arith.constant 9 : i32
    %mul3A_164 = arith.muli %add3A_162, %mul3A_163 : i32
    %dma_start3A_165 = arith.constant 1 : i32
    %dma_start3A_166 = arith.constant 0 : i32
    %dma_start3A_167 = tpu.memref_slice %arg6[%dma_start3A_165, %dma_start3A_166] : memref<2x1152xi32, #tpu.memory_space<vmem>> -> memref<1x1152xi32, #tpu.memory_space<vmem>>
    %dma_start3A_168 = tpu.memref_squeeze %dma_start3A_167 : memref<1x1152xi32, #tpu.memory_space<vmem>> -> memref<1152xi32, #tpu.memory_space<vmem>>
    %dma_start3A_169 = tpu.memref_slice %arg3[%mul3A_164] : memref<5419008xi32, #tpu.memory_space<hbm>> -> memref<1152xi32, #tpu.memory_space<hbm>>
    %dma_start3A_170 = arith.constant 0 : i32
    %dma_start3A_171 = tpu.memref_slice %arg6[%dma_start3A_165, %dma_start3A_170] : memref<2x1152xi32, #tpu.memory_space<vmem>> -> memref<1x1152xi32, #tpu.memory_space<vmem>>
    %dma_start3A_172 = tpu.memref_squeeze %dma_start3A_171 : memref<1x1152xi32, #tpu.memory_space<vmem>> -> memref<1152xi32, #tpu.memory_space<vmem>>
    %dma_start3A_173 = tpu.memref_slice %arg3[%mul3A_164] : memref<5419008xi32, #tpu.memory_space<hbm>> -> memref<1152xi32, #tpu.memory_space<hbm>>
    tpu.enqueue_dma source(%dma_start3A_173 : memref<1152xi32, #tpu.memory_space<hbm>>) target(%dma_start3A_172 : memref<1152xi32, #tpu.memory_space<vmem>>) target_semaphore(%arg10 : memref<!tpu.dma_semaphore, #tpu.memory_space<semaphore_mem>>)
    %mul3A_174 = arith.constant 9 : i32
    %mul3A_175 = arith.muli %add3A_162, %mul3A_174 : i32
    %dma_start3A_176 = arith.constant 1 : i32
    %dma_start3A_177 = arith.constant 0 : i32
    %dma_start3A_178 = tpu.memref_slice %arg8[%dma_start3A_176, %dma_start3A_177] : memref<2x1168xf32, #tpu.memory_space<vmem>> -> memref<1x1152xf32, #tpu.memory_space<vmem>>
    %dma_start3A_179 = tpu.memref_squeeze %dma_start3A_178 : memref<1x1152xf32, #tpu.memory_space<vmem>> -> memref<1152xf32, #tpu.memory_space<vmem>>
    %dma_start3A_180 = tpu.memref_slice %arg4[%mul3A_175] : memref<5419008xf32, #tpu.memory_space<hbm>> -> memref<1152xf32, #tpu.memory_space<hbm>>
    %dma_start3A_181 = arith.constant 0 : i32
    %dma_start3A_182 = tpu.memref_slice %arg8[%dma_start3A_176, %dma_start3A_181] : memref<2x1168xf32, #tpu.memory_space<vmem>> -> memref<1x1152xf32, #tpu.memory_space<vmem>>
    %dma_start3A_183 = tpu.memref_squeeze %dma_start3A_182 : memref<1x1152xf32, #tpu.memory_space<vmem>> -> memref<1152xf32, #tpu.memory_space<vmem>>
    %dma_start3A_184 = tpu.memref_slice %arg4[%mul3A_175] : memref<5419008xf32, #tpu.memory_space<hbm>> -> memref<1152xf32, #tpu.memory_space<hbm>>
    tpu.enqueue_dma source(%dma_start3A_184 : memref<1152xf32, #tpu.memory_space<hbm>>) target(%dma_start3A_183 : memref<1152xf32, #tpu.memory_space<vmem>>) target_semaphore(%arg10 : memref<!tpu.dma_semaphore, #tpu.memory_space<semaphore_mem>>)
    %scan3A = arith.constant 0 : i32
    %scan3A_185 = arith.constant 0 : i32
    %scan3A_186 = arith.constant 147 : i32
    %scan3A_187 = arith.addi %scan3A_185, %scan3A_186 : i32
    %scan3A_188 = arith.constant 1 : i32
    %scan3A_189 = scf.for %scan3A_225 = %scan3A_185 to %scan3A_187 step %scan3A_188 iter_args(%scan3A_226 = %scan3A) -> (i32)  : i32 {
      %rem3A = arith.constant 2 : i32
      %rem3A_227 = arith.remsi %scan3A_225, %rem3A : i32
      %sub3A = arith.constant 1 : i32
      %sub3A_228 = arith.subi %sub3A, %rem3A_227 : i32
      %mul3A_229 = arith.constant 18816 : i32
      %mul3A_230 = arith.muli %add3A, %mul3A_229 : i32
      %mul3A_231 = arith.constant 128 : i32
      %mul3A_232 = arith.muli %scan3A_225, %mul3A_231 : i32
      %add3A_233 = arith.addi %mul3A_230, %mul3A_232 : i32
      %dma_wait3A_234 = arith.constant 0 : i32
      %dma_wait3A_235 = arith.constant 0 : i32
      %dma_wait3A_236 = tpu.memref_slice %arg7[%rem3A_227, %dma_wait3A_234, %dma_wait3A_235] : memref<2x1152x16xf32, #tpu.memory_space<vmem>> -> memref<1x128x16xf32, #tpu.memory_space<vmem>>
      %dma_wait3A_237 = tpu.memref_squeeze %dma_wait3A_236 : memref<1x128x16xf32, #tpu.memory_space<vmem>> -> memref<128x16xf32, #tpu.memory_space<vmem>>
      %dma_wait3A_238 = arith.constant 0 : i32
      %dma_wait3A_239 = tpu.memref_slice %arg6[%rem3A_227, %dma_wait3A_238] : memref<2x1152xi32, #tpu.memory_space<vmem>> -> memref<1x128xi32, #tpu.memory_space<vmem>>
      %dma_wait3A_240 = tpu.memref_squeeze %dma_wait3A_239 : memref<1x128xi32, #tpu.memory_space<vmem>> -> memref<128xi32, #tpu.memory_space<vmem>>
      %dma_wait3A_241 = arith.constant 0 : i32
      %dma_wait3A_242 = arith.constant 0 : i32
      %dma_wait3A_243 = tpu.memref_slice %arg2[%dma_wait3A_241, %dma_wait3A_242] : memref<602112x16xf32, #tpu.memory_space<hbm>> -> memref<602112x16xf32, #tpu.memory_space<hbm>>
      tpu.wait_indirect_dma semaphore(%arg11 : memref<!tpu.dma_semaphore, #tpu.memory_space<semaphore_mem>>) src(%dma_wait3A_243 : memref<602112x16xf32, #tpu.memory_space<hbm>>) dst(%dma_wait3A_237 : memref<128x16xf32, #tpu.memory_space<vmem>>)
      %dma_wait3A_244 = arith.constant 128 : i32
      %dma_wait3A_245 = arith.constant 0 : i32
      %dma_wait3A_246 = tpu.memref_slice %arg7[%rem3A_227, %dma_wait3A_244, %dma_wait3A_245] : memref<2x1152x16xf32, #tpu.memory_space<vmem>> -> memref<1x128x16xf32, #tpu.memory_space<vmem>>
      %dma_wait3A_247 = tpu.memref_squeeze %dma_wait3A_246 : memref<1x128x16xf32, #tpu.memory_space<vmem>> -> memref<128x16xf32, #tpu.memory_space<vmem>>
      %dma_wait3A_248 = arith.constant 128 : i32
      %dma_wait3A_249 = tpu.memref_slice %arg6[%rem3A_227, %dma_wait3A_248] : memref<2x1152xi32, #tpu.memory_space<vmem>> -> memref<1x128xi32, #tpu.memory_space<vmem>>
      %dma_wait3A_250 = tpu.memref_squeeze %dma_wait3A_249 : memref<1x128xi32, #tpu.memory_space<vmem>> -> memref<128xi32, #tpu.memory_space<vmem>>
      %dma_wait3A_251 = arith.constant 0 : i32
      %dma_wait3A_252 = arith.constant 0 : i32
      %dma_wait3A_253 = tpu.memref_slice %arg2[%dma_wait3A_251, %dma_wait3A_252] : memref<602112x16xf32, #tpu.memory_space<hbm>> -> memref<602112x16xf32, #tpu.memory_space<hbm>>
      tpu.wait_indirect_dma semaphore(%arg11 : memref<!tpu.dma_semaphore, #tpu.memory_space<semaphore_mem>>) src(%dma_wait3A_253 : memref<602112x16xf32, #tpu.memory_space<hbm>>) dst(%dma_wait3A_247 : memref<128x16xf32, #tpu.memory_space<vmem>>)
      %dma_wait3A_254 = arith.constant 256 : i32
      %dma_wait3A_255 = arith.constant 0 : i32
      %dma_wait3A_256 = tpu.memref_slice %arg7[%rem3A_227, %dma_wait3A_254, %dma_wait3A_255] : memref<2x1152x16xf32, #tpu.memory_space<vmem>> -> memref<1x128x16xf32, #tpu.memory_space<vmem>>
      %dma_wait3A_257 = tpu.memref_squeeze %dma_wait3A_256 : memref<1x128x16xf32, #tpu.memory_space<vmem>> -> memref<128x16xf32, #tpu.memory_space<vmem>>
      %dma_wait3A_258 = arith.constant 256 : i32
      %dma_wait3A_259 = tpu.memref_slice %arg6[%rem3A_227, %dma_wait3A_258] : memref<2x1152xi32, #tpu.memory_space<vmem>> -> memref<1x128xi32, #tpu.memory_space<vmem>>
      %dma_wait3A_260 = tpu.memref_squeeze %dma_wait3A_259 : memref<1x128xi32, #tpu.memory_space<vmem>> -> memref<128xi32, #tpu.memory_space<vmem>>
      %dma_wait3A_261 = arith.constant 0 : i32
      %dma_wait3A_262 = arith.constant 0 : i32
      %dma_wait3A_263 = tpu.memref_slice %arg2[%dma_wait3A_261, %dma_wait3A_262] : memref<602112x16xf32, #tpu.memory_space<hbm>> -> memref<602112x16xf32, #tpu.memory_space<hbm>>
      tpu.wait_indirect_dma semaphore(%arg11 : memref<!tpu.dma_semaphore, #tpu.memory_space<semaphore_mem>>) src(%dma_wait3A_263 : memref<602112x16xf32, #tpu.memory_space<hbm>>) dst(%dma_wait3A_257 : memref<128x16xf32, #tpu.memory_space<vmem>>)
      %dma_wait3A_264 = arith.constant 384 : i32
      %dma_wait3A_265 = arith.constant 0 : i32
      %dma_wait3A_266 = tpu.memref_slice %arg7[%rem3A_227, %dma_wait3A_264, %dma_wait3A_265] : memref<2x1152x16xf32, #tpu.memory_space<vmem>> -> memref<1x128x16xf32, #tpu.memory_space<vmem>>
      %dma_wait3A_267 = tpu.memref_squeeze %dma_wait3A_266 : memref<1x128x16xf32, #tpu.memory_space<vmem>> -> memref<128x16xf32, #tpu.memory_space<vmem>>
      %dma_wait3A_268 = arith.constant 384 : i32
      %dma_wait3A_269 = tpu.memref_slice %arg6[%rem3A_227, %dma_wait3A_268] : memref<2x1152xi32, #tpu.memory_space<vmem>> -> memref<1x128xi32, #tpu.memory_space<vmem>>
      %dma_wait3A_270 = tpu.memref_squeeze %dma_wait3A_269 : memref<1x128xi32, #tpu.memory_space<vmem>> -> memref<128xi32, #tpu.memory_space<vmem>>
      %dma_wait3A_271 = arith.constant 0 : i32
      %dma_wait3A_272 = arith.constant 0 : i32
      %dma_wait3A_273 = tpu.memref_slice %arg2[%dma_wait3A_271, %dma_wait3A_272] : memref<602112x16xf32, #tpu.memory_space<hbm>> -> memref<602112x16xf32, #tpu.memory_space<hbm>>
      tpu.wait_indirect_dma semaphore(%arg11 : memref<!tpu.dma_semaphore, #tpu.memory_space<semaphore_mem>>) src(%dma_wait3A_273 : memref<602112x16xf32, #tpu.memory_space<hbm>>) dst(%dma_wait3A_267 : memref<128x16xf32, #tpu.memory_space<vmem>>)
      %dma_wait3A_274 = arith.constant 512 : i32
      %dma_wait3A_275 = arith.constant 0 : i32
      %dma_wait3A_276 = tpu.memref_slice %arg7[%rem3A_227, %dma_wait3A_274, %dma_wait3A_275] : memref<2x1152x16xf32, #tpu.memory_space<vmem>> -> memref<1x128x16xf32, #tpu.memory_space<vmem>>
      %dma_wait3A_277 = tpu.memref_squeeze %dma_wait3A_276 : memref<1x128x16xf32, #tpu.memory_space<vmem>> -> memref<128x16xf32, #tpu.memory_space<vmem>>
      %dma_wait3A_278 = arith.constant 512 : i32
      %dma_wait3A_279 = tpu.memref_slice %arg6[%rem3A_227, %dma_wait3A_278] : memref<2x1152xi32, #tpu.memory_space<vmem>> -> memref<1x128xi32, #tpu.memory_space<vmem>>
      %dma_wait3A_280 = tpu.memref_squeeze %dma_wait3A_279 : memref<1x128xi32, #tpu.memory_space<vmem>> -> memref<128xi32, #tpu.memory_space<vmem>>
      %dma_wait3A_281 = arith.constant 0 : i32
      %dma_wait3A_282 = arith.constant 0 : i32
      %dma_wait3A_283 = tpu.memref_slice %arg2[%dma_wait3A_281, %dma_wait3A_282] : memref<602112x16xf32, #tpu.memory_space<hbm>> -> memref<602112x16xf32, #tpu.memory_space<hbm>>
      tpu.wait_indirect_dma semaphore(%arg11 : memref<!tpu.dma_semaphore, #tpu.memory_space<semaphore_mem>>) src(%dma_wait3A_283 : memref<602112x16xf32, #tpu.memory_space<hbm>>) dst(%dma_wait3A_277 : memref<128x16xf32, #tpu.memory_space<vmem>>)
      %dma_wait3A_284 = arith.constant 640 : i32
      %dma_wait3A_285 = arith.constant 0 : i32
      %dma_wait3A_286 = tpu.memref_slice %arg7[%rem3A_227, %dma_wait3A_284, %dma_wait3A_285] : memref<2x1152x16xf32, #tpu.memory_space<vmem>> -> memref<1x128x16xf32, #tpu.memory_space<vmem>>
      %dma_wait3A_287 = tpu.memref_squeeze %dma_wait3A_286 : memref<1x128x16xf32, #tpu.memory_space<vmem>> -> memref<128x16xf32, #tpu.memory_space<vmem>>
      %dma_wait3A_288 = arith.constant 640 : i32
      %dma_wait3A_289 = tpu.memref_slice %arg6[%rem3A_227, %dma_wait3A_288] : memref<2x1152xi32, #tpu.memory_space<vmem>> -> memref<1x128xi32, #tpu.memory_space<vmem>>
      %dma_wait3A_290 = tpu.memref_squeeze %dma_wait3A_289 : memref<1x128xi32, #tpu.memory_space<vmem>> -> memref<128xi32, #tpu.memory_space<vmem>>
      %dma_wait3A_291 = arith.constant 0 : i32
      %dma_wait3A_292 = arith.constant 0 : i32
      %dma_wait3A_293 = tpu.memref_slice %arg2[%dma_wait3A_291, %dma_wait3A_292] : memref<602112x16xf32, #tpu.memory_space<hbm>> -> memref<602112x16xf32, #tpu.memory_space<hbm>>
      tpu.wait_indirect_dma semaphore(%arg11 : memref<!tpu.dma_semaphore, #tpu.memory_space<semaphore_mem>>) src(%dma_wait3A_293 : memref<602112x16xf32, #tpu.memory_space<hbm>>) dst(%dma_wait3A_287 : memref<128x16xf32, #tpu.memory_space<vmem>>)
      %dma_wait3A_294 = arith.constant 768 : i32
      %dma_wait3A_295 = arith.constant 0 : i32
      %dma_wait3A_296 = tpu.memref_slice %arg7[%rem3A_227, %dma_wait3A_294, %dma_wait3A_295] : memref<2x1152x16xf32, #tpu.memory_space<vmem>> -> memref<1x128x16xf32, #tpu.memory_space<vmem>>
      %dma_wait3A_297 = tpu.memref_squeeze %dma_wait3A_296 : memref<1x128x16xf32, #tpu.memory_space<vmem>> -> memref<128x16xf32, #tpu.memory_space<vmem>>
      %dma_wait3A_298 = arith.constant 768 : i32
      %dma_wait3A_299 = tpu.memref_slice %arg6[%rem3A_227, %dma_wait3A_298] : memref<2x1152xi32, #tpu.memory_space<vmem>> -> memref<1x128xi32, #tpu.memory_space<vmem>>
      %dma_wait3A_300 = tpu.memref_squeeze %dma_wait3A_299 : memref<1x128xi32, #tpu.memory_space<vmem>> -> memref<128xi32, #tpu.memory_space<vmem>>
      %dma_wait3A_301 = arith.constant 0 : i32
      %dma_wait3A_302 = arith.constant 0 : i32
      %dma_wait3A_303 = tpu.memref_slice %arg2[%dma_wait3A_301, %dma_wait3A_302] : memref<602112x16xf32, #tpu.memory_space<hbm>> -> memref<602112x16xf32, #tpu.memory_space<hbm>>
      tpu.wait_indirect_dma semaphore(%arg11 : memref<!tpu.dma_semaphore, #tpu.memory_space<semaphore_mem>>) src(%dma_wait3A_303 : memref<602112x16xf32, #tpu.memory_space<hbm>>) dst(%dma_wait3A_297 : memref<128x16xf32, #tpu.memory_space<vmem>>)
      %dma_wait3A_304 = arith.constant 896 : i32
      %dma_wait3A_305 = arith.constant 0 : i32
      %dma_wait3A_306 = tpu.memref_slice %arg7[%rem3A_227, %dma_wait3A_304, %dma_wait3A_305] : memref<2x1152x16xf32, #tpu.memory_space<vmem>> -> memref<1x128x16xf32, #tpu.memory_space<vmem>>
      %dma_wait3A_307 = tpu.memref_squeeze %dma_wait3A_306 : memref<1x128x16xf32, #tpu.memory_space<vmem>> -> memref<128x16xf32, #tpu.memory_space<vmem>>
      %dma_wait3A_308 = arith.constant 896 : i32
      %dma_wait3A_309 = tpu.memref_slice %arg6[%rem3A_227, %dma_wait3A_308] : memref<2x1152xi32, #tpu.memory_space<vmem>> -> memref<1x128xi32, #tpu.memory_space<vmem>>
      %dma_wait3A_310 = tpu.memref_squeeze %dma_wait3A_309 : memref<1x128xi32, #tpu.memory_space<vmem>> -> memref<128xi32, #tpu.memory_space<vmem>>
      %dma_wait3A_311 = arith.constant 0 : i32
      %dma_wait3A_312 = arith.constant 0 : i32
      %dma_wait3A_313 = tpu.memref_slice %arg2[%dma_wait3A_311, %dma_wait3A_312] : memref<602112x16xf32, #tpu.memory_space<hbm>> -> memref<602112x16xf32, #tpu.memory_space<hbm>>
      tpu.wait_indirect_dma semaphore(%arg11 : memref<!tpu.dma_semaphore, #tpu.memory_space<semaphore_mem>>) src(%dma_wait3A_313 : memref<602112x16xf32, #tpu.memory_space<hbm>>) dst(%dma_wait3A_307 : memref<128x16xf32, #tpu.memory_space<vmem>>)
      %dma_wait3A_314 = arith.constant 1024 : i32
      %dma_wait3A_315 = arith.constant 0 : i32
      %dma_wait3A_316 = tpu.memref_slice %arg7[%rem3A_227, %dma_wait3A_314, %dma_wait3A_315] : memref<2x1152x16xf32, #tpu.memory_space<vmem>> -> memref<1x128x16xf32, #tpu.memory_space<vmem>>
      %dma_wait3A_317 = tpu.memref_squeeze %dma_wait3A_316 : memref<1x128x16xf32, #tpu.memory_space<vmem>> -> memref<128x16xf32, #tpu.memory_space<vmem>>
      %dma_wait3A_318 = arith.constant 1024 : i32
      %dma_wait3A_319 = tpu.memref_slice %arg6[%rem3A_227, %dma_wait3A_318] : memref<2x1152xi32, #tpu.memory_space<vmem>> -> memref<1x128xi32, #tpu.memory_space<vmem>>
      %dma_wait3A_320 = tpu.memref_squeeze %dma_wait3A_319 : memref<1x128xi32, #tpu.memory_space<vmem>> -> memref<128xi32, #tpu.memory_space<vmem>>
      %dma_wait3A_321 = arith.constant 0 : i32
      %dma_wait3A_322 = arith.constant 0 : i32
      %dma_wait3A_323 = tpu.memref_slice %arg2[%dma_wait3A_321, %dma_wait3A_322] : memref<602112x16xf32, #tpu.memory_space<hbm>> -> memref<602112x16xf32, #tpu.memory_space<hbm>>
      tpu.wait_indirect_dma semaphore(%arg11 : memref<!tpu.dma_semaphore, #tpu.memory_space<semaphore_mem>>) src(%dma_wait3A_323 : memref<602112x16xf32, #tpu.memory_space<hbm>>) dst(%dma_wait3A_317 : memref<128x16xf32, #tpu.memory_space<vmem>>)
      %add3A_324 = arith.constant 1 : i32
      %add3A_325 = arith.addi %scan3A_225, %add3A_324 : i32
      %lt3A = arith.constant 147 : i32
      %lt3A_326 = arith.cmpi slt, %add3A_325, %lt3A : i32
      %convert_element_type3A = arith.extui %lt3A_326 : i1 to i32
      %cond3A = arith.constant 0 : i32
      %cond3A_327 = arith.cmpi ne, %convert_element_type3A, %cond3A : i32
      scf.if %cond3A_327 {
        %add3A_359 = arith.constant 1 : i32
        %add3A_360 = arith.addi %scan3A_225, %add3A_359 : i32
        %mul3A_361 = arith.constant 18816 : i32
        %mul3A_362 = arith.muli %add3A, %mul3A_361 : i32
        %mul3A_363 = arith.constant 128 : i32
        %mul3A_364 = arith.muli %add3A_360, %mul3A_363 : i32
        %add3A_365 = arith.addi %mul3A_362, %mul3A_364 : i32
        %mul3A_366 = arith.constant 9 : i32
        %mul3A_367 = arith.muli %add3A_365, %mul3A_366 : i32
        %dma_wait3A_368 = arith.constant 0 : i32
        %dma_wait3A_369 = tpu.memref_slice %arg6[%sub3A_228, %dma_wait3A_368] : memref<2x1152xi32, #tpu.memory_space<vmem>> -> memref<1x1152xi32, #tpu.memory_space<vmem>>
        %dma_wait3A_370 = tpu.memref_squeeze %dma_wait3A_369 : memref<1x1152xi32, #tpu.memory_space<vmem>> -> memref<1152xi32, #tpu.memory_space<vmem>>
        %dma_wait3A_371 = tpu.memref_slice %arg3[%mul3A_367] : memref<5419008xi32, #tpu.memory_space<hbm>> -> memref<1152xi32, #tpu.memory_space<hbm>>
        %dma_wait3A_372 = arith.constant 0 : i32
        %dma_wait3A_373 = tpu.memref_slice %arg6[%sub3A_228, %dma_wait3A_372] : memref<2x1152xi32, #tpu.memory_space<vmem>> -> memref<1x1152xi32, #tpu.memory_space<vmem>>
        %dma_wait3A_374 = tpu.memref_squeeze %dma_wait3A_373 : memref<1x1152xi32, #tpu.memory_space<vmem>> -> memref<1152xi32, #tpu.memory_space<vmem>>
        %dma_wait3A_375 = tpu.memref_slice %arg3[%mul3A_367] : memref<5419008xi32, #tpu.memory_space<hbm>> -> memref<1152xi32, #tpu.memory_space<hbm>>
        tpu.wait_dma2 semaphore(%arg10 : memref<!tpu.dma_semaphore, #tpu.memory_space<semaphore_mem>>) src(%dma_wait3A_375 : memref<1152xi32, #tpu.memory_space<hbm>>) dst(%dma_wait3A_374 : memref<1152xi32, #tpu.memory_space<vmem>>)
        %mul3A_376 = arith.constant 9 : i32
        %mul3A_377 = arith.muli %add3A_365, %mul3A_376 : i32
        %dma_wait3A_378 = arith.constant 0 : i32
        %dma_wait3A_379 = tpu.memref_slice %arg8[%sub3A_228, %dma_wait3A_378] : memref<2x1168xf32, #tpu.memory_space<vmem>> -> memref<1x1152xf32, #tpu.memory_space<vmem>>
        %dma_wait3A_380 = tpu.memref_squeeze %dma_wait3A_379 : memref<1x1152xf32, #tpu.memory_space<vmem>> -> memref<1152xf32, #tpu.memory_space<vmem>>
        %dma_wait3A_381 = tpu.memref_slice %arg4[%mul3A_377] : memref<5419008xf32, #tpu.memory_space<hbm>> -> memref<1152xf32, #tpu.memory_space<hbm>>
        %dma_wait3A_382 = arith.constant 0 : i32
        %dma_wait3A_383 = tpu.memref_slice %arg8[%sub3A_228, %dma_wait3A_382] : memref<2x1168xf32, #tpu.memory_space<vmem>> -> memref<1x1152xf32, #tpu.memory_space<vmem>>
        %dma_wait3A_384 = tpu.memref_squeeze %dma_wait3A_383 : memref<1x1152xf32, #tpu.memory_space<vmem>> -> memref<1152xf32, #tpu.memory_space<vmem>>
        %dma_wait3A_385 = tpu.memref_slice %arg4[%mul3A_377] : memref<5419008xf32, #tpu.memory_space<hbm>> -> memref<1152xf32, #tpu.memory_space<hbm>>
        tpu.wait_dma2 semaphore(%arg10 : memref<!tpu.dma_semaphore, #tpu.memory_space<semaphore_mem>>) src(%dma_wait3A_385 : memref<1152xf32, #tpu.memory_space<hbm>>) dst(%dma_wait3A_384 : memref<1152xf32, #tpu.memory_space<vmem>>)
        %dma_start3A_386 = arith.constant 0 : i32
        %dma_start3A_387 = arith.constant 0 : i32
        %dma_start3A_388 = tpu.memref_slice %arg7[%sub3A_228, %dma_start3A_386, %dma_start3A_387] : memref<2x1152x16xf32, #tpu.memory_space<vmem>> -> memref<1x128x16xf32, #tpu.memory_space<vmem>>
        %dma_start3A_389 = tpu.memref_squeeze %dma_start3A_388 : memref<1x128x16xf32, #tpu.memory_space<vmem>> -> memref<128x16xf32, #tpu.memory_space<vmem>>
        %dma_start3A_390 = arith.constant 0 : i32
        %dma_start3A_391 = tpu.memref_slice %arg6[%sub3A_228, %dma_start3A_390] : memref<2x1152xi32, #tpu.memory_space<vmem>> -> memref<1x128xi32, #tpu.memory_space<vmem>>
        %dma_start3A_392 = tpu.memref_squeeze %dma_start3A_391 : memref<1x128xi32, #tpu.memory_space<vmem>> -> memref<128xi32, #tpu.memory_space<vmem>>
        %dma_start3A_393 = arith.constant 0 : i32
        %dma_start3A_394 = arith.constant 0 : i32
        %dma_start3A_395 = tpu.memref_slice %arg2[%dma_start3A_393, %dma_start3A_394] : memref<602112x16xf32, #tpu.memory_space<hbm>> -> memref<602112x16xf32, #tpu.memory_space<hbm>>
        tpu.enqueue_indirect_dma source(%dma_start3A_395 : memref<602112x16xf32, #tpu.memory_space<hbm>>) target(%dma_start3A_389 : memref<128x16xf32, #tpu.memory_space<vmem>>) offsets(%dma_start3A_392 : memref<128xi32, #tpu.memory_space<vmem>>) semaphore(%arg11 : memref<!tpu.dma_semaphore, #tpu.memory_space<semaphore_mem>>)
        %dma_start3A_396 = arith.constant 128 : i32
        %dma_start3A_397 = arith.constant 0 : i32
        %dma_start3A_398 = tpu.memref_slice %arg7[%sub3A_228, %dma_start3A_396, %dma_start3A_397] : memref<2x1152x16xf32, #tpu.memory_space<vmem>> -> memref<1x128x16xf32, #tpu.memory_space<vmem>>
        %dma_start3A_399 = tpu.memref_squeeze %dma_start3A_398 : memref<1x128x16xf32, #tpu.memory_space<vmem>> -> memref<128x16xf32, #tpu.memory_space<vmem>>
        %dma_start3A_400 = arith.constant 128 : i32
        %dma_start3A_401 = tpu.memref_slice %arg6[%sub3A_228, %dma_start3A_400] : memref<2x1152xi32, #tpu.memory_space<vmem>> -> memref<1x128xi32, #tpu.memory_space<vmem>>
        %dma_start3A_402 = tpu.memref_squeeze %dma_start3A_401 : memref<1x128xi32, #tpu.memory_space<vmem>> -> memref<128xi32, #tpu.memory_space<vmem>>
        %dma_start3A_403 = arith.constant 0 : i32
        %dma_start3A_404 = arith.constant 0 : i32
        %dma_start3A_405 = tpu.memref_slice %arg2[%dma_start3A_403, %dma_start3A_404] : memref<602112x16xf32, #tpu.memory_space<hbm>> -> memref<602112x16xf32, #tpu.memory_space<hbm>>
        tpu.enqueue_indirect_dma source(%dma_start3A_405 : memref<602112x16xf32, #tpu.memory_space<hbm>>) target(%dma_start3A_399 : memref<128x16xf32, #tpu.memory_space<vmem>>) offsets(%dma_start3A_402 : memref<128xi32, #tpu.memory_space<vmem>>) semaphore(%arg11 : memref<!tpu.dma_semaphore, #tpu.memory_space<semaphore_mem>>)
        %dma_start3A_406 = arith.constant 256 : i32
        %dma_start3A_407 = arith.constant 0 : i32
        %dma_start3A_408 = tpu.memref_slice %arg7[%sub3A_228, %dma_start3A_406, %dma_start3A_407] : memref<2x1152x16xf32, #tpu.memory_space<vmem>> -> memref<1x128x16xf32, #tpu.memory_space<vmem>>
        %dma_start3A_409 = tpu.memref_squeeze %dma_start3A_408 : memref<1x128x16xf32, #tpu.memory_space<vmem>> -> memref<128x16xf32, #tpu.memory_space<vmem>>
        %dma_start3A_410 = arith.constant 256 : i32
        %dma_start3A_411 = tpu.memref_slice %arg6[%sub3A_228, %dma_start3A_410] : memref<2x1152xi32, #tpu.memory_space<vmem>> -> memref<1x128xi32, #tpu.memory_space<vmem>>
        %dma_start3A_412 = tpu.memref_squeeze %dma_start3A_411 : memref<1x128xi32, #tpu.memory_space<vmem>> -> memref<128xi32, #tpu.memory_space<vmem>>
        %dma_start3A_413 = arith.constant 0 : i32
        %dma_start3A_414 = arith.constant 0 : i32
        %dma_start3A_415 = tpu.memref_slice %arg2[%dma_start3A_413, %dma_start3A_414] : memref<602112x16xf32, #tpu.memory_space<hbm>> -> memref<602112x16xf32, #tpu.memory_space<hbm>>
        tpu.enqueue_indirect_dma source(%dma_start3A_415 : memref<602112x16xf32, #tpu.memory_space<hbm>>) target(%dma_start3A_409 : memref<128x16xf32, #tpu.memory_space<vmem>>) offsets(%dma_start3A_412 : memref<128xi32, #tpu.memory_space<vmem>>) semaphore(%arg11 : memref<!tpu.dma_semaphore, #tpu.memory_space<semaphore_mem>>)
        %dma_start3A_416 = arith.constant 384 : i32
        %dma_start3A_417 = arith.constant 0 : i32
        %dma_start3A_418 = tpu.memref_slice %arg7[%sub3A_228, %dma_start3A_416, %dma_start3A_417] : memref<2x1152x16xf32, #tpu.memory_space<vmem>> -> memref<1x128x16xf32, #tpu.memory_space<vmem>>
        %dma_start3A_419 = tpu.memref_squeeze %dma_start3A_418 : memref<1x128x16xf32, #tpu.memory_space<vmem>> -> memref<128x16xf32, #tpu.memory_space<vmem>>
        %dma_start3A_420 = arith.constant 384 : i32
        %dma_start3A_421 = tpu.memref_slice %arg6[%sub3A_228, %dma_start3A_420] : memref<2x1152xi32, #tpu.memory_space<vmem>> -> memref<1x128xi32, #tpu.memory_space<vmem>>
        %dma_start3A_422 = tpu.memref_squeeze %dma_start3A_421 : memref<1x128xi32, #tpu.memory_space<vmem>> -> memref<128xi32, #tpu.memory_space<vmem>>
        %dma_start3A_423 = arith.constant 0 : i32
        %dma_start3A_424 = arith.constant 0 : i32
        %dma_start3A_425 = tpu.memref_slice %arg2[%dma_start3A_423, %dma_start3A_424] : memref<602112x16xf32, #tpu.memory_space<hbm>> -> memref<602112x16xf32, #tpu.memory_space<hbm>>
        tpu.enqueue_indirect_dma source(%dma_start3A_425 : memref<602112x16xf32, #tpu.memory_space<hbm>>) target(%dma_start3A_419 : memref<128x16xf32, #tpu.memory_space<vmem>>) offsets(%dma_start3A_422 : memref<128xi32, #tpu.memory_space<vmem>>) semaphore(%arg11 : memref<!tpu.dma_semaphore, #tpu.memory_space<semaphore_mem>>)
        %dma_start3A_426 = arith.constant 512 : i32
        %dma_start3A_427 = arith.constant 0 : i32
        %dma_start3A_428 = tpu.memref_slice %arg7[%sub3A_228, %dma_start3A_426, %dma_start3A_427] : memref<2x1152x16xf32, #tpu.memory_space<vmem>> -> memref<1x128x16xf32, #tpu.memory_space<vmem>>
        %dma_start3A_429 = tpu.memref_squeeze %dma_start3A_428 : memref<1x128x16xf32, #tpu.memory_space<vmem>> -> memref<128x16xf32, #tpu.memory_space<vmem>>
        %dma_start3A_430 = arith.constant 512 : i32
        %dma_start3A_431 = tpu.memref_slice %arg6[%sub3A_228, %dma_start3A_430] : memref<2x1152xi32, #tpu.memory_space<vmem>> -> memref<1x128xi32, #tpu.memory_space<vmem>>
        %dma_start3A_432 = tpu.memref_squeeze %dma_start3A_431 : memref<1x128xi32, #tpu.memory_space<vmem>> -> memref<128xi32, #tpu.memory_space<vmem>>
        %dma_start3A_433 = arith.constant 0 : i32
        %dma_start3A_434 = arith.constant 0 : i32
        %dma_start3A_435 = tpu.memref_slice %arg2[%dma_start3A_433, %dma_start3A_434] : memref<602112x16xf32, #tpu.memory_space<hbm>> -> memref<602112x16xf32, #tpu.memory_space<hbm>>
        tpu.enqueue_indirect_dma source(%dma_start3A_435 : memref<602112x16xf32, #tpu.memory_space<hbm>>) target(%dma_start3A_429 : memref<128x16xf32, #tpu.memory_space<vmem>>) offsets(%dma_start3A_432 : memref<128xi32, #tpu.memory_space<vmem>>) semaphore(%arg11 : memref<!tpu.dma_semaphore, #tpu.memory_space<semaphore_mem>>)
        %dma_start3A_436 = arith.constant 640 : i32
        %dma_start3A_437 = arith.constant 0 : i32
        %dma_start3A_438 = tpu.memref_slice %arg7[%sub3A_228, %dma_start3A_436, %dma_start3A_437] : memref<2x1152x16xf32, #tpu.memory_space<vmem>> -> memref<1x128x16xf32, #tpu.memory_space<vmem>>
        %dma_start3A_439 = tpu.memref_squeeze %dma_start3A_438 : memref<1x128x16xf32, #tpu.memory_space<vmem>> -> memref<128x16xf32, #tpu.memory_space<vmem>>
        %dma_start3A_440 = arith.constant 640 : i32
        %dma_start3A_441 = tpu.memref_slice %arg6[%sub3A_228, %dma_start3A_440] : memref<2x1152xi32, #tpu.memory_space<vmem>> -> memref<1x128xi32, #tpu.memory_space<vmem>>
        %dma_start3A_442 = tpu.memref_squeeze %dma_start3A_441 : memref<1x128xi32, #tpu.memory_space<vmem>> -> memref<128xi32, #tpu.memory_space<vmem>>
        %dma_start3A_443 = arith.constant 0 : i32
        %dma_start3A_444 = arith.constant 0 : i32
        %dma_start3A_445 = tpu.memref_slice %arg2[%dma_start3A_443, %dma_start3A_444] : memref<602112x16xf32, #tpu.memory_space<hbm>> -> memref<602112x16xf32, #tpu.memory_space<hbm>>
        tpu.enqueue_indirect_dma source(%dma_start3A_445 : memref<602112x16xf32, #tpu.memory_space<hbm>>) target(%dma_start3A_439 : memref<128x16xf32, #tpu.memory_space<vmem>>) offsets(%dma_start3A_442 : memref<128xi32, #tpu.memory_space<vmem>>) semaphore(%arg11 : memref<!tpu.dma_semaphore, #tpu.memory_space<semaphore_mem>>)
        %dma_start3A_446 = arith.constant 768 : i32
        %dma_start3A_447 = arith.constant 0 : i32
        %dma_start3A_448 = tpu.memref_slice %arg7[%sub3A_228, %dma_start3A_446, %dma_start3A_447] : memref<2x1152x16xf32, #tpu.memory_space<vmem>> -> memref<1x128x16xf32, #tpu.memory_space<vmem>>
        %dma_start3A_449 = tpu.memref_squeeze %dma_start3A_448 : memref<1x128x16xf32, #tpu.memory_space<vmem>> -> memref<128x16xf32, #tpu.memory_space<vmem>>
        %dma_start3A_450 = arith.constant 768 : i32
        %dma_start3A_451 = tpu.memref_slice %arg6[%sub3A_228, %dma_start3A_450] : memref<2x1152xi32, #tpu.memory_space<vmem>> -> memref<1x128xi32, #tpu.memory_space<vmem>>
        %dma_start3A_452 = tpu.memref_squeeze %dma_start3A_451 : memref<1x128xi32, #tpu.memory_space<vmem>> -> memref<128xi32, #tpu.memory_space<vmem>>
        %dma_start3A_453 = arith.constant 0 : i32
        %dma_start3A_454 = arith.constant 0 : i32
        %dma_start3A_455 = tpu.memref_slice %arg2[%dma_start3A_453, %dma_start3A_454] : memref<602112x16xf32, #tpu.memory_space<hbm>> -> memref<602112x16xf32, #tpu.memory_space<hbm>>
        tpu.enqueue_indirect_dma source(%dma_start3A_455 : memref<602112x16xf32, #tpu.memory_space<hbm>>) target(%dma_start3A_449 : memref<128x16xf32, #tpu.memory_space<vmem>>) offsets(%dma_start3A_452 : memref<128xi32, #tpu.memory_space<vmem>>) semaphore(%arg11 : memref<!tpu.dma_semaphore, #tpu.memory_space<semaphore_mem>>)
        %dma_start3A_456 = arith.constant 896 : i32
        %dma_start3A_457 = arith.constant 0 : i32
        %dma_start3A_458 = tpu.memref_slice %arg7[%sub3A_228, %dma_start3A_456, %dma_start3A_457] : memref<2x1152x16xf32, #tpu.memory_space<vmem>> -> memref<1x128x16xf32, #tpu.memory_space<vmem>>
        %dma_start3A_459 = tpu.memref_squeeze %dma_start3A_458 : memref<1x128x16xf32, #tpu.memory_space<vmem>> -> memref<128x16xf32, #tpu.memory_space<vmem>>
        %dma_start3A_460 = arith.constant 896 : i32
        %dma_start3A_461 = tpu.memref_slice %arg6[%sub3A_228, %dma_start3A_460] : memref<2x1152xi32, #tpu.memory_space<vmem>> -> memref<1x128xi32, #tpu.memory_space<vmem>>
        %dma_start3A_462 = tpu.memref_squeeze %dma_start3A_461 : memref<1x128xi32, #tpu.memory_space<vmem>> -> memref<128xi32, #tpu.memory_space<vmem>>
        %dma_start3A_463 = arith.constant 0 : i32
        %dma_start3A_464 = arith.constant 0 : i32
        %dma_start3A_465 = tpu.memref_slice %arg2[%dma_start3A_463, %dma_start3A_464] : memref<602112x16xf32, #tpu.memory_space<hbm>> -> memref<602112x16xf32, #tpu.memory_space<hbm>>
        tpu.enqueue_indirect_dma source(%dma_start3A_465 : memref<602112x16xf32, #tpu.memory_space<hbm>>) target(%dma_start3A_459 : memref<128x16xf32, #tpu.memory_space<vmem>>) offsets(%dma_start3A_462 : memref<128xi32, #tpu.memory_space<vmem>>) semaphore(%arg11 : memref<!tpu.dma_semaphore, #tpu.memory_space<semaphore_mem>>)
        %dma_start3A_466 = arith.constant 1024 : i32
        %dma_start3A_467 = arith.constant 0 : i32
        %dma_start3A_468 = tpu.memref_slice %arg7[%sub3A_228, %dma_start3A_466, %dma_start3A_467] : memref<2x1152x16xf32, #tpu.memory_space<vmem>> -> memref<1x128x16xf32, #tpu.memory_space<vmem>>
        %dma_start3A_469 = tpu.memref_squeeze %dma_start3A_468 : memref<1x128x16xf32, #tpu.memory_space<vmem>> -> memref<128x16xf32, #tpu.memory_space<vmem>>
        %dma_start3A_470 = arith.constant 1024 : i32
        %dma_start3A_471 = tpu.memref_slice %arg6[%sub3A_228, %dma_start3A_470] : memref<2x1152xi32, #tpu.memory_space<vmem>> -> memref<1x128xi32, #tpu.memory_space<vmem>>
        %dma_start3A_472 = tpu.memref_squeeze %dma_start3A_471 : memref<1x128xi32, #tpu.memory_space<vmem>> -> memref<128xi32, #tpu.memory_space<vmem>>
        %dma_start3A_473 = arith.constant 0 : i32
        %dma_start3A_474 = arith.constant 0 : i32
        %dma_start3A_475 = tpu.memref_slice %arg2[%dma_start3A_473, %dma_start3A_474] : memref<602112x16xf32, #tpu.memory_space<hbm>> -> memref<602112x16xf32, #tpu.memory_space<hbm>>
        tpu.enqueue_indirect_dma source(%dma_start3A_475 : memref<602112x16xf32, #tpu.memory_space<hbm>>) target(%dma_start3A_469 : memref<128x16xf32, #tpu.memory_space<vmem>>) offsets(%dma_start3A_472 : memref<128xi32, #tpu.memory_space<vmem>>) semaphore(%arg11 : memref<!tpu.dma_semaphore, #tpu.memory_space<semaphore_mem>>)
      } else {
      }
      %ge3A = arith.constant 2 : i32
      %ge3A_328 = arith.cmpi sge, %scan3A_225, %ge3A : i32
      %convert_element_type3A_329 = arith.extui %ge3A_328 : i1 to i32
      %cond3A_330 = arith.constant 0 : i32
      %cond3A_331 = arith.cmpi ne, %convert_element_type3A_329, %cond3A_330 : i32
      scf.if %cond3A_331 {
        %sub3A_359 = arith.constant 256 : i32
        %sub3A_360 = arith.subi %add3A_233, %sub3A_359 : i32
        %dma_wait3A_361 = arith.constant 0 : i32
        %dma_wait3A_362 = arith.constant 0 : i32
        %dma_wait3A_363 = tpu.memref_slice %arg9[%rem3A_227, %dma_wait3A_361, %dma_wait3A_362] : memref<2x128x16xf32, #tpu.memory_space<vmem>> -> memref<1x128x16xf32, #tpu.memory_space<vmem>>
        %dma_wait3A_364 = tpu.memref_squeeze %dma_wait3A_363 : memref<1x128x16xf32, #tpu.memory_space<vmem>> -> memref<128x16xf32, #tpu.memory_space<vmem>>
        %dma_wait3A_365 = arith.constant 0 : i32
        %dma_wait3A_366 = tpu.memref_slice %arg5[%sub3A_360, %dma_wait3A_365] : memref<602112x16xf32, #tpu.memory_space<hbm>> -> memref<128x16xf32, #tpu.memory_space<hbm>>
        %dma_wait3A_367 = arith.constant 0 : i32
        %dma_wait3A_368 = tpu.memref_slice %arg5[%sub3A_360, %dma_wait3A_367] : memref<602112x16xf32, #tpu.memory_space<hbm>> -> memref<128x16xf32, #tpu.memory_space<hbm>>
        %dma_wait3A_369 = arith.constant 0 : i32
        %dma_wait3A_370 = arith.constant 0 : i32
        %dma_wait3A_371 = tpu.memref_slice %arg9[%rem3A_227, %dma_wait3A_369, %dma_wait3A_370] : memref<2x128x16xf32, #tpu.memory_space<vmem>> -> memref<1x128x16xf32, #tpu.memory_space<vmem>>
        %dma_wait3A_372 = tpu.memref_squeeze %dma_wait3A_371 : memref<1x128x16xf32, #tpu.memory_space<vmem>> -> memref<128x16xf32, #tpu.memory_space<vmem>>
        tpu.wait_dma2 semaphore(%arg12 : memref<!tpu.dma_semaphore, #tpu.memory_space<semaphore_mem>>) src(%dma_wait3A_372 : memref<128x16xf32, #tpu.memory_space<vmem>>) dst(%dma_wait3A_368 : memref<128x16xf32, #tpu.memory_space<hbm>>)
      } else {
      }
      %scan3A_332 = arith.constant 0 : i32
      %scan3A_333 = arith.constant 0 : i32
      %scan3A_334 = arith.constant 128 : i32
      %scan3A_335 = arith.addi %scan3A_333, %scan3A_334 : i32
      %scan3A_336 = arith.constant 2 : i32
      %scan3A_337 = scf.for %scan3A_359 = %scan3A_333 to %scan3A_335 step %scan3A_336 iter_args(%scan3A_360 = %scan3A_332) -> (i32)  : i32 {
        %mul3A_361 = arith.constant 9 : i32
        %mul3A_362 = arith.muli %scan3A_359, %mul3A_361 : i32
        %add3A_363 = vector.broadcast %mul3A_362 : i32 to vector<16xi32>
        %add3A_364 = arith.addi %add3A_363, %iota3A : vector<16xi32>
        %gather3A = arith.constant 0 : i32
        %gather3A_365 = tpu.memref_slice %arg8[%rem3A_227, %gather3A] : memref<2x1168xf32, #tpu.memory_space<vmem>> -> memref<1x1168xf32, #tpu.memory_space<vmem>>
        %gather3A_366 = tpu.memref_squeeze %gather3A_365 : memref<1x1168xf32, #tpu.memory_space<vmem>> -> memref<1168xf32, #tpu.memory_space<vmem>>
        %gather3A_367 = tpu.vector_load_idx %gather3A_366[%add3A_364] : memref<1168xf32, #tpu.memory_space<vmem>>[vector<16xi32>], vector<16xf32>,
        %broadcast_in_dim3A = arith.constant 0.000000e+00 : f32
        %broadcast_in_dim3A_368 = vector.broadcast %broadcast_in_dim3A : f32 to vector<16xf32>
        %mul3A_369 = arith.constant 9 : i32
        %mul3A_370 = arith.muli %scan3A_359, %mul3A_369 : i32
        %add3A_371 = arith.constant 0 : i32
        %add3A_372 = arith.addi %mul3A_370, %add3A_371 : i32
        %get3A = arith.index_cast %rem3A_227 : i32 to index
        %get3A_373 = arith.index_cast %add3A_372 : i32 to index
        %get3A_374 = arith.constant 0 : index
        %get3A_375 = tpu.vector_load %arg7[%get3A, %get3A_373, %get3A_374] {strides = array<i32>} : memref<2x1152x16xf32, #tpu.memory_space<vmem>>, vector<16xf32>,
        %broadcast_in_dim3A_376 = arith.constant 0 : i32
        %broadcast_in_dim3A_377 = vector.broadcast %broadcast_in_dim3A_376 : i32 to vector<16x1xi32>
        %gather3A_378 = vector.shape_cast %broadcast_in_dim3A_377 : vector<16x1xi32> to vector<16xi32>
        %gather3A_379 = tpu.dynamic_gather %gather3A_367[%gather3A_378] in [0] : vector<16xf32>, vector<16xi32> -> vector<16xf32>
        %mul3A_380 = arith.mulf %get3A_375, %gather3A_379 : vector<16xf32>
        %add3A_381 = arith.addf %broadcast_in_dim3A_368, %mul3A_380 : vector<16xf32>
        %mul3A_382 = arith.constant 9 : i32
        %mul3A_383 = arith.muli %scan3A_359, %mul3A_382 : i32
        %add3A_384 = arith.constant 1 : i32
        %add3A_385 = arith.addi %mul3A_383, %add3A_384 : i32
        %get3A_386 = arith.index_cast %rem3A_227 : i32 to index
        %get3A_387 = arith.index_cast %add3A_385 : i32 to index
        %get3A_388 = arith.constant 0 : index
        %get3A_389 = tpu.vector_load %arg7[%get3A_386, %get3A_387, %get3A_388] {strides = array<i32>} : memref<2x1152x16xf32, #tpu.memory_space<vmem>>, vector<16xf32>,
        %broadcast_in_dim3A_390 = arith.constant 1 : i32
        %broadcast_in_dim3A_391 = vector.broadcast %broadcast_in_dim3A_390 : i32 to vector<16x1xi32>
        %gather3A_392 = vector.shape_cast %broadcast_in_dim3A_391 : vector<16x1xi32> to vector<16xi32>
        %gather3A_393 = tpu.dynamic_gather %gather3A_367[%gather3A_392] in [0] : vector<16xf32>, vector<16xi32> -> vector<16xf32>
        %mul3A_394 = arith.mulf %get3A_389, %gather3A_393 : vector<16xf32>
        %add3A_395 = arith.addf %add3A_381, %mul3A_394 : vector<16xf32>
        %mul3A_396 = arith.constant 9 : i32
        %mul3A_397 = arith.muli %scan3A_359, %mul3A_396 : i32
        %add3A_398 = arith.constant 2 : i32
        %add3A_399 = arith.addi %mul3A_397, %add3A_398 : i32
        %get3A_400 = arith.index_cast %rem3A_227 : i32 to index
        %get3A_401 = arith.index_cast %add3A_399 : i32 to index
        %get3A_402 = arith.constant 0 : index
        %get3A_403 = tpu.vector_load %arg7[%get3A_400, %get3A_401, %get3A_402] {strides = array<i32>} : memref<2x1152x16xf32, #tpu.memory_space<vmem>>, vector<16xf32>,
        %broadcast_in_dim3A_404 = arith.constant 2 : i32
        %broadcast_in_dim3A_405 = vector.broadcast %broadcast_in_dim3A_404 : i32 to vector<16x1xi32>
        %gather3A_406 = vector.shape_cast %broadcast_in_dim3A_405 : vector<16x1xi32> to vector<16xi32>
        %gather3A_407 = tpu.dynamic_gather %gather3A_367[%gather3A_406] in [0] : vector<16xf32>, vector<16xi32> -> vector<16xf32>
        %mul3A_408 = arith.mulf %get3A_403, %gather3A_407 : vector<16xf32>
        %add3A_409 = arith.addf %add3A_395, %mul3A_408 : vector<16xf32>
        %mul3A_410 = arith.constant 9 : i32
        %mul3A_411 = arith.muli %scan3A_359, %mul3A_410 : i32
        %add3A_412 = arith.constant 3 : i32
        %add3A_413 = arith.addi %mul3A_411, %add3A_412 : i32
        %get3A_414 = arith.index_cast %rem3A_227 : i32 to index
        %get3A_415 = arith.index_cast %add3A_413 : i32 to index
        %get3A_416 = arith.constant 0 : index
        %get3A_417 = tpu.vector_load %arg7[%get3A_414, %get3A_415, %get3A_416] {strides = array<i32>} : memref<2x1152x16xf32, #tpu.memory_space<vmem>>, vector<16xf32>,
        %broadcast_in_dim3A_418 = arith.constant 3 : i32
        %broadcast_in_dim3A_419 = vector.broadcast %broadcast_in_dim3A_418 : i32 to vector<16x1xi32>
        %gather3A_420 = vector.shape_cast %broadcast_in_dim3A_419 : vector<16x1xi32> to vector<16xi32>
        %gather3A_421 = tpu.dynamic_gather %gather3A_367[%gather3A_420] in [0] : vector<16xf32>, vector<16xi32> -> vector<16xf32>
        %mul3A_422 = arith.mulf %get3A_417, %gather3A_421 : vector<16xf32>
        %add3A_423 = arith.addf %add3A_409, %mul3A_422 : vector<16xf32>
        %mul3A_424 = arith.constant 9 : i32
        %mul3A_425 = arith.muli %scan3A_359, %mul3A_424 : i32
        %add3A_426 = arith.constant 4 : i32
        %add3A_427 = arith.addi %mul3A_425, %add3A_426 : i32
        %get3A_428 = arith.index_cast %rem3A_227 : i32 to index
        %get3A_429 = arith.index_cast %add3A_427 : i32 to index
        %get3A_430 = arith.constant 0 : index
        %get3A_431 = tpu.vector_load %arg7[%get3A_428, %get3A_429, %get3A_430] {strides = array<i32>} : memref<2x1152x16xf32, #tpu.memory_space<vmem>>, vector<16xf32>,
        %broadcast_in_dim3A_432 = arith.constant 4 : i32
        %broadcast_in_dim3A_433 = vector.broadcast %broadcast_in_dim3A_432 : i32 to vector<16x1xi32>
        %gather3A_434 = vector.shape_cast %broadcast_in_dim3A_433 : vector<16x1xi32> to vector<16xi32>
        %gather3A_435 = tpu.dynamic_gather %gather3A_367[%gather3A_434] in [0] : vector<16xf32>, vector<16xi32> -> vector<16xf32>
        %mul3A_436 = arith.mulf %get3A_431, %gather3A_435 : vector<16xf32>
        %add3A_437 = arith.addf %add3A_423, %mul3A_436 : vector<16xf32>
        %mul3A_438 = arith.constant 9 : i32
        %mul3A_439 = arith.muli %scan3A_359, %mul3A_438 : i32
        %add3A_440 = arith.constant 5 : i32
        %add3A_441 = arith.addi %mul3A_439, %add3A_440 : i32
        %get3A_442 = arith.index_cast %rem3A_227 : i32 to index
        %get3A_443 = arith.index_cast %add3A_441 : i32 to index
        %get3A_444 = arith.constant 0 : index
        %get3A_445 = tpu.vector_load %arg7[%get3A_442, %get3A_443, %get3A_444] {strides = array<i32>} : memref<2x1152x16xf32, #tpu.memory_space<vmem>>, vector<16xf32>,
        %broadcast_in_dim3A_446 = arith.constant 5 : i32
        %broadcast_in_dim3A_447 = vector.broadcast %broadcast_in_dim3A_446 : i32 to vector<16x1xi32>
        %gather3A_448 = vector.shape_cast %broadcast_in_dim3A_447 : vector<16x1xi32> to vector<16xi32>
        %gather3A_449 = tpu.dynamic_gather %gather3A_367[%gather3A_448] in [0] : vector<16xf32>, vector<16xi32> -> vector<16xf32>
        %mul3A_450 = arith.mulf %get3A_445, %gather3A_449 : vector<16xf32>
        %add3A_451 = arith.addf %add3A_437, %mul3A_450 : vector<16xf32>
        %mul3A_452 = arith.constant 9 : i32
        %mul3A_453 = arith.muli %scan3A_359, %mul3A_452 : i32
        %add3A_454 = arith.constant 6 : i32
        %add3A_455 = arith.addi %mul3A_453, %add3A_454 : i32
        %get3A_456 = arith.index_cast %rem3A_227 : i32 to index
        %get3A_457 = arith.index_cast %add3A_455 : i32 to index
        %get3A_458 = arith.constant 0 : index
        %get3A_459 = tpu.vector_load %arg7[%get3A_456, %get3A_457, %get3A_458] {strides = array<i32>} : memref<2x1152x16xf32, #tpu.memory_space<vmem>>, vector<16xf32>,
        %broadcast_in_dim3A_460 = arith.constant 6 : i32
        %broadcast_in_dim3A_461 = vector.broadcast %broadcast_in_dim3A_460 : i32 to vector<16x1xi32>
        %gather3A_462 = vector.shape_cast %broadcast_in_dim3A_461 : vector<16x1xi32> to vector<16xi32>
        %gather3A_463 = tpu.dynamic_gather %gather3A_367[%gather3A_462] in [0] : vector<16xf32>, vector<16xi32> -> vector<16xf32>
        %mul3A_464 = arith.mulf %get3A_459, %gather3A_463 : vector<16xf32>
        %add3A_465 = arith.addf %add3A_451, %mul3A_464 : vector<16xf32>
        %mul3A_466 = arith.constant 9 : i32
        %mul3A_467 = arith.muli %scan3A_359, %mul3A_466 : i32
        %add3A_468 = arith.constant 7 : i32
        %add3A_469 = arith.addi %mul3A_467, %add3A_468 : i32
        %get3A_470 = arith.index_cast %rem3A_227 : i32 to index
        %get3A_471 = arith.index_cast %add3A_469 : i32 to index
        %get3A_472 = arith.constant 0 : index
        %get3A_473 = tpu.vector_load %arg7[%get3A_470, %get3A_471, %get3A_472] {strides = array<i32>} : memref<2x1152x16xf32, #tpu.memory_space<vmem>>, vector<16xf32>,
        %broadcast_in_dim3A_474 = arith.constant 7 : i32
        %broadcast_in_dim3A_475 = vector.broadcast %broadcast_in_dim3A_474 : i32 to vector<16x1xi32>
        %gather3A_476 = vector.shape_cast %broadcast_in_dim3A_475 : vector<16x1xi32> to vector<16xi32>
        %gather3A_477 = tpu.dynamic_gather %gather3A_367[%gather3A_476] in [0] : vector<16xf32>, vector<16xi32> -> vector<16xf32>
        %mul3A_478 = arith.mulf %get3A_473, %gather3A_477 : vector<16xf32>
        %add3A_479 = arith.addf %add3A_465, %mul3A_478 : vector<16xf32>
        %mul3A_480 = arith.constant 9 : i32
        %mul3A_481 = arith.muli %scan3A_359, %mul3A_480 : i32
        %add3A_482 = arith.constant 8 : i32
        %add3A_483 = arith.addi %mul3A_481, %add3A_482 : i32
        %get3A_484 = arith.index_cast %rem3A_227 : i32 to index
        %get3A_485 = arith.index_cast %add3A_483 : i32 to index
        %get3A_486 = arith.constant 0 : index
        %get3A_487 = tpu.vector_load %arg7[%get3A_484, %get3A_485, %get3A_486] {strides = array<i32>} : memref<2x1152x16xf32, #tpu.memory_space<vmem>>, vector<16xf32>,
        %broadcast_in_dim3A_488 = arith.constant 8 : i32
        %broadcast_in_dim3A_489 = vector.broadcast %broadcast_in_dim3A_488 : i32 to vector<16x1xi32>
        %gather3A_490 = vector.shape_cast %broadcast_in_dim3A_489 : vector<16x1xi32> to vector<16xi32>
        %gather3A_491 = tpu.dynamic_gather %gather3A_367[%gather3A_490] in [0] : vector<16xf32>, vector<16xi32> -> vector<16xf32>
        %mul3A_492 = arith.mulf %get3A_487, %gather3A_491 : vector<16xf32>
        %add3A_493 = arith.addf %add3A_479, %mul3A_492 : vector<16xf32>
        %swap3A = arith.index_cast %rem3A_227 : i32 to index
        %swap3A_494 = arith.index_cast %scan3A_359 : i32 to index
        %swap3A_495 = arith.constant 0 : index
        %swap3A_496 = tpu.vector_load %arg9[%swap3A, %swap3A_494, %swap3A_495] {strides = array<i32>} : memref<2x128x16xf32, #tpu.memory_space<vmem>>, vector<16xf32>,
        tpu.vector_store %arg9[%swap3A, %swap3A_494, %swap3A_495], %add3A_493 {strides = array<i32>} : memref<2x128x16xf32, #tpu.memory_space<vmem>>, vector<16xf32>,
        %scan3A_497 = arith.constant 0 : i32
        %scan3A_498 = arith.constant 1 : i32
        %scan3A_499 = arith.addi %scan3A_359, %scan3A_498 : i32
        %mul3A_500 = arith.constant 9 : i32
        %mul3A_501 = arith.muli %scan3A_499, %mul3A_500 : i32
        %add3A_502 = vector.broadcast %mul3A_501 : i32 to vector<16xi32>
        %add3A_503 = arith.addi %add3A_502, %iota3A : vector<16xi32>
        %gather3A_504 = arith.constant 0 : i32
        %gather3A_505 = tpu.memref_slice %arg8[%rem3A_227, %gather3A_504] : memref<2x1168xf32, #tpu.memory_space<vmem>> -> memref<1x1168xf32, #tpu.memory_space<vmem>>
        %gather3A_506 = tpu.memref_squeeze %gather3A_505 : memref<1x1168xf32, #tpu.memory_space<vmem>> -> memref<1168xf32, #tpu.memory_space<vmem>>
        %gather3A_507 = tpu.vector_load_idx %gather3A_506[%add3A_503] : memref<1168xf32, #tpu.memory_space<vmem>>[vector<16xi32>], vector<16xf32>,
        %broadcast_in_dim3A_508 = arith.constant 0.000000e+00 : f32
        %broadcast_in_dim3A_509 = vector.broadcast %broadcast_in_dim3A_508 : f32 to vector<16xf32>
        %mul3A_510 = arith.constant 9 : i32
        %mul3A_511 = arith.muli %scan3A_499, %mul3A_510 : i32
        %add3A_512 = arith.constant 0 : i32
        %add3A_513 = arith.addi %mul3A_511, %add3A_512 : i32
        %get3A_514 = arith.index_cast %rem3A_227 : i32 to index
        %get3A_515 = arith.index_cast %add3A_513 : i32 to index
        %get3A_516 = arith.constant 0 : index
        %get3A_517 = tpu.vector_load %arg7[%get3A_514, %get3A_515, %get3A_516] {strides = array<i32>} : memref<2x1152x16xf32, #tpu.memory_space<vmem>>, vector<16xf32>,
        %broadcast_in_dim3A_518 = arith.constant 0 : i32
        %broadcast_in_dim3A_519 = vector.broadcast %broadcast_in_dim3A_518 : i32 to vector<16x1xi32>
        %gather3A_520 = vector.shape_cast %broadcast_in_dim3A_519 : vector<16x1xi32> to vector<16xi32>
        %gather3A_521 = tpu.dynamic_gather %gather3A_507[%gather3A_520] in [0] : vector<16xf32>, vector<16xi32> -> vector<16xf32>
        %mul3A_522 = arith.mulf %get3A_517, %gather3A_521 : vector<16xf32>
        %add3A_523 = arith.addf %broadcast_in_dim3A_509, %mul3A_522 : vector<16xf32>
        %mul3A_524 = arith.constant 9 : i32
        %mul3A_525 = arith.muli %scan3A_499, %mul3A_524 : i32
        %add3A_526 = arith.constant 1 : i32
        %add3A_527 = arith.addi %mul3A_525, %add3A_526 : i32
        %get3A_528 = arith.index_cast %rem3A_227 : i32 to index
        %get3A_529 = arith.index_cast %add3A_527 : i32 to index
        %get3A_530 = arith.constant 0 : index
        %get3A_531 = tpu.vector_load %arg7[%get3A_528, %get3A_529, %get3A_530] {strides = array<i32>} : memref<2x1152x16xf32, #tpu.memory_space<vmem>>, vector<16xf32>,
        %broadcast_in_dim3A_532 = arith.constant 1 : i32
        %broadcast_in_dim3A_533 = vector.broadcast %broadcast_in_dim3A_532 : i32 to vector<16x1xi32>
        %gather3A_534 = vector.shape_cast %broadcast_in_dim3A_533 : vector<16x1xi32> to vector<16xi32>
        %gather3A_535 = tpu.dynamic_gather %gather3A_507[%gather3A_534] in [0] : vector<16xf32>, vector<16xi32> -> vector<16xf32>
        %mul3A_536 = arith.mulf %get3A_531, %gather3A_535 : vector<16xf32>
        %add3A_537 = arith.addf %add3A_523, %mul3A_536 : vector<16xf32>
        %mul3A_538 = arith.constant 9 : i32
        %mul3A_539 = arith.muli %scan3A_499, %mul3A_538 : i32
        %add3A_540 = arith.constant 2 : i32
        %add3A_541 = arith.addi %mul3A_539, %add3A_540 : i32
        %get3A_542 = arith.index_cast %rem3A_227 : i32 to index
        %get3A_543 = arith.index_cast %add3A_541 : i32 to index
        %get3A_544 = arith.constant 0 : index
        %get3A_545 = tpu.vector_load %arg7[%get3A_542, %get3A_543, %get3A_544] {strides = array<i32>} : memref<2x1152x16xf32, #tpu.memory_space<vmem>>, vector<16xf32>,
        %broadcast_in_dim3A_546 = arith.constant 2 : i32
        %broadcast_in_dim3A_547 = vector.broadcast %broadcast_in_dim3A_546 : i32 to vector<16x1xi32>
        %gather3A_548 = vector.shape_cast %broadcast_in_dim3A_547 : vector<16x1xi32> to vector<16xi32>
        %gather3A_549 = tpu.dynamic_gather %gather3A_507[%gather3A_548] in [0] : vector<16xf32>, vector<16xi32> -> vector<16xf32>
        %mul3A_550 = arith.mulf %get3A_545, %gather3A_549 : vector<16xf32>
        %add3A_551 = arith.addf %add3A_537, %mul3A_550 : vector<16xf32>
        %mul3A_552 = arith.constant 9 : i32
        %mul3A_553 = arith.muli %scan3A_499, %mul3A_552 : i32
        %add3A_554 = arith.constant 3 : i32
        %add3A_555 = arith.addi %mul3A_553, %add3A_554 : i32
        %get3A_556 = arith.index_cast %rem3A_227 : i32 to index
        %get3A_557 = arith.index_cast %add3A_555 : i32 to index
        %get3A_558 = arith.constant 0 : index
        %get3A_559 = tpu.vector_load %arg7[%get3A_556, %get3A_557, %get3A_558] {strides = array<i32>} : memref<2x1152x16xf32, #tpu.memory_space<vmem>>, vector<16xf32>,
        %broadcast_in_dim3A_560 = arith.constant 3 : i32
        %broadcast_in_dim3A_561 = vector.broadcast %broadcast_in_dim3A_560 : i32 to vector<16x1xi32>
        %gather3A_562 = vector.shape_cast %broadcast_in_dim3A_561 : vector<16x1xi32> to vector<16xi32>
        %gather3A_563 = tpu.dynamic_gather %gather3A_507[%gather3A_562] in [0] : vector<16xf32>, vector<16xi32> -> vector<16xf32>
        %mul3A_564 = arith.mulf %get3A_559, %gather3A_563 : vector<16xf32>
        %add3A_565 = arith.addf %add3A_551, %mul3A_564 : vector<16xf32>
        %mul3A_566 = arith.constant 9 : i32
        %mul3A_567 = arith.muli %scan3A_499, %mul3A_566 : i32
        %add3A_568 = arith.constant 4 : i32
        %add3A_569 = arith.addi %mul3A_567, %add3A_568 : i32
        %get3A_570 = arith.index_cast %rem3A_227 : i32 to index
        %get3A_571 = arith.index_cast %add3A_569 : i32 to index
        %get3A_572 = arith.constant 0 : index
        %get3A_573 = tpu.vector_load %arg7[%get3A_570, %get3A_571, %get3A_572] {strides = array<i32>} : memref<2x1152x16xf32, #tpu.memory_space<vmem>>, vector<16xf32>,
        %broadcast_in_dim3A_574 = arith.constant 4 : i32
        %broadcast_in_dim3A_575 = vector.broadcast %broadcast_in_dim3A_574 : i32 to vector<16x1xi32>
        %gather3A_576 = vector.shape_cast %broadcast_in_dim3A_575 : vector<16x1xi32> to vector<16xi32>
        %gather3A_577 = tpu.dynamic_gather %gather3A_507[%gather3A_576] in [0] : vector<16xf32>, vector<16xi32> -> vector<16xf32>
        %mul3A_578 = arith.mulf %get3A_573, %gather3A_577 : vector<16xf32>
        %add3A_579 = arith.addf %add3A_565, %mul3A_578 : vector<16xf32>
        %mul3A_580 = arith.constant 9 : i32
        %mul3A_581 = arith.muli %scan3A_499, %mul3A_580 : i32
        %add3A_582 = arith.constant 5 : i32
        %add3A_583 = arith.addi %mul3A_581, %add3A_582 : i32
        %get3A_584 = arith.index_cast %rem3A_227 : i32 to index
        %get3A_585 = arith.index_cast %add3A_583 : i32 to index
        %get3A_586 = arith.constant 0 : index
        %get3A_587 = tpu.vector_load %arg7[%get3A_584, %get3A_585, %get3A_586] {strides = array<i32>} : memref<2x1152x16xf32, #tpu.memory_space<vmem>>, vector<16xf32>,
        %broadcast_in_dim3A_588 = arith.constant 5 : i32
        %broadcast_in_dim3A_589 = vector.broadcast %broadcast_in_dim3A_588 : i32 to vector<16x1xi32>
        %gather3A_590 = vector.shape_cast %broadcast_in_dim3A_589 : vector<16x1xi32> to vector<16xi32>
        %gather3A_591 = tpu.dynamic_gather %gather3A_507[%gather3A_590] in [0] : vector<16xf32>, vector<16xi32> -> vector<16xf32>
        %mul3A_592 = arith.mulf %get3A_587, %gather3A_591 : vector<16xf32>
        %add3A_593 = arith.addf %add3A_579, %mul3A_592 : vector<16xf32>
        %mul3A_594 = arith.constant 9 : i32
        %mul3A_595 = arith.muli %scan3A_499, %mul3A_594 : i32
        %add3A_596 = arith.constant 6 : i32
        %add3A_597 = arith.addi %mul3A_595, %add3A_596 : i32
        %get3A_598 = arith.index_cast %rem3A_227 : i32 to index
        %get3A_599 = arith.index_cast %add3A_597 : i32 to index
        %get3A_600 = arith.constant 0 : index
        %get3A_601 = tpu.vector_load %arg7[%get3A_598, %get3A_599, %get3A_600] {strides = array<i32>} : memref<2x1152x16xf32, #tpu.memory_space<vmem>>, vector<16xf32>,
        %broadcast_in_dim3A_602 = arith.constant 6 : i32
        %broadcast_in_dim3A_603 = vector.broadcast %broadcast_in_dim3A_602 : i32 to vector<16x1xi32>
        %gather3A_604 = vector.shape_cast %broadcast_in_dim3A_603 : vector<16x1xi32> to vector<16xi32>
        %gather3A_605 = tpu.dynamic_gather %gather3A_507[%gather3A_604] in [0] : vector<16xf32>, vector<16xi32> -> vector<16xf32>
        %mul3A_606 = arith.mulf %get3A_601, %gather3A_605 : vector<16xf32>
        %add3A_607 = arith.addf %add3A_593, %mul3A_606 : vector<16xf32>
        %mul3A_608 = arith.constant 9 : i32
        %mul3A_609 = arith.muli %scan3A_499, %mul3A_608 : i32
        %add3A_610 = arith.constant 7 : i32
        %add3A_611 = arith.addi %mul3A_609, %add3A_610 : i32
        %get3A_612 = arith.index_cast %rem3A_227 : i32 to index
        %get3A_613 = arith.index_cast %add3A_611 : i32 to index
        %get3A_614 = arith.constant 0 : index
        %get3A_615 = tpu.vector_load %arg7[%get3A_612, %get3A_613, %get3A_614] {strides = array<i32>} : memref<2x1152x16xf32, #tpu.memory_space<vmem>>, vector<16xf32>,
        %broadcast_in_dim3A_616 = arith.constant 7 : i32
        %broadcast_in_dim3A_617 = vector.broadcast %broadcast_in_dim3A_616 : i32 to vector<16x1xi32>
        %gather3A_618 = vector.shape_cast %broadcast_in_dim3A_617 : vector<16x1xi32> to vector<16xi32>
        %gather3A_619 = tpu.dynamic_gather %gather3A_507[%gather3A_618] in [0] : vector<16xf32>, vector<16xi32> -> vector<16xf32>
        %mul3A_620 = arith.mulf %get3A_615, %gather3A_619 : vector<16xf32>
        %add3A_621 = arith.addf %add3A_607, %mul3A_620 : vector<16xf32>
        %mul3A_622 = arith.constant 9 : i32
        %mul3A_623 = arith.muli %scan3A_499, %mul3A_622 : i32
        %add3A_624 = arith.constant 8 : i32
        %add3A_625 = arith.addi %mul3A_623, %add3A_624 : i32
        %get3A_626 = arith.index_cast %rem3A_227 : i32 to index
        %get3A_627 = arith.index_cast %add3A_625 : i32 to index
        %get3A_628 = arith.constant 0 : index
        %get3A_629 = tpu.vector_load %arg7[%get3A_626, %get3A_627, %get3A_628] {strides = array<i32>} : memref<2x1152x16xf32, #tpu.memory_space<vmem>>, vector<16xf32>,
        %broadcast_in_dim3A_630 = arith.constant 8 : i32
        %broadcast_in_dim3A_631 = vector.broadcast %broadcast_in_dim3A_630 : i32 to vector<16x1xi32>
        %gather3A_632 = vector.shape_cast %broadcast_in_dim3A_631 : vector<16x1xi32> to vector<16xi32>
        %gather3A_633 = tpu.dynamic_gather %gather3A_507[%gather3A_632] in [0] : vector<16xf32>, vector<16xi32> -> vector<16xf32>
        %mul3A_634 = arith.mulf %get3A_629, %gather3A_633 : vector<16xf32>
        %add3A_635 = arith.addf %add3A_621, %mul3A_634 : vector<16xf32>
        %swap3A_636 = arith.index_cast %rem3A_227 : i32 to index
        %swap3A_637 = arith.index_cast %scan3A_499 : i32 to index
        %swap3A_638 = arith.constant 0 : index
        %swap3A_639 = tpu.vector_load %arg9[%swap3A_636, %swap3A_637, %swap3A_638] {strides = array<i32>} : memref<2x128x16xf32, #tpu.memory_space<vmem>>, vector<16xf32>,
        tpu.vector_store %arg9[%swap3A_636, %swap3A_637, %swap3A_638], %add3A_635 {strides = array<i32>} : memref<2x128x16xf32, #tpu.memory_space<vmem>>, vector<16xf32>,
        %scan3A_640 = arith.constant 0 : i32
        scf.yield %scan3A_640 : i32
      }
      %scan3A_338 = arith.constant 128 : i32
      %dma_start3A_339 = arith.constant 0 : i32
      %dma_start3A_340 = arith.constant 0 : i32
      %dma_start3A_341 = tpu.memref_slice %arg9[%rem3A_227, %dma_start3A_339, %dma_start3A_340] : memref<2x128x16xf32, #tpu.memory_space<vmem>> -> memref<1x128x16xf32, #tpu.memory_space<vmem>>
      %dma_start3A_342 = tpu.memref_squeeze %dma_start3A_341 : memref<1x128x16xf32, #tpu.memory_space<vmem>> -> memref<128x16xf32, #tpu.memory_space<vmem>>
      %dma_start3A_343 = arith.constant 0 : i32
      %dma_start3A_344 = tpu.memref_slice %arg5[%add3A_233, %dma_start3A_343] : memref<602112x16xf32, #tpu.memory_space<hbm>> -> memref<128x16xf32, #tpu.memory_space<hbm>>
      %dma_start3A_345 = arith.constant 0 : i32
      %dma_start3A_346 = tpu.memref_slice %arg5[%add3A_233, %dma_start3A_345] : memref<602112x16xf32, #tpu.memory_space<hbm>> -> memref<128x16xf32, #tpu.memory_space<hbm>>
      %dma_start3A_347 = arith.constant 0 : i32
      %dma_start3A_348 = arith.constant 0 : i32
      %dma_start3A_349 = tpu.memref_slice %arg9[%rem3A_227, %dma_start3A_347, %dma_start3A_348] : memref<2x128x16xf32, #tpu.memory_space<vmem>> -> memref<1x128x16xf32, #tpu.memory_space<vmem>>
      %dma_start3A_350 = tpu.memref_squeeze %dma_start3A_349 : memref<1x128x16xf32, #tpu.memory_space<vmem>> -> memref<128x16xf32, #tpu.memory_space<vmem>>
      tpu.enqueue_dma source(%dma_start3A_350 : memref<128x16xf32, #tpu.memory_space<vmem>>) target(%dma_start3A_346 : memref<128x16xf32, #tpu.memory_space<hbm>>) target_semaphore(%arg12 : memref<!tpu.dma_semaphore, #tpu.memory_space<semaphore_mem>>)
      %add3A_351 = arith.constant 2 : i32
      %add3A_352 = arith.addi %scan3A_225, %add3A_351 : i32
      %lt3A_353 = arith.constant 147 : i32
      %lt3A_354 = arith.cmpi slt, %add3A_352, %lt3A_353 : i32
      %convert_element_type3A_355 = arith.extui %lt3A_354 : i1 to i32
      %cond3A_356 = arith.constant 0 : i32
      %cond3A_357 = arith.cmpi ne, %convert_element_type3A_355, %cond3A_356 : i32
      scf.if %cond3A_357 {
        %add3A_359 = arith.constant 2 : i32
        %add3A_360 = arith.addi %scan3A_225, %add3A_359 : i32
        %mul3A_361 = arith.constant 18816 : i32
        %mul3A_362 = arith.muli %add3A, %mul3A_361 : i32
        %mul3A_363 = arith.constant 128 : i32
        %mul3A_364 = arith.muli %add3A_360, %mul3A_363 : i32
        %add3A_365 = arith.addi %mul3A_362, %mul3A_364 : i32
        %mul3A_366 = arith.constant 9 : i32
        %mul3A_367 = arith.muli %add3A_365, %mul3A_366 : i32
        %dma_start3A_368 = arith.constant 0 : i32
        %dma_start3A_369 = tpu.memref_slice %arg6[%rem3A_227, %dma_start3A_368] : memref<2x1152xi32, #tpu.memory_space<vmem>> -> memref<1x1152xi32, #tpu.memory_space<vmem>>
        %dma_start3A_370 = tpu.memref_squeeze %dma_start3A_369 : memref<1x1152xi32, #tpu.memory_space<vmem>> -> memref<1152xi32, #tpu.memory_space<vmem>>
        %dma_start3A_371 = tpu.memref_slice %arg3[%mul3A_367] : memref<5419008xi32, #tpu.memory_space<hbm>> -> memref<1152xi32, #tpu.memory_space<hbm>>
        %dma_start3A_372 = arith.constant 0 : i32
        %dma_start3A_373 = tpu.memref_slice %arg6[%rem3A_227, %dma_start3A_372] : memref<2x1152xi32, #tpu.memory_space<vmem>> -> memref<1x1152xi32, #tpu.memory_space<vmem>>
        %dma_start3A_374 = tpu.memref_squeeze %dma_start3A_373 : memref<1x1152xi32, #tpu.memory_space<vmem>> -> memref<1152xi32, #tpu.memory_space<vmem>>
        %dma_start3A_375 = tpu.memref_slice %arg3[%mul3A_367] : memref<5419008xi32, #tpu.memory_space<hbm>> -> memref<1152xi32, #tpu.memory_space<hbm>>
        tpu.enqueue_dma source(%dma_start3A_375 : memref<1152xi32, #tpu.memory_space<hbm>>) target(%dma_start3A_374 : memref<1152xi32, #tpu.memory_space<vmem>>) target_semaphore(%arg10 : memref<!tpu.dma_semaphore, #tpu.memory_space<semaphore_mem>>)
        %mul3A_376 = arith.constant 9 : i32
        %mul3A_377 = arith.muli %add3A_365, %mul3A_376 : i32
        %dma_start3A_378 = arith.constant 0 : i32
        %dma_start3A_379 = tpu.memref_slice %arg8[%rem3A_227, %dma_start3A_378] : memref<2x1168xf32, #tpu.memory_space<vmem>> -> memref<1x1152xf32, #tpu.memory_space<vmem>>
        %dma_start3A_380 = tpu.memref_squeeze %dma_start3A_379 : memref<1x1152xf32, #tpu.memory_space<vmem>> -> memref<1152xf32, #tpu.memory_space<vmem>>
        %dma_start3A_381 = tpu.memref_slice %arg4[%mul3A_377] : memref<5419008xf32, #tpu.memory_space<hbm>> -> memref<1152xf32, #tpu.memory_space<hbm>>
        %dma_start3A_382 = arith.constant 0 : i32
        %dma_start3A_383 = tpu.memref_slice %arg8[%rem3A_227, %dma_start3A_382] : memref<2x1168xf32, #tpu.memory_space<vmem>> -> memref<1x1152xf32, #tpu.memory_space<vmem>>
        %dma_start3A_384 = tpu.memref_squeeze %dma_start3A_383 : memref<1x1152xf32, #tpu.memory_space<vmem>> -> memref<1152xf32, #tpu.memory_space<vmem>>
        %dma_start3A_385 = tpu.memref_slice %arg4[%mul3A_377] : memref<5419008xf32, #tpu.memory_space<hbm>> -> memref<1152xf32, #tpu.memory_space<hbm>>
        tpu.enqueue_dma source(%dma_start3A_385 : memref<1152xf32, #tpu.memory_space<hbm>>) target(%dma_start3A_384 : memref<1152xf32, #tpu.memory_space<vmem>>) target_semaphore(%arg10 : memref<!tpu.dma_semaphore, #tpu.memory_space<semaphore_mem>>)
      } else {
      }
      %scan3A_358 = arith.constant 0 : i32
      scf.yield %scan3A_358 : i32
    }
    %scan3A_190 = arith.constant 147 : i32
    %mul3A_191 = arith.constant 18816 : i32
    %mul3A_192 = arith.muli %add3A, %mul3A_191 : i32
    %add3A_193 = arith.constant 18560 : i32
    %add3A_194 = arith.addi %mul3A_192, %add3A_193 : i32
    %dma_wait3A_195 = arith.constant 1 : i32
    %dma_wait3A_196 = arith.constant 0 : i32
    %dma_wait3A_197 = arith.constant 0 : i32
    %dma_wait3A_198 = tpu.memref_slice %arg9[%dma_wait3A_195, %dma_wait3A_196, %dma_wait3A_197] : memref<2x128x16xf32, #tpu.memory_space<vmem>> -> memref<1x128x16xf32, #tpu.memory_space<vmem>>
    %dma_wait3A_199 = tpu.memref_squeeze %dma_wait3A_198 : memref<1x128x16xf32, #tpu.memory_space<vmem>> -> memref<128x16xf32, #tpu.memory_space<vmem>>
    %dma_wait3A_200 = arith.constant 0 : i32
    %dma_wait3A_201 = tpu.memref_slice %arg5[%add3A_194, %dma_wait3A_200] : memref<602112x16xf32, #tpu.memory_space<hbm>> -> memref<128x16xf32, #tpu.memory_space<hbm>>
    %dma_wait3A_202 = arith.constant 0 : i32
    %dma_wait3A_203 = tpu.memref_slice %arg5[%add3A_194, %dma_wait3A_202] : memref<602112x16xf32, #tpu.memory_space<hbm>> -> memref<128x16xf32, #tpu.memory_space<hbm>>
    %dma_wait3A_204 = arith.constant 0 : i32
    %dma_wait3A_205 = arith.constant 0 : i32
    %dma_wait3A_206 = tpu.memref_slice %arg9[%dma_wait3A_195, %dma_wait3A_204, %dma_wait3A_205] : memref<2x128x16xf32, #tpu.memory_space<vmem>> -> memref<1x128x16xf32, #tpu.memory_space<vmem>>
    %dma_wait3A_207 = tpu.memref_squeeze %dma_wait3A_206 : memref<1x128x16xf32, #tpu.memory_space<vmem>> -> memref<128x16xf32, #tpu.memory_space<vmem>>
    tpu.wait_dma2 semaphore(%arg12 : memref<!tpu.dma_semaphore, #tpu.memory_space<semaphore_mem>>) src(%dma_wait3A_207 : memref<128x16xf32, #tpu.memory_space<vmem>>) dst(%dma_wait3A_203 : memref<128x16xf32, #tpu.memory_space<hbm>>)
    %mul3A_208 = arith.constant 18816 : i32
    %mul3A_209 = arith.muli %add3A, %mul3A_208 : i32
    %add3A_210 = arith.constant 18688 : i32
    %add3A_211 = arith.addi %mul3A_209, %add3A_210 : i32
    %dma_wait3A_212 = arith.constant 0 : i32
    %dma_wait3A_213 = arith.constant 0 : i32
    %dma_wait3A_214 = arith.constant 0 : i32
    %dma_wait3A_215 = tpu.memref_slice %arg9[%dma_wait3A_212, %dma_wait3A_213, %dma_wait3A_214] : memref<2x128x16xf32, #tpu.memory_space<vmem>> -> memref<1x128x16xf32, #tpu.memory_space<vmem>>
    %dma_wait3A_216 = tpu.memref_squeeze %dma_wait3A_215 : memref<1x128x16xf32, #tpu.memory_space<vmem>> -> memref<128x16xf32, #tpu.memory_space<vmem>>
    %dma_wait3A_217 = arith.constant 0 : i32
    %dma_wait3A_218 = tpu.memref_slice %arg5[%add3A_211, %dma_wait3A_217] : memref<602112x16xf32, #tpu.memory_space<hbm>> -> memref<128x16xf32, #tpu.memory_space<hbm>>
    %dma_wait3A_219 = arith.constant 0 : i32
    %dma_wait3A_220 = tpu.memref_slice %arg5[%add3A_211, %dma_wait3A_219] : memref<602112x16xf32, #tpu.memory_space<hbm>> -> memref<128x16xf32, #tpu.memory_space<hbm>>
    %dma_wait3A_221 = arith.constant 0 : i32
    %dma_wait3A_222 = arith.constant 0 : i32
    %dma_wait3A_223 = tpu.memref_slice %arg9[%dma_wait3A_212, %dma_wait3A_221, %dma_wait3A_222] : memref<2x128x16xf32, #tpu.memory_space<vmem>> -> memref<1x128x16xf32, #tpu.memory_space<vmem>>
    %dma_wait3A_224 = tpu.memref_squeeze %dma_wait3A_223 : memref<1x128x16xf32, #tpu.memory_space<vmem>> -> memref<128x16xf32, #tpu.memory_space<vmem>>
    tpu.wait_dma2 semaphore(%arg12 : memref<!tpu.dma_semaphore, #tpu.memory_space<semaphore_mem>>) src(%dma_wait3A_224 : memref<128x16xf32, #tpu.memory_space<vmem>>) dst(%dma_wait3A_220 : memref<128x16xf32, #tpu.memory_space<hbm>>)
    return
  }
}

module attributes {stable_mosaic.version = 14 : i64} {
  func.func @_head_body(%arg0: i32, %arg1: i32, %arg2: memref<2x224x224x96xf32, #tpu.memory_space<hbm>>, %arg3: memref<96x96xf32, #tpu.memory_space<vmem>>, %arg4: memref<1x96xf32, #tpu.memory_space<vmem>>, %arg5: memref<9x96xf32, #tpu.memory_space<vmem>>, %arg6: memref<1x96xf32, #tpu.memory_space<vmem>>, %arg7: memref<1x96xf32, #tpu.memory_space<vmem>>, %arg8: memref<1x96xf32, #tpu.memory_space<vmem>>, %arg9: memref<96x54xf32, #tpu.memory_space<vmem>>, %arg10: memref<1x54xf32, #tpu.memory_space<vmem>>, %arg11: memref<96x54xf32, #tpu.memory_space<vmem>>, %arg12: memref<1x54xf32, #tpu.memory_space<vmem>>, %arg13: memref<96x54xf32, #tpu.memory_space<vmem>>, %arg14: memref<1x54xf32, #tpu.memory_space<vmem>>, %arg15: memref<3584x96xf32, #tpu.memory_space<vmem>>, %arg16: memref<3584x54xi32, #tpu.memory_space<vmem>>, %arg17: memref<3584x54xf32, #tpu.memory_space<vmem>>, %arg18: memref<18x224x96xf32, #tpu.memory_space<vmem>>, %arg19: memref<!tpu.dma_semaphore, #tpu.memory_space<semaphore_mem>>) attributes {dimension_semantics = [#tpu.dimension_semantics<arbitrary>, #tpu.dimension_semantics<arbitrary>], iteration_bounds = array<i64: 2, 14>, scalar_prefetch = 0 : i64, scratch_operands = 2 : i64, tpu.core_type = #tpu.core_type<tc>, window_params = [{}, {pipeline_mode = #tpu.pipeline_mode<synchronous>, transform_indices = @transform_1, window_bounds = array<i64: 96, 96>}, {pipeline_mode = #tpu.pipeline_mode<synchronous>, transform_indices = @transform_2, window_bounds = array<i64: 1, 96>}, {pipeline_mode = #tpu.pipeline_mode<synchronous>, transform_indices = @transform_3, window_bounds = array<i64: 9, 96>}, {pipeline_mode = #tpu.pipeline_mode<synchronous>, transform_indices = @transform_4, window_bounds = array<i64: 1, 96>}, {pipeline_mode = #tpu.pipeline_mode<synchronous>, transform_indices = @transform_5, window_bounds = array<i64: 1, 96>}, {pipeline_mode = #tpu.pipeline_mode<synchronous>, transform_indices = @transform_6, window_bounds = array<i64: 1, 96>}, {pipeline_mode = #tpu.pipeline_mode<synchronous>, transform_indices = @transform_7, window_bounds = array<i64: 96, 54>}, {pipeline_mode = #tpu.pipeline_mode<synchronous>, transform_indices = @transform_8, window_bounds = array<i64: 1, 54>}, {pipeline_mode = #tpu.pipeline_mode<synchronous>, transform_indices = @transform_9, window_bounds = array<i64: 96, 54>}, {pipeline_mode = #tpu.pipeline_mode<synchronous>, transform_indices = @transform_10, window_bounds = array<i64: 1, 54>}, {pipeline_mode = #tpu.pipeline_mode<synchronous>, transform_indices = @transform_11, window_bounds = array<i64: 96, 54>}, {pipeline_mode = #tpu.pipeline_mode<synchronous>, transform_indices = @transform_12, window_bounds = array<i64: 1, 54>}, {transform_indices = @transform_13, window_bounds = array<i64: 3584, 96>}, {transform_indices = @transform_14, window_bounds = array<i64: 3584, 54>}, {transform_indices = @transform_15, window_bounds = array<i64: 3584, 54>}]} {
    %mul3A = arith.constant 16 : i32
    %mul3A_0 = arith.muli %arg1, %mul3A : i32
    %eq3A = arith.constant 0 : i32
    %eq3A_1 = arith.cmpi eq, %arg1, %eq3A : i32
    %convert_element_type3A = arith.extui %eq3A_1 : i1 to i32
    %cond3A = arith.constant 0 : i32
    %cond3A_2 = arith.cmpi ne, %convert_element_type3A, %cond3A : i32
    scf.if %cond3A_2 {
      %dma_start3A = arith.constant 1 : i32
      %dma_start3A_539 = arith.constant 0 : i32
      %dma_start3A_540 = arith.constant 0 : i32
      %dma_start3A_541 = tpu.memref_slice %arg18[%dma_start3A, %dma_start3A_539, %dma_start3A_540] : memref<18x224x96xf32, #tpu.memory_space<vmem>> -> memref<17x224x96xf32, #tpu.memory_space<vmem>>
      %dma_start3A_542 = arith.constant 0 : i32
      %dma_start3A_543 = arith.constant 0 : i32
      %dma_start3A_544 = arith.constant 0 : i32
      %dma_start3A_545 = tpu.memref_slice %arg2[%arg0, %dma_start3A_542, %dma_start3A_543, %dma_start3A_544] : memref<2x224x224x96xf32, #tpu.memory_space<hbm>> -> memref<1x17x224x96xf32, #tpu.memory_space<hbm>>
      %dma_start3A_546 = tpu.memref_squeeze %dma_start3A_545 : memref<1x17x224x96xf32, #tpu.memory_space<hbm>> -> memref<17x224x96xf32, #tpu.memory_space<hbm>>
      tpu.enqueue_dma source(%dma_start3A_546 : memref<17x224x96xf32, #tpu.memory_space<hbm>>) target(%dma_start3A_541 : memref<17x224x96xf32, #tpu.memory_space<vmem>>) target_semaphore(%arg19 : memref<!tpu.dma_semaphore, #tpu.memory_space<semaphore_mem>>)
      %dma_wait3A = arith.constant 1 : i32
      %dma_wait3A_547 = arith.constant 0 : i32
      %dma_wait3A_548 = arith.constant 0 : i32
      %dma_wait3A_549 = tpu.memref_slice %arg18[%dma_wait3A, %dma_wait3A_547, %dma_wait3A_548] : memref<18x224x96xf32, #tpu.memory_space<vmem>> -> memref<17x224x96xf32, #tpu.memory_space<vmem>>
      %dma_wait3A_550 = arith.constant 0 : i32
      %dma_wait3A_551 = arith.constant 0 : i32
      %dma_wait3A_552 = arith.constant 0 : i32
      %dma_wait3A_553 = tpu.memref_slice %arg2[%arg0, %dma_wait3A_550, %dma_wait3A_551, %dma_wait3A_552] : memref<2x224x224x96xf32, #tpu.memory_space<hbm>> -> memref<1x17x224x96xf32, #tpu.memory_space<hbm>>
      %dma_wait3A_554 = tpu.memref_squeeze %dma_wait3A_553 : memref<1x17x224x96xf32, #tpu.memory_space<hbm>> -> memref<17x224x96xf32, #tpu.memory_space<hbm>>
      tpu.wait_dma2 semaphore(%arg19 : memref<!tpu.dma_semaphore, #tpu.memory_space<semaphore_mem>>) src(%dma_wait3A_554 : memref<17x224x96xf32, #tpu.memory_space<hbm>>) dst(%dma_wait3A_549 : memref<17x224x96xf32, #tpu.memory_space<vmem>>)
      %broadcast_in_dim3A_555 = arith.constant 0.000000e+00 : f32
      %broadcast_in_dim3A_556 = vector.broadcast %broadcast_in_dim3A_555 : f32 to vector<224x96xf32>
      %swap3A_557 = arith.constant 0 : index
      %swap3A_558 = arith.constant 0 : index
      %swap3A_559 = arith.constant 0 : index
      %swap3A_560 = vector.load %arg18[%swap3A_557, %swap3A_558, %swap3A_559] : memref<18x224x96xf32, #tpu.memory_space<vmem>>, vector<1x224x96xf32>
      %swap3A_561 = vector.shape_cast %swap3A_560 : vector<1x224x96xf32> to vector<224x96xf32>
      %swap3A_562 = vector.shape_cast %broadcast_in_dim3A_556 : vector<224x96xf32> to vector<1x224x96xf32>
      tpu.vector_store %arg18[%swap3A_557, %swap3A_558, %swap3A_559], %swap3A_562 {strides = array<i32>} : memref<18x224x96xf32, #tpu.memory_space<vmem>>, vector<1x224x96xf32>,
    } else {
    }
    %eq3A_3 = arith.constant 13 : i32
    %eq3A_4 = arith.cmpi eq, %arg1, %eq3A_3 : i32
    %convert_element_type3A_5 = arith.extui %eq3A_4 : i1 to i32
    %cond3A_6 = arith.constant 0 : i32
    %cond3A_7 = arith.cmpi ne, %convert_element_type3A_5, %cond3A_6 : i32
    scf.if %cond3A_7 {
      %dma_start3A = arith.constant 0 : i32
      %dma_start3A_539 = arith.constant 0 : i32
      %dma_start3A_540 = arith.constant 0 : i32
      %dma_start3A_541 = tpu.memref_slice %arg18[%dma_start3A, %dma_start3A_539, %dma_start3A_540] : memref<18x224x96xf32, #tpu.memory_space<vmem>> -> memref<17x224x96xf32, #tpu.memory_space<vmem>>
      %dma_start3A_542 = arith.constant 207 : i32
      %dma_start3A_543 = arith.constant 0 : i32
      %dma_start3A_544 = arith.constant 0 : i32
      %dma_start3A_545 = tpu.memref_slice %arg2[%arg0, %dma_start3A_542, %dma_start3A_543, %dma_start3A_544] : memref<2x224x224x96xf32, #tpu.memory_space<hbm>> -> memref<1x17x224x96xf32, #tpu.memory_space<hbm>>
      %dma_start3A_546 = tpu.memref_squeeze %dma_start3A_545 : memref<1x17x224x96xf32, #tpu.memory_space<hbm>> -> memref<17x224x96xf32, #tpu.memory_space<hbm>>
      tpu.enqueue_dma source(%dma_start3A_546 : memref<17x224x96xf32, #tpu.memory_space<hbm>>) target(%dma_start3A_541 : memref<17x224x96xf32, #tpu.memory_space<vmem>>) target_semaphore(%arg19 : memref<!tpu.dma_semaphore, #tpu.memory_space<semaphore_mem>>)
      %dma_wait3A = arith.constant 0 : i32
      %dma_wait3A_547 = arith.constant 0 : i32
      %dma_wait3A_548 = arith.constant 0 : i32
      %dma_wait3A_549 = tpu.memref_slice %arg18[%dma_wait3A, %dma_wait3A_547, %dma_wait3A_548] : memref<18x224x96xf32, #tpu.memory_space<vmem>> -> memref<17x224x96xf32, #tpu.memory_space<vmem>>
      %dma_wait3A_550 = arith.constant 207 : i32
      %dma_wait3A_551 = arith.constant 0 : i32
      %dma_wait3A_552 = arith.constant 0 : i32
      %dma_wait3A_553 = tpu.memref_slice %arg2[%arg0, %dma_wait3A_550, %dma_wait3A_551, %dma_wait3A_552] : memref<2x224x224x96xf32, #tpu.memory_space<hbm>> -> memref<1x17x224x96xf32, #tpu.memory_space<hbm>>
      %dma_wait3A_554 = tpu.memref_squeeze %dma_wait3A_553 : memref<1x17x224x96xf32, #tpu.memory_space<hbm>> -> memref<17x224x96xf32, #tpu.memory_space<hbm>>
      tpu.wait_dma2 semaphore(%arg19 : memref<!tpu.dma_semaphore, #tpu.memory_space<semaphore_mem>>) src(%dma_wait3A_554 : memref<17x224x96xf32, #tpu.memory_space<hbm>>) dst(%dma_wait3A_549 : memref<17x224x96xf32, #tpu.memory_space<vmem>>)
      %broadcast_in_dim3A_555 = arith.constant 0.000000e+00 : f32
      %broadcast_in_dim3A_556 = vector.broadcast %broadcast_in_dim3A_555 : f32 to vector<224x96xf32>
      %swap3A_557 = arith.constant 17 : index
      %swap3A_558 = arith.constant 0 : index
      %swap3A_559 = arith.constant 0 : index
      %swap3A_560 = vector.load %arg18[%swap3A_557, %swap3A_558, %swap3A_559] : memref<18x224x96xf32, #tpu.memory_space<vmem>>, vector<1x224x96xf32>
      %swap3A_561 = vector.shape_cast %swap3A_560 : vector<1x224x96xf32> to vector<224x96xf32>
      %swap3A_562 = vector.shape_cast %broadcast_in_dim3A_556 : vector<224x96xf32> to vector<1x224x96xf32>
      tpu.vector_store %arg18[%swap3A_557, %swap3A_558, %swap3A_559], %swap3A_562 {strides = array<i32>} : memref<18x224x96xf32, #tpu.memory_space<vmem>>, vector<1x224x96xf32>,
    } else {
    }
    %gt3A = arith.constant 0 : i32
    %gt3A_8 = arith.cmpi sgt, %arg1, %gt3A : i32
    %lt3A = arith.constant 13 : i32
    %lt3A_9 = arith.cmpi slt, %arg1, %lt3A : i32
    %and3A = arith.andi %gt3A_8, %lt3A_9 : i1
    %convert_element_type3A_10 = arith.extui %and3A : i1 to i32
    %cond3A_11 = arith.constant 0 : i32
    %cond3A_12 = arith.cmpi ne, %convert_element_type3A_10, %cond3A_11 : i32
    scf.if %cond3A_12 {
      %sub3A_539 = arith.constant 1 : i32
      %sub3A_540 = arith.subi %mul3A_0, %sub3A_539 : i32
      %dma_start3A = arith.constant 0 : i32
      %dma_start3A_541 = arith.constant 0 : i32
      %dma_start3A_542 = arith.constant 0 : i32
      %dma_start3A_543 = tpu.memref_slice %arg18[%dma_start3A, %dma_start3A_541, %dma_start3A_542] : memref<18x224x96xf32, #tpu.memory_space<vmem>> -> memref<18x224x96xf32, #tpu.memory_space<vmem>>
      %dma_start3A_544 = arith.constant 0 : i32
      %dma_start3A_545 = arith.constant 0 : i32
      %dma_start3A_546 = tpu.memref_slice %arg2[%arg0, %sub3A_540, %dma_start3A_544, %dma_start3A_545] : memref<2x224x224x96xf32, #tpu.memory_space<hbm>> -> memref<1x18x224x96xf32, #tpu.memory_space<hbm>>
      %dma_start3A_547 = tpu.memref_squeeze %dma_start3A_546 : memref<1x18x224x96xf32, #tpu.memory_space<hbm>> -> memref<18x224x96xf32, #tpu.memory_space<hbm>>
      tpu.enqueue_dma source(%dma_start3A_547 : memref<18x224x96xf32, #tpu.memory_space<hbm>>) target(%dma_start3A_543 : memref<18x224x96xf32, #tpu.memory_space<vmem>>) target_semaphore(%arg19 : memref<!tpu.dma_semaphore, #tpu.memory_space<semaphore_mem>>)
      %dma_wait3A = arith.constant 0 : i32
      %dma_wait3A_548 = arith.constant 0 : i32
      %dma_wait3A_549 = arith.constant 0 : i32
      %dma_wait3A_550 = tpu.memref_slice %arg18[%dma_wait3A, %dma_wait3A_548, %dma_wait3A_549] : memref<18x224x96xf32, #tpu.memory_space<vmem>> -> memref<18x224x96xf32, #tpu.memory_space<vmem>>
      %dma_wait3A_551 = arith.constant 0 : i32
      %dma_wait3A_552 = arith.constant 0 : i32
      %dma_wait3A_553 = tpu.memref_slice %arg2[%arg0, %sub3A_540, %dma_wait3A_551, %dma_wait3A_552] : memref<2x224x224x96xf32, #tpu.memory_space<hbm>> -> memref<1x18x224x96xf32, #tpu.memory_space<hbm>>
      %dma_wait3A_554 = tpu.memref_squeeze %dma_wait3A_553 : memref<1x18x224x96xf32, #tpu.memory_space<hbm>> -> memref<18x224x96xf32, #tpu.memory_space<hbm>>
      tpu.wait_dma2 semaphore(%arg19 : memref<!tpu.dma_semaphore, #tpu.memory_space<semaphore_mem>>) src(%dma_wait3A_554 : memref<18x224x96xf32, #tpu.memory_space<hbm>>) dst(%dma_wait3A_550 : memref<18x224x96xf32, #tpu.memory_space<vmem>>)
    } else {
    }
    %get3A = arith.constant 0 : index
    %get3A_13 = arith.constant 0 : index
    %get3A_14 = arith.constant 0 : index
    %get3A_15 = vector.load %arg18[%get3A, %get3A_13, %get3A_14] : memref<18x224x96xf32, #tpu.memory_space<vmem>>, vector<18x224x96xf32>
    %bitcast_convert_type3A = tpu.bitcast %get3A_15 : vector<18x224x96xf32> -> vector<18x224x96xi32>
    %add3A = arith.constant 32767 : i32
    %add3A_16 = vector.broadcast %add3A : i32 to vector<18x224x96xi32>
    %add3A_17 = arith.addi %bitcast_convert_type3A, %add3A_16 : vector<18x224x96xi32>
    %shift_right_logical3A = arith.constant 16 : i32
    %shift_right_logical3A_18 = vector.broadcast %shift_right_logical3A : i32 to vector<18x224x96xi32>
    %shift_right_logical3A_19 = arith.shrui %bitcast_convert_type3A, %shift_right_logical3A_18 : vector<18x224x96xi32>
    %and3A_20 = arith.constant 1 : i32
    %and3A_21 = vector.broadcast %and3A_20 : i32 to vector<18x224x96xi32>
    %and3A_22 = arith.andi %shift_right_logical3A_19, %and3A_21 : vector<18x224x96xi32>
    %add3A_23 = arith.addi %add3A_17, %and3A_22 : vector<18x224x96xi32>
    %and3A_24 = arith.constant -65536 : i32
    %and3A_25 = vector.broadcast %and3A_24 : i32 to vector<18x224x96xi32>
    %and3A_26 = arith.andi %add3A_23, %and3A_25 : vector<18x224x96xi32>
    %bitcast_convert_type3A_27 = tpu.bitcast %and3A_26 : vector<18x224x96xi32> -> vector<18x224x96xf32>
    %broadcast_in_dim3A = arith.constant 0.000000e+00 : f32
    %broadcast_in_dim3A_28 = vector.broadcast %broadcast_in_dim3A : f32 to vector<16x224x96xf32>
    %broadcast_in_dim3A_29 = arith.constant 0.000000e+00 : f32
    %broadcast_in_dim3A_30 = vector.broadcast %broadcast_in_dim3A_29 : f32 to vector<16x1x96xf32>
    %slice3A = vector.extract_strided_slice %bitcast_convert_type3A_27 {offsets = [0, 0, 0], sizes = [16, 224, 96], strides = [1, 1, 1]} : vector<18x224x96xf32> to vector<16x224x96xf32>
    %slice3A_31 = vector.extract_strided_slice %slice3A {offsets = [0, 0, 0], sizes = [16, 223, 96], strides = [1, 1, 1]} : vector<16x224x96xf32> to vector<16x223x96xf32>
    %concatenate3A = tpu.concatenate %broadcast_in_dim3A_30, %slice3A_31 in 1 : vector<16x1x96xf32>, vector<16x223x96xf32> -> vector<16x224x96xf32>
    %get3A_32 = arith.constant 0 : index
    %get3A_33 = arith.constant 0 : index
    %get3A_34 = vector.load %arg5[%get3A_32, %get3A_33] : memref<9x96xf32, #tpu.memory_space<vmem>>, vector<1x96xf32>
    %get3A_35 = vector.shape_cast %get3A_34 : vector<1x96xf32> to vector<96xf32>
    %broadcast_in_dim3A_36 = vector.shape_cast %get3A_35 : vector<96xf32> to vector<1x1x96xf32>
    %mul3A_37 = vector.broadcast %broadcast_in_dim3A_36 : vector<1x1x96xf32> to vector<16x224x96xf32>
    %mul3A_38 = arith.mulf %concatenate3A, %mul3A_37 : vector<16x224x96xf32>
    %add3A_39 = arith.addf %broadcast_in_dim3A_28, %mul3A_38 : vector<16x224x96xf32>
    %get3A_40 = arith.constant 1 : index
    %get3A_41 = arith.constant 0 : index
    %get3A_42 = vector.load %arg5[%get3A_40, %get3A_41] : memref<9x96xf32, #tpu.memory_space<vmem>>, vector<1x96xf32>
    %get3A_43 = vector.shape_cast %get3A_42 : vector<1x96xf32> to vector<96xf32>
    %broadcast_in_dim3A_44 = vector.shape_cast %get3A_43 : vector<96xf32> to vector<1x1x96xf32>
    %mul3A_45 = vector.broadcast %broadcast_in_dim3A_44 : vector<1x1x96xf32> to vector<16x224x96xf32>
    %mul3A_46 = arith.mulf %slice3A, %mul3A_45 : vector<16x224x96xf32>
    %add3A_47 = arith.addf %add3A_39, %mul3A_46 : vector<16x224x96xf32>
    %slice3A_48 = vector.extract_strided_slice %slice3A {offsets = [0, 1, 0], sizes = [16, 223, 96], strides = [1, 1, 1]} : vector<16x224x96xf32> to vector<16x223x96xf32>
    %concatenate3A_49 = tpu.concatenate %slice3A_48, %broadcast_in_dim3A_30 in 1 : vector<16x223x96xf32>, vector<16x1x96xf32> -> vector<16x224x96xf32>
    %get3A_50 = arith.constant 2 : index
    %get3A_51 = arith.constant 0 : index
    %get3A_52 = vector.load %arg5[%get3A_50, %get3A_51] : memref<9x96xf32, #tpu.memory_space<vmem>>, vector<1x96xf32>
    %get3A_53 = vector.shape_cast %get3A_52 : vector<1x96xf32> to vector<96xf32>
    %broadcast_in_dim3A_54 = vector.shape_cast %get3A_53 : vector<96xf32> to vector<1x1x96xf32>
    %mul3A_55 = vector.broadcast %broadcast_in_dim3A_54 : vector<1x1x96xf32> to vector<16x224x96xf32>
    %mul3A_56 = arith.mulf %concatenate3A_49, %mul3A_55 : vector<16x224x96xf32>
    %add3A_57 = arith.addf %add3A_47, %mul3A_56 : vector<16x224x96xf32>
    %slice3A_58 = vector.extract_strided_slice %bitcast_convert_type3A_27 {offsets = [1, 0, 0], sizes = [16, 224, 96], strides = [1, 1, 1]} : vector<18x224x96xf32> to vector<16x224x96xf32>
    %slice3A_59 = vector.extract_strided_slice %slice3A_58 {offsets = [0, 0, 0], sizes = [16, 223, 96], strides = [1, 1, 1]} : vector<16x224x96xf32> to vector<16x223x96xf32>
    %concatenate3A_60 = tpu.concatenate %broadcast_in_dim3A_30, %slice3A_59 in 1 : vector<16x1x96xf32>, vector<16x223x96xf32> -> vector<16x224x96xf32>
    %get3A_61 = arith.constant 3 : index
    %get3A_62 = arith.constant 0 : index
    %get3A_63 = vector.load %arg5[%get3A_61, %get3A_62] : memref<9x96xf32, #tpu.memory_space<vmem>>, vector<1x96xf32>
    %get3A_64 = vector.shape_cast %get3A_63 : vector<1x96xf32> to vector<96xf32>
    %broadcast_in_dim3A_65 = vector.shape_cast %get3A_64 : vector<96xf32> to vector<1x1x96xf32>
    %mul3A_66 = vector.broadcast %broadcast_in_dim3A_65 : vector<1x1x96xf32> to vector<16x224x96xf32>
    %mul3A_67 = arith.mulf %concatenate3A_60, %mul3A_66 : vector<16x224x96xf32>
    %add3A_68 = arith.addf %add3A_57, %mul3A_67 : vector<16x224x96xf32>
    %get3A_69 = arith.constant 4 : index
    %get3A_70 = arith.constant 0 : index
    %get3A_71 = vector.load %arg5[%get3A_69, %get3A_70] : memref<9x96xf32, #tpu.memory_space<vmem>>, vector<1x96xf32>
    %get3A_72 = vector.shape_cast %get3A_71 : vector<1x96xf32> to vector<96xf32>
    %broadcast_in_dim3A_73 = vector.shape_cast %get3A_72 : vector<96xf32> to vector<1x1x96xf32>
    %mul3A_74 = vector.broadcast %broadcast_in_dim3A_73 : vector<1x1x96xf32> to vector<16x224x96xf32>
    %mul3A_75 = arith.mulf %slice3A_58, %mul3A_74 : vector<16x224x96xf32>
    %add3A_76 = arith.addf %add3A_68, %mul3A_75 : vector<16x224x96xf32>
    %slice3A_77 = vector.extract_strided_slice %slice3A_58 {offsets = [0, 1, 0], sizes = [16, 223, 96], strides = [1, 1, 1]} : vector<16x224x96xf32> to vector<16x223x96xf32>
    %concatenate3A_78 = tpu.concatenate %slice3A_77, %broadcast_in_dim3A_30 in 1 : vector<16x223x96xf32>, vector<16x1x96xf32> -> vector<16x224x96xf32>
    %get3A_79 = arith.constant 5 : index
    %get3A_80 = arith.constant 0 : index
    %get3A_81 = vector.load %arg5[%get3A_79, %get3A_80] : memref<9x96xf32, #tpu.memory_space<vmem>>, vector<1x96xf32>
    %get3A_82 = vector.shape_cast %get3A_81 : vector<1x96xf32> to vector<96xf32>
    %broadcast_in_dim3A_83 = vector.shape_cast %get3A_82 : vector<96xf32> to vector<1x1x96xf32>
    %mul3A_84 = vector.broadcast %broadcast_in_dim3A_83 : vector<1x1x96xf32> to vector<16x224x96xf32>
    %mul3A_85 = arith.mulf %concatenate3A_78, %mul3A_84 : vector<16x224x96xf32>
    %add3A_86 = arith.addf %add3A_76, %mul3A_85 : vector<16x224x96xf32>
    %slice3A_87 = vector.extract_strided_slice %bitcast_convert_type3A_27 {offsets = [2, 0, 0], sizes = [16, 224, 96], strides = [1, 1, 1]} : vector<18x224x96xf32> to vector<16x224x96xf32>
    %slice3A_88 = vector.extract_strided_slice %slice3A_87 {offsets = [0, 0, 0], sizes = [16, 223, 96], strides = [1, 1, 1]} : vector<16x224x96xf32> to vector<16x223x96xf32>
    %concatenate3A_89 = tpu.concatenate %broadcast_in_dim3A_30, %slice3A_88 in 1 : vector<16x1x96xf32>, vector<16x223x96xf32> -> vector<16x224x96xf32>
    %get3A_90 = arith.constant 6 : index
    %get3A_91 = arith.constant 0 : index
    %get3A_92 = vector.load %arg5[%get3A_90, %get3A_91] : memref<9x96xf32, #tpu.memory_space<vmem>>, vector<1x96xf32>
    %get3A_93 = vector.shape_cast %get3A_92 : vector<1x96xf32> to vector<96xf32>
    %broadcast_in_dim3A_94 = vector.shape_cast %get3A_93 : vector<96xf32> to vector<1x1x96xf32>
    %mul3A_95 = vector.broadcast %broadcast_in_dim3A_94 : vector<1x1x96xf32> to vector<16x224x96xf32>
    %mul3A_96 = arith.mulf %concatenate3A_89, %mul3A_95 : vector<16x224x96xf32>
    %add3A_97 = arith.addf %add3A_86, %mul3A_96 : vector<16x224x96xf32>
    %get3A_98 = arith.constant 7 : index
    %get3A_99 = arith.constant 0 : index
    %get3A_100 = vector.load %arg5[%get3A_98, %get3A_99] : memref<9x96xf32, #tpu.memory_space<vmem>>, vector<1x96xf32>
    %get3A_101 = vector.shape_cast %get3A_100 : vector<1x96xf32> to vector<96xf32>
    %broadcast_in_dim3A_102 = vector.shape_cast %get3A_101 : vector<96xf32> to vector<1x1x96xf32>
    %mul3A_103 = vector.broadcast %broadcast_in_dim3A_102 : vector<1x1x96xf32> to vector<16x224x96xf32>
    %mul3A_104 = arith.mulf %slice3A_87, %mul3A_103 : vector<16x224x96xf32>
    %add3A_105 = arith.addf %add3A_97, %mul3A_104 : vector<16x224x96xf32>
    %slice3A_106 = vector.extract_strided_slice %slice3A_87 {offsets = [0, 1, 0], sizes = [16, 223, 96], strides = [1, 1, 1]} : vector<16x224x96xf32> to vector<16x223x96xf32>
    %concatenate3A_107 = tpu.concatenate %slice3A_106, %broadcast_in_dim3A_30 in 1 : vector<16x223x96xf32>, vector<16x1x96xf32> -> vector<16x224x96xf32>
    %get3A_108 = arith.constant 8 : index
    %get3A_109 = arith.constant 0 : index
    %get3A_110 = vector.load %arg5[%get3A_108, %get3A_109] : memref<9x96xf32, #tpu.memory_space<vmem>>, vector<1x96xf32>
    %get3A_111 = vector.shape_cast %get3A_110 : vector<1x96xf32> to vector<96xf32>
    %broadcast_in_dim3A_112 = vector.shape_cast %get3A_111 : vector<96xf32> to vector<1x1x96xf32>
    %mul3A_113 = vector.broadcast %broadcast_in_dim3A_112 : vector<1x1x96xf32> to vector<16x224x96xf32>
    %mul3A_114 = arith.mulf %concatenate3A_107, %mul3A_113 : vector<16x224x96xf32>
    %add3A_115 = arith.addf %add3A_105, %mul3A_114 : vector<16x224x96xf32>
    %get3A_116 = arith.constant 0 : index
    %get3A_117 = arith.constant 0 : index
    %get3A_118 = vector.load %arg6[%get3A_116, %get3A_117] : memref<1x96xf32, #tpu.memory_space<vmem>>, vector<1x96xf32>
    %get3A_119 = vector.shape_cast %get3A_118 : vector<1x96xf32> to vector<96xf32>
    %broadcast_in_dim3A_120 = vector.shape_cast %get3A_119 : vector<96xf32> to vector<1x1x96xf32>
    %add3A_121 = vector.broadcast %broadcast_in_dim3A_120 : vector<1x1x96xf32> to vector<16x224x96xf32>
    %add3A_122 = arith.addf %add3A_115, %add3A_121 : vector<16x224x96xf32>
    %reduce_sum3A = arith.constant dense<0.000000e+00> : vector<16x224xf32>
    %reduce_sum3A_123 = vector.multi_reduction <add>, %add3A_122, %reduce_sum3A [2] : vector<16x224x96xf32> to vector<16x224xf32>
    %broadcast_in_dim3A_124 = vector.shape_cast %reduce_sum3A_123 : vector<16x224xf32> to vector<16x224x1xf32>
    %div3A = arith.constant 9.600000e+01 : f32
    %div3A_125 = vector.broadcast %div3A : f32 to vector<16x224x1xf32>
    %div3A_126 = arith.divf %broadcast_in_dim3A_124, %div3A_125 : vector<16x224x1xf32>
    %sub3A = vector.broadcast %div3A_126 : vector<16x224x1xf32> to vector<16x224x96xf32>
    %sub3A_127 = arith.subf %add3A_122, %sub3A : vector<16x224x96xf32>
    %integer_pow3A = arith.mulf %sub3A_127, %sub3A_127 : vector<16x224x96xf32>
    %reduce_sum3A_128 = arith.constant dense<0.000000e+00> : vector<16x224xf32>
    %reduce_sum3A_129 = vector.multi_reduction <add>, %integer_pow3A, %reduce_sum3A_128 [2] : vector<16x224x96xf32> to vector<16x224xf32>
    %broadcast_in_dim3A_130 = vector.shape_cast %reduce_sum3A_129 : vector<16x224xf32> to vector<16x224x1xf32>
    %div3A_131 = arith.constant 9.600000e+01 : f32
    %div3A_132 = vector.broadcast %div3A_131 : f32 to vector<16x224x1xf32>
    %div3A_133 = arith.divf %broadcast_in_dim3A_130, %div3A_132 : vector<16x224x1xf32>
    %sub3A_134 = vector.broadcast %div3A_126 : vector<16x224x1xf32> to vector<16x224x96xf32>
    %sub3A_135 = arith.subf %add3A_122, %sub3A_134 : vector<16x224x96xf32>
    %add3A_136 = arith.constant 9.99999997E-7 : f32
    %add3A_137 = vector.broadcast %add3A_136 : f32 to vector<16x224x1xf32>
    %add3A_138 = arith.addf %div3A_133, %add3A_137 : vector<16x224x1xf32>
    %sqrt3A = math.sqrt %add3A_138 : vector<16x224x1xf32>
    %div3A_139 = vector.broadcast %sqrt3A : vector<16x224x1xf32> to vector<16x224x96xf32>
    %div3A_140 = arith.divf %sub3A_135, %div3A_139 : vector<16x224x96xf32>
    %get3A_141 = arith.constant 0 : index
    %get3A_142 = arith.constant 0 : index
    %get3A_143 = vector.load %arg7[%get3A_141, %get3A_142] : memref<1x96xf32, #tpu.memory_space<vmem>>, vector<1x96xf32>
    %get3A_144 = vector.shape_cast %get3A_143 : vector<1x96xf32> to vector<96xf32>
    %broadcast_in_dim3A_145 = vector.shape_cast %get3A_144 : vector<96xf32> to vector<1x1x96xf32>
    %mul3A_146 = vector.broadcast %broadcast_in_dim3A_145 : vector<1x1x96xf32> to vector<16x224x96xf32>
    %mul3A_147 = arith.mulf %div3A_140, %mul3A_146 : vector<16x224x96xf32>
    %get3A_148 = arith.constant 0 : index
    %get3A_149 = arith.constant 0 : index
    %get3A_150 = vector.load %arg8[%get3A_148, %get3A_149] : memref<1x96xf32, #tpu.memory_space<vmem>>, vector<1x96xf32>
    %get3A_151 = vector.shape_cast %get3A_150 : vector<1x96xf32> to vector<96xf32>
    %broadcast_in_dim3A_152 = vector.shape_cast %get3A_151 : vector<96xf32> to vector<1x1x96xf32>
    %add3A_153 = vector.broadcast %broadcast_in_dim3A_152 : vector<1x1x96xf32> to vector<16x224x96xf32>
    %add3A_154 = arith.addf %mul3A_147, %add3A_153 : vector<16x224x96xf32>
    %mul3A_155 = arith.constant 5.000000e-01 : f32
    %mul3A_156 = vector.broadcast %mul3A_155 : f32 to vector<16x224x96xf32>
    %mul3A_157 = arith.mulf %mul3A_156, %add3A_154 : vector<16x224x96xf32>
    %integer_pow3A_158 = arith.mulf %add3A_154, %add3A_154 : vector<16x224x96xf32>
    %integer_pow3A_159 = arith.mulf %add3A_154, %integer_pow3A_158 : vector<16x224x96xf32>
    %mul3A_160 = arith.constant 4.471500e-02 : f32
    %mul3A_161 = vector.broadcast %mul3A_160 : f32 to vector<16x224x96xf32>
    %mul3A_162 = arith.mulf %mul3A_161, %integer_pow3A_159 : vector<16x224x96xf32>
    %add3A_163 = arith.addf %add3A_154, %mul3A_162 : vector<16x224x96xf32>
    %mul3A_164 = arith.constant 0.797884583 : f32
    %mul3A_165 = vector.broadcast %mul3A_164 : f32 to vector<16x224x96xf32>
    %mul3A_166 = arith.mulf %mul3A_165, %add3A_163 : vector<16x224x96xf32>
    %tanh3A = math.tanh %mul3A_166 : vector<16x224x96xf32>
    %add3A_167 = arith.constant 1.000000e+00 : f32
    %add3A_168 = vector.broadcast %add3A_167 : f32 to vector<16x224x96xf32>
    %add3A_169 = arith.addf %add3A_168, %tanh3A : vector<16x224x96xf32>
    %mul3A_170 = arith.mulf %mul3A_157, %add3A_169 : vector<16x224x96xf32>
    %reshape3A = vector.shape_cast %mul3A_170 : vector<16x224x96xf32> to vector<3584x96xf32>
    %slice3A_171 = vector.extract_strided_slice %get3A_15 {offsets = [1, 0, 0], sizes = [16, 224, 96], strides = [1, 1, 1]} : vector<18x224x96xf32> to vector<16x224x96xf32>
    %reshape3A_172 = vector.shape_cast %slice3A_171 : vector<16x224x96xf32> to vector<3584x96xf32>
    %get3A_173 = arith.constant 0 : index
    %get3A_174 = arith.constant 0 : index
    %get3A_175 = vector.load %arg3[%get3A_173, %get3A_174] : memref<96x96xf32, #tpu.memory_space<vmem>>, vector<96x96xf32>
    %dot_general3A = arith.constant dense<0.000000e+00> : vector<3584x96xf32>
    %dot_general3A_176 = tpu.matmul %reshape3A_172, %get3A_175, %dot_general3A {dimension_numbers = #tpu.dot_dimension_numbers<[1], [0], [0], [1], [0, 0, 1, 1], [], []>, transpose_lhs_hint = false} : vector<3584x96xf32>, vector<96x96xf32>, vector<3584x96xf32> -> vector<3584x96xf32>
    %get3A_177 = arith.constant 0 : index
    %get3A_178 = arith.constant 0 : index
    %get3A_179 = vector.load %arg4[%get3A_177, %get3A_178] : memref<1x96xf32, #tpu.memory_space<vmem>>, vector<1x96xf32>
    %get3A_180 = vector.shape_cast %get3A_179 : vector<1x96xf32> to vector<96xf32>
    %broadcast_in_dim3A_181 = vector.shape_cast %get3A_180 : vector<96xf32> to vector<1x96xf32>
    %add3A_182 = vector.broadcast %broadcast_in_dim3A_181 : vector<1x96xf32> to vector<3584x96xf32>
    %add3A_183 = arith.addf %dot_general3A_176, %add3A_182 : vector<3584x96xf32>
    %swap3A = arith.constant 0 : index
    %swap3A_184 = arith.constant 0 : index
    %swap3A_185 = vector.load %arg15[%swap3A, %swap3A_184] : memref<3584x96xf32, #tpu.memory_space<vmem>>, vector<3584x96xf32>
    tpu.vector_store %arg15[%swap3A, %swap3A_184], %add3A_183 {strides = array<i32>} : memref<3584x96xf32, #tpu.memory_space<vmem>>, vector<3584x96xf32>,
    %get3A_186 = arith.constant 0 : index
    %get3A_187 = arith.constant 0 : index
    %get3A_188 = vector.load %arg9[%get3A_186, %get3A_187] : memref<96x54xf32, #tpu.memory_space<vmem>>, vector<96x54xf32>
    %dot_general3A_189 = arith.constant dense<0.000000e+00> : vector<3584x54xf32>
    %dot_general3A_190 = tpu.matmul %reshape3A, %get3A_188, %dot_general3A_189 {dimension_numbers = #tpu.dot_dimension_numbers<[1], [0], [0], [1], [0, 0, 1, 1], [], []>, transpose_lhs_hint = false} : vector<3584x96xf32>, vector<96x54xf32>, vector<3584x54xf32> -> vector<3584x54xf32>
    %get3A_191 = arith.constant 0 : index
    %get3A_192 = arith.constant 0 : index
    %get3A_193 = vector.load %arg10[%get3A_191, %get3A_192] : memref<1x54xf32, #tpu.memory_space<vmem>>, vector<1x54xf32>
    %get3A_194 = vector.shape_cast %get3A_193 : vector<1x54xf32> to vector<54xf32>
    %broadcast_in_dim3A_195 = vector.shape_cast %get3A_194 : vector<54xf32> to vector<1x54xf32>
    %add3A_196 = vector.broadcast %broadcast_in_dim3A_195 : vector<1x54xf32> to vector<3584x54xf32>
    %add3A_197 = arith.addf %dot_general3A_190, %add3A_196 : vector<3584x54xf32>
    %get3A_198 = arith.constant 0 : index
    %get3A_199 = arith.constant 0 : index
    %get3A_200 = vector.load %arg11[%get3A_198, %get3A_199] : memref<96x54xf32, #tpu.memory_space<vmem>>, vector<96x54xf32>
    %dot_general3A_201 = arith.constant dense<0.000000e+00> : vector<3584x54xf32>
    %dot_general3A_202 = tpu.matmul %reshape3A, %get3A_200, %dot_general3A_201 {dimension_numbers = #tpu.dot_dimension_numbers<[1], [0], [0], [1], [0, 0, 1, 1], [], []>, transpose_lhs_hint = false} : vector<3584x96xf32>, vector<96x54xf32>, vector<3584x54xf32> -> vector<3584x54xf32>
    %get3A_203 = arith.constant 0 : index
    %get3A_204 = arith.constant 0 : index
    %get3A_205 = vector.load %arg12[%get3A_203, %get3A_204] : memref<1x54xf32, #tpu.memory_space<vmem>>, vector<1x54xf32>
    %get3A_206 = vector.shape_cast %get3A_205 : vector<1x54xf32> to vector<54xf32>
    %broadcast_in_dim3A_207 = vector.shape_cast %get3A_206 : vector<54xf32> to vector<1x54xf32>
    %add3A_208 = vector.broadcast %broadcast_in_dim3A_207 : vector<1x54xf32> to vector<3584x54xf32>
    %add3A_209 = arith.addf %dot_general3A_202, %add3A_208 : vector<3584x54xf32>
    %get3A_210 = arith.constant 0 : index
    %get3A_211 = arith.constant 0 : index
    %get3A_212 = vector.load %arg13[%get3A_210, %get3A_211] : memref<96x54xf32, #tpu.memory_space<vmem>>, vector<96x54xf32>
    %dot_general3A_213 = arith.constant dense<0.000000e+00> : vector<3584x54xf32>
    %dot_general3A_214 = tpu.matmul %reshape3A, %get3A_212, %dot_general3A_213 {dimension_numbers = #tpu.dot_dimension_numbers<[1], [0], [0], [1], [0, 0, 1, 1], [], []>, transpose_lhs_hint = false} : vector<3584x96xf32>, vector<96x54xf32>, vector<3584x54xf32> -> vector<3584x54xf32>
    %get3A_215 = arith.constant 0 : index
    %get3A_216 = arith.constant 0 : index
    %get3A_217 = vector.load %arg14[%get3A_215, %get3A_216] : memref<1x54xf32, #tpu.memory_space<vmem>>, vector<1x54xf32>
    %get3A_218 = vector.shape_cast %get3A_217 : vector<1x54xf32> to vector<54xf32>
    %broadcast_in_dim3A_219 = vector.shape_cast %get3A_218 : vector<54xf32> to vector<1x54xf32>
    %add3A_220 = vector.broadcast %broadcast_in_dim3A_219 : vector<1x54xf32> to vector<3584x54xf32>
    %add3A_221 = arith.addf %dot_general3A_214, %add3A_220 : vector<3584x54xf32>
    %reduce_max3A = arith.constant dense<0xFF800000> : vector<3584xf32>
    %reduce_max3A_222 = vector.multi_reduction <maximumf>, %add3A_221, %reduce_max3A [1] : vector<3584x54xf32> to vector<3584xf32>
    %broadcast_in_dim3A_223 = vector.shape_cast %reduce_max3A_222 : vector<3584xf32> to vector<3584x1xf32>
    %sub3A_224 = vector.broadcast %broadcast_in_dim3A_223 : vector<3584x1xf32> to vector<3584x54xf32>
    %sub3A_225 = arith.subf %add3A_221, %sub3A_224 : vector<3584x54xf32>
    %exp3A = math.exp %sub3A_225 : vector<3584x54xf32>
    %iota3A = tpu.iota {dimensions = array<i32: 0>} : vector<54x54xi32>
    %jit3A = arith.constant 9 : i32
    %div3A_226 = vector.broadcast %jit3A : i32 to vector<54x54xi32>
    %div3A_227 = arith.divsi %iota3A, %div3A_226 : vector<54x54xi32>
    %sign3A = arith.constant 0 : i32
    %sign3A_228 = vector.broadcast %sign3A : i32 to vector<54x54xi32>
    %sign3A_229 = arith.cmpi sgt, %iota3A, %sign3A_228 : vector<54x54xi32>
    %sign3A_230 = arith.extui %sign3A_229 : vector<54x54xi1> to vector<54x54xi32>
    %sign3A_231 = arith.constant 0 : i32
    %sign3A_232 = vector.broadcast %sign3A_231 : i32 to vector<54x54xi32>
    %sign3A_233 = arith.cmpi slt, %iota3A, %sign3A_232 : vector<54x54xi32>
    %sign3A_234 = arith.extui %sign3A_233 : vector<54x54xi1> to vector<54x54xi32>
    %sign3A_235 = arith.subi %sign3A_230, %sign3A_234 : vector<54x54xi32>
    %sign3A_236 = arith.constant 0 : i32
    %sign3A_237 = arith.cmpi sgt, %jit3A, %sign3A_236 : i32
    %sign3A_238 = arith.extui %sign3A_237 : i1 to i32
    %sign3A_239 = arith.constant 0 : i32
    %sign3A_240 = arith.cmpi slt, %jit3A, %sign3A_239 : i32
    %sign3A_241 = arith.extui %sign3A_240 : i1 to i32
    %sign3A_242 = arith.subi %sign3A_238, %sign3A_241 : i32
    %ne3A = vector.broadcast %sign3A_242 : i32 to vector<54x54xi32>
    %ne3A_243 = arith.cmpi ne, %sign3A_235, %ne3A : vector<54x54xi32>
    %rem3A = vector.broadcast %jit3A : i32 to vector<54x54xi32>
    %rem3A_244 = arith.remsi %iota3A, %rem3A : vector<54x54xi32>
    %ne3A_245 = arith.constant 0 : i32
    %ne3A_246 = vector.broadcast %ne3A_245 : i32 to vector<54x54xi32>
    %ne3A_247 = arith.cmpi ne, %rem3A_244, %ne3A_246 : vector<54x54xi32>
    %and3A_248 = arith.andi %ne3A_243, %ne3A_247 : vector<54x54xi1>
    %sub3A_249 = arith.constant 1 : i32
    %sub3A_250 = vector.broadcast %sub3A_249 : i32 to vector<54x54xi32>
    %sub3A_251 = arith.subi %div3A_227, %sub3A_250 : vector<54x54xi32>
    %select_n3A = arith.select %and3A_248, %sub3A_251, %div3A_227 : vector<54x54xi1>, vector<54x54xi32>
    %iota3A_252 = tpu.iota {dimensions = array<i32: 1>} : vector<54x54xi32>
    %jit3A_253 = arith.constant 9 : i32
    %div3A_254 = vector.broadcast %jit3A_253 : i32 to vector<54x54xi32>
    %div3A_255 = arith.divsi %iota3A_252, %div3A_254 : vector<54x54xi32>
    %sign3A_256 = arith.constant 0 : i32
    %sign3A_257 = vector.broadcast %sign3A_256 : i32 to vector<54x54xi32>
    %sign3A_258 = arith.cmpi sgt, %iota3A_252, %sign3A_257 : vector<54x54xi32>
    %sign3A_259 = arith.extui %sign3A_258 : vector<54x54xi1> to vector<54x54xi32>
    %sign3A_260 = arith.constant 0 : i32
    %sign3A_261 = vector.broadcast %sign3A_260 : i32 to vector<54x54xi32>
    %sign3A_262 = arith.cmpi slt, %iota3A_252, %sign3A_261 : vector<54x54xi32>
    %sign3A_263 = arith.extui %sign3A_262 : vector<54x54xi1> to vector<54x54xi32>
    %sign3A_264 = arith.subi %sign3A_259, %sign3A_263 : vector<54x54xi32>
    %sign3A_265 = arith.constant 0 : i32
    %sign3A_266 = arith.cmpi sgt, %jit3A_253, %sign3A_265 : i32
    %sign3A_267 = arith.extui %sign3A_266 : i1 to i32
    %sign3A_268 = arith.constant 0 : i32
    %sign3A_269 = arith.cmpi slt, %jit3A_253, %sign3A_268 : i32
    %sign3A_270 = arith.extui %sign3A_269 : i1 to i32
    %sign3A_271 = arith.subi %sign3A_267, %sign3A_270 : i32
    %ne3A_272 = vector.broadcast %sign3A_271 : i32 to vector<54x54xi32>
    %ne3A_273 = arith.cmpi ne, %sign3A_264, %ne3A_272 : vector<54x54xi32>
    %rem3A_274 = vector.broadcast %jit3A_253 : i32 to vector<54x54xi32>
    %rem3A_275 = arith.remsi %iota3A_252, %rem3A_274 : vector<54x54xi32>
    %ne3A_276 = arith.constant 0 : i32
    %ne3A_277 = vector.broadcast %ne3A_276 : i32 to vector<54x54xi32>
    %ne3A_278 = arith.cmpi ne, %rem3A_275, %ne3A_277 : vector<54x54xi32>
    %and3A_279 = arith.andi %ne3A_273, %ne3A_278 : vector<54x54xi1>
    %sub3A_280 = arith.constant 1 : i32
    %sub3A_281 = vector.broadcast %sub3A_280 : i32 to vector<54x54xi32>
    %sub3A_282 = arith.subi %div3A_255, %sub3A_281 : vector<54x54xi32>
    %select_n3A_283 = arith.select %and3A_279, %sub3A_282, %div3A_255 : vector<54x54xi1>, vector<54x54xi32>
    %eq3A_284 = arith.cmpi eq, %select_n3A, %select_n3A_283 : vector<54x54xi32>
    %convert_element_type3A_285 = arith.extui %eq3A_284 : vector<54x54xi1> to vector<54x54xi32>
    %convert_element_type3A_286 = arith.sitofp %convert_element_type3A_285 : vector<54x54xi32> to vector<54x54xf32>
    %dot_general3A_287 = arith.constant dense<0.000000e+00> : vector<3584x54xf32>
    %dot_general3A_288 = tpu.matmul %exp3A, %convert_element_type3A_286, %dot_general3A_287 {dimension_numbers = #tpu.dot_dimension_numbers<[1], [0], [0], [1], [0, 0, 1, 1], [], []>, precision = #tpu.contract_precision<fp32>, transpose_lhs_hint = false} : vector<3584x54xf32>, vector<54x54xf32>, vector<3584x54xf32> -> vector<3584x54xf32>
    %div3A_289 = arith.divf %exp3A, %dot_general3A_288 : vector<3584x54xf32>
    %iota3A_290 = tpu.iota {dimensions = array<i32: 0>} : vector<3584x1xi32>
    %jit3A_291 = arith.constant 224 : i32
    %div3A_292 = vector.broadcast %jit3A_291 : i32 to vector<3584x1xi32>
    %div3A_293 = arith.divsi %iota3A_290, %div3A_292 : vector<3584x1xi32>
    %sign3A_294 = arith.constant 0 : i32
    %sign3A_295 = vector.broadcast %sign3A_294 : i32 to vector<3584x1xi32>
    %sign3A_296 = arith.cmpi sgt, %iota3A_290, %sign3A_295 : vector<3584x1xi32>
    %sign3A_297 = arith.extui %sign3A_296 : vector<3584x1xi1> to vector<3584x1xi32>
    %sign3A_298 = arith.constant 0 : i32
    %sign3A_299 = vector.broadcast %sign3A_298 : i32 to vector<3584x1xi32>
    %sign3A_300 = arith.cmpi slt, %iota3A_290, %sign3A_299 : vector<3584x1xi32>
    %sign3A_301 = arith.extui %sign3A_300 : vector<3584x1xi1> to vector<3584x1xi32>
    %sign3A_302 = arith.subi %sign3A_297, %sign3A_301 : vector<3584x1xi32>
    %sign3A_303 = arith.constant 0 : i32
    %sign3A_304 = arith.cmpi sgt, %jit3A_291, %sign3A_303 : i32
    %sign3A_305 = arith.extui %sign3A_304 : i1 to i32
    %sign3A_306 = arith.constant 0 : i32
    %sign3A_307 = arith.cmpi slt, %jit3A_291, %sign3A_306 : i32
    %sign3A_308 = arith.extui %sign3A_307 : i1 to i32
    %sign3A_309 = arith.subi %sign3A_305, %sign3A_308 : i32
    %ne3A_310 = vector.broadcast %sign3A_309 : i32 to vector<3584x1xi32>
    %ne3A_311 = arith.cmpi ne, %sign3A_302, %ne3A_310 : vector<3584x1xi32>
    %rem3A_312 = vector.broadcast %jit3A_291 : i32 to vector<3584x1xi32>
    %rem3A_313 = arith.remsi %iota3A_290, %rem3A_312 : vector<3584x1xi32>
    %ne3A_314 = arith.constant 0 : i32
    %ne3A_315 = vector.broadcast %ne3A_314 : i32 to vector<3584x1xi32>
    %ne3A_316 = arith.cmpi ne, %rem3A_313, %ne3A_315 : vector<3584x1xi32>
    %and3A_317 = arith.andi %ne3A_311, %ne3A_316 : vector<3584x1xi1>
    %sub3A_318 = arith.constant 1 : i32
    %sub3A_319 = vector.broadcast %sub3A_318 : i32 to vector<3584x1xi32>
    %sub3A_320 = arith.subi %div3A_293, %sub3A_319 : vector<3584x1xi32>
    %select_n3A_321 = arith.select %and3A_317, %sub3A_320, %div3A_293 : vector<3584x1xi1>, vector<3584x1xi32>
    %add3A_322 = vector.broadcast %mul3A_0 : i32 to vector<3584x1xi32>
    %add3A_323 = arith.addi %add3A_322, %select_n3A_321 : vector<3584x1xi32>
    %jit3A_324 = arith.constant 224 : i32
    %eq3A_325 = arith.constant 0 : i32
    %eq3A_326 = arith.cmpi eq, %jit3A_324, %eq3A_325 : i32
    %jit3A_327 = arith.constant 1 : i32
    %select_n3A_328 = arith.select %eq3A_326, %jit3A_327, %jit3A_324 : i32
    %rem3A_329 = vector.broadcast %select_n3A_328 : i32 to vector<3584x1xi32>
    %rem3A_330 = arith.remsi %iota3A_290, %rem3A_329 : vector<3584x1xi32>
    %ne3A_331 = arith.constant 0 : i32
    %ne3A_332 = vector.broadcast %ne3A_331 : i32 to vector<3584x1xi32>
    %ne3A_333 = arith.cmpi ne, %rem3A_330, %ne3A_332 : vector<3584x1xi32>
    %lt3A_334 = arith.constant 0 : i32
    %lt3A_335 = vector.broadcast %lt3A_334 : i32 to vector<3584x1xi32>
    %lt3A_336 = arith.cmpi slt, %rem3A_330, %lt3A_335 : vector<3584x1xi32>
    %lt3A_337 = arith.constant 0 : i32
    %lt3A_338 = arith.cmpi slt, %select_n3A_328, %lt3A_337 : i32
    %ne3A_339 = vector.broadcast %lt3A_338 : i1 to vector<3584x1xi1>
    %ne3A_340 = vector.broadcast %ne3A_339 : vector<3584x1xi1> to vector<3584x1xi1>
    %ne3A_341 = arith.xori %lt3A_336, %ne3A_340 : vector<3584x1xi1>
    %and3A_342 = arith.andi %ne3A_341, %ne3A_333 : vector<3584x1xi1>
    %add3A_343 = vector.broadcast %select_n3A_328 : i32 to vector<3584x1xi32>
    %add3A_344 = arith.addi %rem3A_330, %add3A_343 : vector<3584x1xi32>
    %select_n3A_345 = arith.select %and3A_342, %add3A_344, %rem3A_330 : vector<3584x1xi1>, vector<3584x1xi32>
    %convert_element_type3A_346 = arith.sitofp %select_n3A_345 : vector<3584x1xi32> to vector<3584x1xf32>
    %add3A_347 = arith.constant 1.500000e+00 : f32
    %add3A_348 = vector.broadcast %add3A_347 : f32 to vector<3584x1xf32>
    %add3A_349 = arith.addf %convert_element_type3A_346, %add3A_348 : vector<3584x1xf32>
    %convert_element_type3A_350 = arith.sitofp %add3A_323 : vector<3584x1xi32> to vector<3584x1xf32>
    %add3A_351 = arith.constant 1.500000e+00 : f32
    %add3A_352 = vector.broadcast %add3A_351 : f32 to vector<3584x1xf32>
    %add3A_353 = arith.addf %convert_element_type3A_350, %add3A_352 : vector<3584x1xf32>
    %iota3A_354 = tpu.iota {dimensions = array<i32: 1>} : vector<3584x54xi32>
    %jit3A_355 = arith.constant 9 : i32
    %eq3A_356 = arith.constant 0 : i32
    %eq3A_357 = arith.cmpi eq, %jit3A_355, %eq3A_356 : i32
    %jit3A_358 = arith.constant 1 : i32
    %select_n3A_359 = arith.select %eq3A_357, %jit3A_358, %jit3A_355 : i32
    %rem3A_360 = vector.broadcast %select_n3A_359 : i32 to vector<3584x54xi32>
    %rem3A_361 = arith.remsi %iota3A_354, %rem3A_360 : vector<3584x54xi32>
    %ne3A_362 = arith.constant 0 : i32
    %ne3A_363 = vector.broadcast %ne3A_362 : i32 to vector<3584x54xi32>
    %ne3A_364 = arith.cmpi ne, %rem3A_361, %ne3A_363 : vector<3584x54xi32>
    %lt3A_365 = arith.constant 0 : i32
    %lt3A_366 = vector.broadcast %lt3A_365 : i32 to vector<3584x54xi32>
    %lt3A_367 = arith.cmpi slt, %rem3A_361, %lt3A_366 : vector<3584x54xi32>
    %lt3A_368 = arith.constant 0 : i32
    %lt3A_369 = arith.cmpi slt, %select_n3A_359, %lt3A_368 : i32
    %ne3A_370 = vector.broadcast %lt3A_369 : i1 to vector<3584x54xi1>
    %ne3A_371 = vector.broadcast %ne3A_370 : vector<3584x54xi1> to vector<3584x54xi1>
    %ne3A_372 = arith.xori %lt3A_367, %ne3A_371 : vector<3584x54xi1>
    %and3A_373 = arith.andi %ne3A_372, %ne3A_364 : vector<3584x54xi1>
    %add3A_374 = vector.broadcast %select_n3A_359 : i32 to vector<3584x54xi32>
    %add3A_375 = arith.addi %rem3A_361, %add3A_374 : vector<3584x54xi32>
    %select_n3A_376 = arith.select %and3A_373, %add3A_375, %rem3A_361 : vector<3584x54xi1>, vector<3584x54xi32>
    %jit3A_377 = arith.constant 9 : i32
    %div3A_378 = vector.broadcast %jit3A_377 : i32 to vector<3584x54xi32>
    %div3A_379 = arith.divsi %iota3A_354, %div3A_378 : vector<3584x54xi32>
    %sign3A_380 = arith.constant 0 : i32
    %sign3A_381 = vector.broadcast %sign3A_380 : i32 to vector<3584x54xi32>
    %sign3A_382 = arith.cmpi sgt, %iota3A_354, %sign3A_381 : vector<3584x54xi32>
    %sign3A_383 = arith.extui %sign3A_382 : vector<3584x54xi1> to vector<3584x54xi32>
    %sign3A_384 = arith.constant 0 : i32
    %sign3A_385 = vector.broadcast %sign3A_384 : i32 to vector<3584x54xi32>
    %sign3A_386 = arith.cmpi slt, %iota3A_354, %sign3A_385 : vector<3584x54xi32>
    %sign3A_387 = arith.extui %sign3A_386 : vector<3584x54xi1> to vector<3584x54xi32>
    %sign3A_388 = arith.subi %sign3A_383, %sign3A_387 : vector<3584x54xi32>
    %sign3A_389 = arith.constant 0 : i32
    %sign3A_390 = arith.cmpi sgt, %jit3A_377, %sign3A_389 : i32
    %sign3A_391 = arith.extui %sign3A_390 : i1 to i32
    %sign3A_392 = arith.constant 0 : i32
    %sign3A_393 = arith.cmpi slt, %jit3A_377, %sign3A_392 : i32
    %sign3A_394 = arith.extui %sign3A_393 : i1 to i32
    %sign3A_395 = arith.subi %sign3A_391, %sign3A_394 : i32
    %ne3A_396 = vector.broadcast %sign3A_395 : i32 to vector<3584x54xi32>
    %ne3A_397 = arith.cmpi ne, %sign3A_388, %ne3A_396 : vector<3584x54xi32>
    %rem3A_398 = vector.broadcast %jit3A_377 : i32 to vector<3584x54xi32>
    %rem3A_399 = arith.remsi %iota3A_354, %rem3A_398 : vector<3584x54xi32>
    %ne3A_400 = arith.constant 0 : i32
    %ne3A_401 = vector.broadcast %ne3A_400 : i32 to vector<3584x54xi32>
    %ne3A_402 = arith.cmpi ne, %rem3A_399, %ne3A_401 : vector<3584x54xi32>
    %and3A_403 = arith.andi %ne3A_397, %ne3A_402 : vector<3584x54xi1>
    %sub3A_404 = arith.constant 1 : i32
    %sub3A_405 = vector.broadcast %sub3A_404 : i32 to vector<3584x54xi32>
    %sub3A_406 = arith.subi %div3A_379, %sub3A_405 : vector<3584x54xi32>
    %select_n3A_407 = arith.select %and3A_403, %sub3A_406, %div3A_379 : vector<3584x54xi1>, vector<3584x54xi32>
    %jit3A_408 = arith.constant 3 : i32
    %div3A_409 = vector.broadcast %jit3A_408 : i32 to vector<3584x54xi32>
    %div3A_410 = arith.divsi %select_n3A_376, %div3A_409 : vector<3584x54xi32>
    %sign3A_411 = arith.constant 0 : i32
    %sign3A_412 = vector.broadcast %sign3A_411 : i32 to vector<3584x54xi32>
    %sign3A_413 = arith.cmpi sgt, %select_n3A_376, %sign3A_412 : vector<3584x54xi32>
    %sign3A_414 = arith.extui %sign3A_413 : vector<3584x54xi1> to vector<3584x54xi32>
    %sign3A_415 = arith.constant 0 : i32
    %sign3A_416 = vector.broadcast %sign3A_415 : i32 to vector<3584x54xi32>
    %sign3A_417 = arith.cmpi slt, %select_n3A_376, %sign3A_416 : vector<3584x54xi32>
    %sign3A_418 = arith.extui %sign3A_417 : vector<3584x54xi1> to vector<3584x54xi32>
    %sign3A_419 = arith.subi %sign3A_414, %sign3A_418 : vector<3584x54xi32>
    %sign3A_420 = arith.constant 0 : i32
    %sign3A_421 = arith.cmpi sgt, %jit3A_408, %sign3A_420 : i32
    %sign3A_422 = arith.extui %sign3A_421 : i1 to i32
    %sign3A_423 = arith.constant 0 : i32
    %sign3A_424 = arith.cmpi slt, %jit3A_408, %sign3A_423 : i32
    %sign3A_425 = arith.extui %sign3A_424 : i1 to i32
    %sign3A_426 = arith.subi %sign3A_422, %sign3A_425 : i32
    %ne3A_427 = vector.broadcast %sign3A_426 : i32 to vector<3584x54xi32>
    %ne3A_428 = arith.cmpi ne, %sign3A_419, %ne3A_427 : vector<3584x54xi32>
    %rem3A_429 = vector.broadcast %jit3A_408 : i32 to vector<3584x54xi32>
    %rem3A_430 = arith.remsi %select_n3A_376, %rem3A_429 : vector<3584x54xi32>
    %ne3A_431 = arith.constant 0 : i32
    %ne3A_432 = vector.broadcast %ne3A_431 : i32 to vector<3584x54xi32>
    %ne3A_433 = arith.cmpi ne, %rem3A_430, %ne3A_432 : vector<3584x54xi32>
    %and3A_434 = arith.andi %ne3A_428, %ne3A_433 : vector<3584x54xi1>
    %sub3A_435 = arith.constant 1 : i32
    %sub3A_436 = vector.broadcast %sub3A_435 : i32 to vector<3584x54xi32>
    %sub3A_437 = arith.subi %div3A_410, %sub3A_436 : vector<3584x54xi32>
    %select_n3A_438 = arith.select %and3A_434, %sub3A_437, %div3A_410 : vector<3584x54xi1>, vector<3584x54xi32>
    %sub3A_439 = arith.constant 1 : i32
    %sub3A_440 = vector.broadcast %sub3A_439 : i32 to vector<3584x54xi32>
    %sub3A_441 = arith.subi %select_n3A_438, %sub3A_440 : vector<3584x54xi32>
    %convert_element_type3A_442 = arith.sitofp %sub3A_441 : vector<3584x54xi32> to vector<3584x54xf32>
    %jit3A_443 = arith.constant 3 : i32
    %eq3A_444 = arith.constant 0 : i32
    %eq3A_445 = arith.cmpi eq, %jit3A_443, %eq3A_444 : i32
    %jit3A_446 = arith.constant 1 : i32
    %select_n3A_447 = arith.select %eq3A_445, %jit3A_446, %jit3A_443 : i32
    %rem3A_448 = vector.broadcast %select_n3A_447 : i32 to vector<3584x54xi32>
    %rem3A_449 = arith.remsi %select_n3A_376, %rem3A_448 : vector<3584x54xi32>
    %ne3A_450 = arith.constant 0 : i32
    %ne3A_451 = vector.broadcast %ne3A_450 : i32 to vector<3584x54xi32>
    %ne3A_452 = arith.cmpi ne, %rem3A_449, %ne3A_451 : vector<3584x54xi32>
    %lt3A_453 = arith.constant 0 : i32
    %lt3A_454 = vector.broadcast %lt3A_453 : i32 to vector<3584x54xi32>
    %lt3A_455 = arith.cmpi slt, %rem3A_449, %lt3A_454 : vector<3584x54xi32>
    %lt3A_456 = arith.constant 0 : i32
    %lt3A_457 = arith.cmpi slt, %select_n3A_447, %lt3A_456 : i32
    %ne3A_458 = vector.broadcast %lt3A_457 : i1 to vector<3584x54xi1>
    %ne3A_459 = vector.broadcast %ne3A_458 : vector<3584x54xi1> to vector<3584x54xi1>
    %ne3A_460 = arith.xori %lt3A_455, %ne3A_459 : vector<3584x54xi1>
    %and3A_461 = arith.andi %ne3A_460, %ne3A_452 : vector<3584x54xi1>
    %add3A_462 = vector.broadcast %select_n3A_447 : i32 to vector<3584x54xi32>
    %add3A_463 = arith.addi %rem3A_449, %add3A_462 : vector<3584x54xi32>
    %select_n3A_464 = arith.select %and3A_461, %add3A_463, %rem3A_449 : vector<3584x54xi1>, vector<3584x54xi32>
    %sub3A_465 = arith.constant 1 : i32
    %sub3A_466 = vector.broadcast %sub3A_465 : i32 to vector<3584x54xi32>
    %sub3A_467 = arith.subi %select_n3A_464, %sub3A_466 : vector<3584x54xi32>
    %convert_element_type3A_468 = arith.sitofp %sub3A_467 : vector<3584x54xi32> to vector<3584x54xf32>
    %add3A_469 = vector.broadcast %add3A_349 : vector<3584x1xf32> to vector<3584x54xf32>
    %add3A_470 = arith.addf %add3A_469, %convert_element_type3A_442 : vector<3584x54xf32>
    %add3A_471 = arith.addf %add3A_470, %add3A_197 : vector<3584x54xf32>
    %convert_element_type3A_472 = arith.fptosi %add3A_471 : vector<3584x54xf32> to vector<3584x54xi32>
    %jit3A_473 = arith.constant 0 : i32
    %jit3A_474 = arith.constant 225 : i32
    %max3A = vector.broadcast %jit3A_473 : i32 to vector<3584x54xi32>
    %max3A_475 = arith.maxsi %max3A, %convert_element_type3A_472 : vector<3584x54xi32>
    %min3A = vector.broadcast %jit3A_474 : i32 to vector<3584x54xi32>
    %min3A_476 = arith.minsi %min3A, %max3A_475 : vector<3584x54xi32>
    %add3A_477 = vector.broadcast %add3A_353 : vector<3584x1xf32> to vector<3584x54xf32>
    %add3A_478 = arith.addf %add3A_477, %convert_element_type3A_468 : vector<3584x54xf32>
    %add3A_479 = arith.addf %add3A_478, %add3A_209 : vector<3584x54xf32>
    %convert_element_type3A_480 = arith.fptosi %add3A_479 : vector<3584x54xf32> to vector<3584x54xi32>
    %jit3A_481 = arith.constant 0 : i32
    %jit3A_482 = arith.constant 225 : i32
    %max3A_483 = vector.broadcast %jit3A_481 : i32 to vector<3584x54xi32>
    %max3A_484 = arith.maxsi %max3A_483, %convert_element_type3A_480 : vector<3584x54xi32>
    %min3A_485 = vector.broadcast %jit3A_482 : i32 to vector<3584x54xi32>
    %min3A_486 = arith.minsi %min3A_485, %max3A_484 : vector<3584x54xi32>
    %ge3A = arith.constant 1 : i32
    %ge3A_487 = vector.broadcast %ge3A : i32 to vector<3584x54xi32>
    %ge3A_488 = arith.cmpi sge, %min3A_476, %ge3A_487 : vector<3584x54xi32>
    %le3A = arith.constant 224 : i32
    %le3A_489 = vector.broadcast %le3A : i32 to vector<3584x54xi32>
    %le3A_490 = arith.cmpi sle, %min3A_476, %le3A_489 : vector<3584x54xi32>
    %and3A_491 = arith.andi %ge3A_488, %le3A_490 : vector<3584x54xi1>
    %ge3A_492 = arith.constant 1 : i32
    %ge3A_493 = vector.broadcast %ge3A_492 : i32 to vector<3584x54xi32>
    %ge3A_494 = arith.cmpi sge, %min3A_486, %ge3A_493 : vector<3584x54xi32>
    %and3A_495 = arith.andi %and3A_491, %ge3A_494 : vector<3584x54xi1>
    %le3A_496 = arith.constant 224 : i32
    %le3A_497 = vector.broadcast %le3A_496 : i32 to vector<3584x54xi32>
    %le3A_498 = arith.cmpi sle, %min3A_486, %le3A_497 : vector<3584x54xi32>
    %and3A_499 = arith.andi %and3A_495, %le3A_498 : vector<3584x54xi1>
    %sub3A_500 = arith.constant 1 : i32
    %sub3A_501 = vector.broadcast %sub3A_500 : i32 to vector<3584x54xi32>
    %sub3A_502 = arith.subi %min3A_476, %sub3A_501 : vector<3584x54xi32>
    %jit3A_503 = arith.constant 0 : i32
    %jit3A_504 = arith.constant 223 : i32
    %max3A_505 = vector.broadcast %jit3A_503 : i32 to vector<3584x54xi32>
    %max3A_506 = arith.maxsi %max3A_505, %sub3A_502 : vector<3584x54xi32>
    %min3A_507 = vector.broadcast %jit3A_504 : i32 to vector<3584x54xi32>
    %min3A_508 = arith.minsi %min3A_507, %max3A_506 : vector<3584x54xi32>
    %sub3A_509 = arith.constant 1 : i32
    %sub3A_510 = vector.broadcast %sub3A_509 : i32 to vector<3584x54xi32>
    %sub3A_511 = arith.subi %min3A_486, %sub3A_510 : vector<3584x54xi32>
    %jit3A_512 = arith.constant 0 : i32
    %jit3A_513 = arith.constant 223 : i32
    %max3A_514 = vector.broadcast %jit3A_512 : i32 to vector<3584x54xi32>
    %max3A_515 = arith.maxsi %max3A_514, %sub3A_511 : vector<3584x54xi32>
    %min3A_516 = vector.broadcast %jit3A_513 : i32 to vector<3584x54xi32>
    %min3A_517 = arith.minsi %min3A_516, %max3A_515 : vector<3584x54xi32>
    %mul3A_518 = arith.constant 224 : i32
    %mul3A_519 = arith.muli %arg0, %mul3A_518 : i32
    %add3A_520 = vector.broadcast %mul3A_519 : i32 to vector<3584x54xi32>
    %add3A_521 = arith.addi %add3A_520, %min3A_508 : vector<3584x54xi32>
    %mul3A_522 = arith.constant 224 : i32
    %mul3A_523 = vector.broadcast %mul3A_522 : i32 to vector<3584x54xi32>
    %mul3A_524 = arith.muli %add3A_521, %mul3A_523 : vector<3584x54xi32>
    %add3A_525 = arith.addi %mul3A_524, %min3A_517 : vector<3584x54xi32>
    %mul3A_526 = arith.constant 6 : i32
    %mul3A_527 = vector.broadcast %mul3A_526 : i32 to vector<3584x54xi32>
    %mul3A_528 = arith.muli %add3A_525, %mul3A_527 : vector<3584x54xi32>
    %add3A_529 = arith.addi %mul3A_528, %select_n3A_407 : vector<3584x54xi32>
    %swap3A_530 = arith.constant 0 : index
    %swap3A_531 = arith.constant 0 : index
    %swap3A_532 = vector.load %arg16[%swap3A_530, %swap3A_531] : memref<3584x54xi32, #tpu.memory_space<vmem>>, vector<3584x54xi32>
    tpu.vector_store %arg16[%swap3A_530, %swap3A_531], %add3A_529 {strides = array<i32>} : memref<3584x54xi32, #tpu.memory_space<vmem>>, vector<3584x54xi32>,
    %convert_element_type3A_533 = arith.extui %and3A_499 : vector<3584x54xi1> to vector<3584x54xi32>
    %convert_element_type3A_534 = arith.sitofp %convert_element_type3A_533 : vector<3584x54xi32> to vector<3584x54xf32>
    %mul3A_535 = arith.mulf %div3A_289, %convert_element_type3A_534 : vector<3584x54xf32>
    %swap3A_536 = arith.constant 0 : index
    %swap3A_537 = arith.constant 0 : index
    %swap3A_538 = vector.load %arg17[%swap3A_536, %swap3A_537] : memref<3584x54xf32, #tpu.memory_space<vmem>>, vector<3584x54xf32>
    tpu.vector_store %arg17[%swap3A_536, %swap3A_537], %mul3A_535 {strides = array<i32>} : memref<3584x54xf32, #tpu.memory_space<vmem>>, vector<3584x54xf32>,
    return
  }
  func.func @transform_1(%arg0: i32, %arg1: i32) -> (i32, i32) {
    %c0_i32 = arith.constant 0 : i32
    %c0_i32_0 = arith.constant 0 : i32
    %c0_i32_1 = arith.constant 0 : i32
    return %c0_i32, %c0_i32_0 : i32, i32
  }
  func.func @transform_2(%arg0: i32, %arg1: i32) -> (i32, i32) {
    %c0_i32 = arith.constant 0 : i32
    %c0_i32_0 = arith.constant 0 : i32
    %c0_i32_1 = arith.constant 0 : i32
    return %c0_i32, %c0_i32_0 : i32, i32
  }
  func.func @transform_3(%arg0: i32, %arg1: i32) -> (i32, i32) {
    %c0_i32 = arith.constant 0 : i32
    %c0_i32_0 = arith.constant 0 : i32
    %c0_i32_1 = arith.constant 0 : i32
    return %c0_i32, %c0_i32_0 : i32, i32
  }
  func.func @transform_4(%arg0: i32, %arg1: i32) -> (i32, i32) {
    %c0_i32 = arith.constant 0 : i32
    %c0_i32_0 = arith.constant 0 : i32
    %c0_i32_1 = arith.constant 0 : i32
    return %c0_i32, %c0_i32_0 : i32, i32
  }
  func.func @transform_5(%arg0: i32, %arg1: i32) -> (i32, i32) {
    %c0_i32 = arith.constant 0 : i32
    %c0_i32_0 = arith.constant 0 : i32
    %c0_i32_1 = arith.constant 0 : i32
    return %c0_i32, %c0_i32_0 : i32, i32
  }
  func.func @transform_6(%arg0: i32, %arg1: i32) -> (i32, i32) {
    %c0_i32 = arith.constant 0 : i32
    %c0_i32_0 = arith.constant 0 : i32
    %c0_i32_1 = arith.constant 0 : i32
    return %c0_i32, %c0_i32_0 : i32, i32
  }
  func.func @transform_7(%arg0: i32, %arg1: i32) -> (i32, i32) {
    %c0_i32 = arith.constant 0 : i32
    %c0_i32_0 = arith.constant 0 : i32
    %c0_i32_1 = arith.constant 0 : i32
    return %c0_i32, %c0_i32_0 : i32, i32
  }
  func.func @transform_8(%arg0: i32, %arg1: i32) -> (i32, i32) {
    %c0_i32 = arith.constant 0 : i32
    %c0_i32_0 = arith.constant 0 : i32
    %c0_i32_1 = arith.constant 0 : i32
    return %c0_i32, %c0_i32_0 : i32, i32
  }
  func.func @transform_9(%arg0: i32, %arg1: i32) -> (i32, i32) {
    %c0_i32 = arith.constant 0 : i32
    %c0_i32_0 = arith.constant 0 : i32
    %c0_i32_1 = arith.constant 0 : i32
    return %c0_i32, %c0_i32_0 : i32, i32
  }
  func.func @transform_10(%arg0: i32, %arg1: i32) -> (i32, i32) {
    %c0_i32 = arith.constant 0 : i32
    %c0_i32_0 = arith.constant 0 : i32
    %c0_i32_1 = arith.constant 0 : i32
    return %c0_i32, %c0_i32_0 : i32, i32
  }
  func.func @transform_11(%arg0: i32, %arg1: i32) -> (i32, i32) {
    %c0_i32 = arith.constant 0 : i32
    %c0_i32_0 = arith.constant 0 : i32
    %c0_i32_1 = arith.constant 0 : i32
    return %c0_i32, %c0_i32_0 : i32, i32
  }
  func.func @transform_12(%arg0: i32, %arg1: i32) -> (i32, i32) {
    %c0_i32 = arith.constant 0 : i32
    %c0_i32_0 = arith.constant 0 : i32
    %c0_i32_1 = arith.constant 0 : i32
    return %c0_i32, %c0_i32_0 : i32, i32
  }
  func.func @transform_13(%arg0: i32, %arg1: i32) -> (i32, i32) {
    %mul3A = arith.constant 14 : i32
    %mul3A_0 = arith.muli %arg0, %mul3A : i32
    %add3A = arith.addi %mul3A_0, %arg1 : i32
    %c0_i32 = arith.constant 0 : i32
    %c0_i32_1 = arith.constant 0 : i32
    return %add3A, %c0_i32 : i32, i32
  }
  func.func @transform_14(%arg0: i32, %arg1: i32) -> (i32, i32) {
    %mul3A = arith.constant 14 : i32
    %mul3A_0 = arith.muli %arg0, %mul3A : i32
    %add3A = arith.addi %mul3A_0, %arg1 : i32
    %c0_i32 = arith.constant 0 : i32
    %c0_i32_1 = arith.constant 0 : i32
    return %add3A, %c0_i32 : i32, i32
  }
  func.func @transform_15(%arg0: i32, %arg1: i32) -> (i32, i32) {
    %mul3A = arith.constant 14 : i32
    %mul3A_0 = arith.muli %arg0, %mul3A : i32
    %add3A = arith.addi %mul3A_0, %arg1 : i32
    %c0_i32 = arith.constant 0 : i32
    %c0_i32_1 = arith.constant 0 : i32
    return %add3A, %c0_i32 : i32, i32
  }
}

module attributes {stable_mosaic.version = 14 : i64} {
  func.func @_tail_body(%arg0: i32, %arg1: memref<2048x96xf32, #tpu.memory_space<vmem>>, %arg2: memref<96x96xf32, #tpu.memory_space<vmem>>, %arg3: memref<1x96xf32, #tpu.memory_space<vmem>>, %arg4: memref<2048x96xf32, #tpu.memory_space<vmem>>) attributes {dimension_semantics = [#tpu.dimension_semantics<arbitrary>], iteration_bounds = array<i64: 49>, scalar_prefetch = 0 : i64, scratch_operands = 0 : i64, tpu.core_type = #tpu.core_type<tc>, window_params = [{transform_indices = @transform_0, window_bounds = array<i64: 2048, 96>}, {pipeline_mode = #tpu.pipeline_mode<synchronous>, transform_indices = @transform_1, window_bounds = array<i64: 96, 96>}, {pipeline_mode = #tpu.pipeline_mode<synchronous>, transform_indices = @transform_2, window_bounds = array<i64: 1, 96>}, {transform_indices = @transform_3, window_bounds = array<i64: 2048, 96>}]} {
    %get3A = arith.constant 0 : index
    %get3A_0 = arith.constant 0 : index
    %get3A_1 = vector.load %arg1[%get3A, %get3A_0] : memref<2048x96xf32, #tpu.memory_space<vmem>>, vector<2048x96xf32>
    %get3A_2 = arith.constant 0 : index
    %get3A_3 = arith.constant 0 : index
    %get3A_4 = vector.load %arg2[%get3A_2, %get3A_3] : memref<96x96xf32, #tpu.memory_space<vmem>>, vector<96x96xf32>
    %dot_general3A = arith.constant dense<0.000000e+00> : vector<2048x96xf32>
    %dot_general3A_5 = tpu.matmul %get3A_1, %get3A_4, %dot_general3A {dimension_numbers = #tpu.dot_dimension_numbers<[1], [0], [0], [1], [0, 0, 1, 1], [], []>, transpose_lhs_hint = false} : vector<2048x96xf32>, vector<96x96xf32>, vector<2048x96xf32> -> vector<2048x96xf32>
    %get3A_6 = arith.constant 0 : index
    %get3A_7 = arith.constant 0 : index
    %get3A_8 = vector.load %arg3[%get3A_6, %get3A_7] : memref<1x96xf32, #tpu.memory_space<vmem>>, vector<1x96xf32>
    %get3A_9 = vector.shape_cast %get3A_8 : vector<1x96xf32> to vector<96xf32>
    %broadcast_in_dim3A = vector.shape_cast %get3A_9 : vector<96xf32> to vector<1x96xf32>
    %add3A = vector.broadcast %broadcast_in_dim3A : vector<1x96xf32> to vector<2048x96xf32>
    %add3A_10 = arith.addf %dot_general3A_5, %add3A : vector<2048x96xf32>
    %swap3A = arith.constant 0 : index
    %swap3A_11 = arith.constant 0 : index
    %swap3A_12 = vector.load %arg4[%swap3A, %swap3A_11] : memref<2048x96xf32, #tpu.memory_space<vmem>>, vector<2048x96xf32>
    tpu.vector_store %arg4[%swap3A, %swap3A_11], %add3A_10 {strides = array<i32>} : memref<2048x96xf32, #tpu.memory_space<vmem>>, vector<2048x96xf32>,
    return
  }
  func.func @transform_0(%arg0: i32) -> (i32, i32) {
    %c0_i32 = arith.constant 0 : i32
    %c0_i32_0 = arith.constant 0 : i32
    return %arg0, %c0_i32 : i32, i32
  }
  func.func @transform_1(%arg0: i32) -> (i32, i32) {
    %c0_i32 = arith.constant 0 : i32
    %c0_i32_0 = arith.constant 0 : i32
    %c0_i32_1 = arith.constant 0 : i32
    return %c0_i32, %c0_i32_0 : i32, i32
  }
  func.func @transform_2(%arg0: i32) -> (i32, i32) {
    %c0_i32 = arith.constant 0 : i32
    %c0_i32_0 = arith.constant 0 : i32
    %c0_i32_1 = arith.constant 0 : i32
    return %c0_i32, %c0_i32_0 : i32, i32
  }
  func.func @transform_3(%arg0: i32) -> (i32, i32) {
    %c0_i32 = arith.constant 0 : i32
    %c0_i32_0 = arith.constant 0 : i32
    return %arg0, %c0_i32 : i32, i32
  }
}

</mosaic_0001>

<sc_bundles>
// kernel: kernel.5.cloned.1.call-start
scs
__scs_entry_jumppad:
0x0: {  	(pc) =	sbr.rel $0x88, $3  }
0x1: {  	(tag) =	ssettag $0x0;
	lr =	simm.s32 $0x1  }
0x2: {  	[smem:$0x3F94] =	sst lr;
	_ =	strace $0xD0000000  }
0x3: {  	_ = 	snop  }
0x4: {  	_ = 	snop  }
0x5: {  	_ = 	snop  }
0x6: {  	_ = 	snop  }
0x7: {  	_ = 	snop  }
__scs_overlays_trampoline_lowered:
0x8: {  	[smem:$0x3FA3] =	sst s0  }
0x9: {  	[smem:$0x3FA4] =	sst s1  }
0xa: {  	[smem:$0x3FA5] =	sst s2  }
0xb: {  	[smem:$0x3FA6] =	sst s3  }
0xc: {  	[smem:$0x3FA7] =	sst s4  }
0xd: {  	[smem:$0x3FA8] =	sst s5  }
0xe: {  	[smem:$0x3FA9] =	sst s6  }
0xf: {  	[smem:$0x3FAA] =	sst s7  }
0x10: {  	[smem:$0x3FAB] =	sst s8  }
0x11: {  	[smem:$0x3FAC] =	sst s9;
	s0 =	simm.s32 @!p0 $0x0  }
0x12: {  	s1 =	sld [smem:$0x3F92];
	s0 =	simm.s32 @p0 $0x1  }
0x13: {  	[smem:$0x3FAD] =	sst s0;
	s0 =	simm.s32 @!p1 $0x0  }
0x14: {  	s2 =	sld [smem:$0x3F91];
	s0 =	simm.s32 @p1 $0x1  }
0x15: {  	[smem:$0x3FAE] =	sst s0;
	s0 =	simm.s32 @!p2 $0x0  }
0x16: {  	s3 =	sld [smem:$0x3FDB];
	s0 =	simm.s32 @p2 $0x1  }
0x17: {  	s4 =	simm.s32 $0x1BF5;
	[smem:$0x3FB0] =	sst s0  }
0x18: {  	s0 =	sld [smem:$0x3F93];
	_ =	swait.ge [sflag:s4], $0x0  }
0x19: {  	s7 =	sld [smem:$0x3F94]  }
0x1a: {  	s8 =	sadd.s32 $0xFFFFE003, lr  }
0x1b: {  	s9 =	sadd.s32 $0xFFFFFEF7, lr;
	s5 =	simm.s32 $0xFFFFFFFF;
	p2 =	slt.u32 s8, $0xFFFFF086  }
0x1c: {  	p1 =	slt.u32 s9, $0xF7A;
	s5 =	simm.s32 @!p2 $0x0  }
0x1d: {  	s5 =	simm.s32 @p1 $0x1;
	p0 =	seq.s32 s7, s2  }
0x1e: {  	s7 =	smul.u32 @!p0 $0xF7A, s2;
	p2 =	seq.s32 @!p0 s5, $0x0  }
0x1f: {  	s9 =	smul.u32 $0xF7A, s1;
	s8 =	simm.s32 @!p0 $0x1BF5;
	p2 =	por !p2, p0  }
0x20: {  	[sflag:s8] =	ssyncset.s32 @!p0 $0xFFFFF086;
	s6 =	sadd.s32 @!p0 s3, s7;
	s7 =	simm.s32 @!p0 $0x108  }
0x21: {  	s3 =	sadd.s32 s3, s9;
	s6 =	sadd.s32 @!p0 $0x88, s6;
	s7 =	simm.s32 @p2 $0x1082  }
0x22: {  	[simem:s7], [sflag:s8] =	dma.local @!p0 [hbm:s6], $0xF7A  }
0x23: {  	s9 =	sor.u32 $0xD0000000, s2;
	s6 =	simm.s32 $0x108;
	_ =	swait.ge @!p0 [sflag:s8], $0x0  }
0x24: {  	s3 =	sadd.s32 $0x88, s3;
	s6 =	simm.s32 @!p1 $0x1082;
	[sflag:s4] =	ssyncset.s32 $0xFFFFF086  }
0x25: {  	[simem:s6], [sflag:s4] =	dma.local [hbm:s3], $0xF7A  }
0x26: {  	[smem:$0x3F94] =	sst s1;
	(tag) =	ssettag s2;
	_ =	strace s9  }
0x27: {  	s1 =	sld [smem:$0x3FA4]  }
0x28: {  	s2 =	sld [smem:$0x3FA5]  }
0x29: {  	s4 =	sld [smem:$0x3FA7]  }
0x2a: {  	p0 =	seq.s32 s5, $0x0;
	s5 =	sld [smem:$0x3FA8]  }
0x2b: {  	s6 =	sld [smem:$0x3FA9]  }
0x2c: {  	s7 =	sld [smem:$0x3FAA]  }
0x2d: {  	s3 =	simm.s32 $0x108;
	s8 =	sld [smem:$0x3FAB]  }
0x2e: {  	s3 =	simm.s32 @!p0 $0x1082;
	s9 =	sld [smem:$0x3FAC]  }
0x2f: {  	lr =	sadd.s32 s0, s3;
	s0 =	sld [smem:$0x3FA3]  }
0x30: {  	s3 =	sld [smem:$0x3FA6]  }
0x31: {  	[smem:$0x3FAF] =	sst s10  }
0x32: {  	s10 =	sld [smem:$0x3FAD];
	_ =	sdelay $0x3  }
0x33: {  	p0 =	seq.s32 s10, $0x1;
	s10 =	sld [smem:$0x3FAF];
	_ =	sdelay $0x3  }
0x34: {  	[smem:$0x3FAF] =	sst s10  }
0x35: {  	s10 =	sld [smem:$0x3FAE];
	_ =	sdelay $0x3  }
0x36: {  	p1 =	seq.s32 s10, $0x1;
	s10 =	sld [smem:$0x3FAF];
	_ =	sdelay $0x3  }
0x37: {  	[smem:$0x3FAF] =	sst s10  }
0x38: {  	s10 =	sld [smem:$0x3FB0]  }
0x39: {  	_ = 	snop;
	(pc) =	sbr.ind lr, $3  }
0x3a: {  	_ = 	snop  }
0x3b: {  	_ = 	snop  }
0x3c: {  	p2 =	seq.s32 s10, $0x1;
	s10 =	sld [smem:$0x3FAF]  }
0x3d: {  	_ =	shalt  }
0x3e: {  	_ =	shalt  }
0x3f: {  	_ =	shalt  }
0x40: {  	_ =	shalt  }
0x41: {  	_ =	shalt  }
0x42: {  	_ =	shalt  }
0x43: {  	_ =	shalt  }
0x44: {  	_ =	shalt  }
0x45: {  	_ =	shalt  }
0x46: {  	_ =	shalt  }
0x47: {  	_ =	shalt  }
0x48: {  	_ =	shalt  }
0x49: {  	_ =	shalt  }
0x4a: {  	_ =	shalt  }
0x4b: {  	_ =	shalt  }
0x4c: {  	_ =	shalt  }
0x4d: {  	_ =	shalt  }
0x4e: {  	_ =	shalt  }
0x4f: {  	_ =	shalt  }
0x50: {  	_ =	shalt  }
0x51: {  	_ =	shalt  }
0x52: {  	_ =	shalt  }
0x53: {  	_ =	shalt  }
0x54: {  	_ =	shalt  }
0x55: {  	_ =	shalt  }
0x56: {  	_ =	shalt  }
0x57: {  	_ =	shalt  }
0x58: {  	_ =	shalt  }
0x59: {  	_ =	shalt  }
0x5a: {  	_ =	shalt  }
0x5b: {  	_ =	shalt  }
0x5c: {  	_ =	shalt  }
0x5d: {  	_ =	shalt  }
0x5e: {  	_ =	shalt  }
0x5f: {  	_ =	shalt  }
0x60: {  	_ =	shalt  }
0x61: {  	_ =	shalt  }
0x62: {  	_ =	shalt  }
0x63: {  	_ =	shalt  }
0x64: {  	_ =	shalt  }
0x65: {  	_ =	shalt  }
0x66: {  	_ =	shalt  }
0x67: {  	_ =	shalt  }
0x68: {  	_ =	shalt  }
0x69: {  	_ =	shalt  }
0x6a: {  	_ =	shalt  }
0x6b: {  	_ =	shalt  }
0x6c: {  	_ =	shalt  }
0x6d: {  	_ =	shalt  }
0x6e: {  	_ =	shalt  }
0x6f: {  	_ =	shalt  }
0x70: {  	_ =	shalt  }
0x71: {  	_ =	shalt  }
0x72: {  	_ =	shalt  }
0x73: {  	_ =	shalt  }
0x74: {  	_ =	shalt  }
0x75: {  	_ =	shalt  }
0x76: {  	_ =	shalt  }
0x77: {  	_ =	shalt  }
0x78: {  	_ =	shalt  }
0x79: {  	_ =	shalt  }
0x7a: {  	_ =	shalt  }
0x7b: {  	_ =	shalt  }
0x7c: {  	_ =	shalt  }
0x7d: {  	_ =	shalt  }
0x7e: {  	_ =	shalt  }
0x7f: {  	_ =	shalt  }
0x80: {  	_ =	shalt  }
0x81: {  	_ =	shalt  }
0x82: {  	_ =	shalt  }
0x83: {  	_ =	shalt  }
0x84: {  	_ =	shalt  }
0x85: {  	_ =	shalt  }
0x86: {  	_ =	shalt  }
0x87: {  	_ =	shalt  }
.Lfunc_end0:
.L_simem_size_0:
called_computation.1_lowered:
.L_overlay_start_0:
0x88: {  	s2 =	sld [smem:$0x3FD9]  }
0x89: {  	s3 =	sld [smem:$0x3FFE];
	_ =	sdelay $0x1  }
0x8a: {  	s1 =	srdreg.scid  }
0x8b: {  	s0 =	sand.u32 $0x1, s1  }
0x8c: {  	s17 =	sshll.u32 s0, $0xA;
	s2 =	sadd.s32 s3, s2  }
0x8d: {  	s2 =	sadd.s32 s2, s17  }
0x8e: {  	[smem:$0x3FBB] =	sst s2  }
0x8f: {  	_ = 	snop  }
0x90: {  	s2 =	sld [smem:$0x3FD0];
	(tm) =	ssettm $0x1  }
0x91: {  	s18 =	sld [smem:$0x3FFB];
	_ =	sdelay $0x3  }
0x92: {  	_ =	strace s18  }
0x93: {  	s3 =	sld [smem:$0x3FFC];
	_ =	sdelay $0x3  }
0x94: {  	_ =	strace s3  }
0x95: {  	s3 =	sld [smem:$0x3FFD];
	_ =	sdelay $0x3  }
0x96: {  	_ =	strace s3  }
0x97: {  	_ =	strace $0x8FFFFFFF  }
0x98: {  	s19 =	sld [smem:$0x3FDB];
	_ =	sdelay $0x1  }
0x99: {  	s4 =	simm.s32 $_scs_section_size  }
0x9a: {  	s5 =	simm.s32 $_size__tile_overlayer_lowered;
	s6 =	simm.s32 $_tile_overlayer_lowered  }
0x9b: {  	s22 =	simm.s32 $0x1BFF;
	s21 =	sshll.u32 s6, $0x1;
	s3 =	sadd.s32 s4, s19  }
0x9c: {  	s7 =	simm.s32 $0x0;
	s20 =	sshll.u32 s5, $0x1;
	s5 =	sadd.s32 s21, s3  }
0x9d: {  	[timem:s7], [sflag:s22] =	dma.local [hbm:s5], s20  }
0x9e: {  	_ =	swait.ge [sflag:s22], s20  }
0x9f: {  	s4 =	ssub.s32 $0x0, s20;
	[sflag:s22] =	ssyncset.done $0x0  }
0xa0: {  	[sflag:s22] =	ssyncadd.s32 s4;
	_ =	sdelay $0x1  }
0xa1: {  	s23 =	simm.s32 $0x1B8B  }
0xa2: {  	_ =	swait.ge [sflag:s23], $0x1  }
0xa3: {  	[sflag:s23] =	ssyncset.done $0x0  }
0xa4: {  	s25 =	simm.s32 $0x1B8E;
	s24 =	sld [smem:$0x3FFE];
	[sflag:s23] =	ssyncadd.s32 $0xFFFFFFFF  }
0xa5: {  	s26 =	simm.s32 $execute0_lowered;
	[smem:$0x3FD2] =	sst s25  }
0xa6: {  	s5 =	sshll.u32 s26, $0x1;
	_ =	strace $0x80000046;
	[dreg:$0x1] =	wrdreg $0xFFFFFFFF  }
0xa7: {  	s28 =	simm.s32 $_size_execute0_lowered;
	s3 =	sadd.s32 s3, s5;
	[dreg:$0x0] =	wrdreg $0x0  }
0xa8: {  	s5 =	sshll.u32 s28, $0x1;
	[dreg:$0x2] =	wrdreg s3  }
0xa9: {  	[dreg:$0x3] =	wrdreg s5  }
0xaa: {  	[dreg:$0x4] =	wrdreg $0xC0  }
0xab: {  	_ =	task [dreg:s7], $0x5FFFF  }
0xac: {  	[dreg:$0x1] =	wrdreg $0xFFFFFFFF  }
0xad: {  	[dreg:$0x0] =	wrdreg $0x60  }
0xae: {  	[dreg:$0x2] =	wrdreg s2  }
0xaf: {  	[dreg:$0x3] =	wrdreg s24  }
0xb0: {  	[dreg:$0x4] =	wrdreg $0x9  }
0xb1: {  	_ =	task.clear_ibuf [dreg:s7], $0x5FFFF;
	_ =	strace $0x90000046  }
0xb2: {  	s29 =	simm.s32 $0x9;
	_ =	strace $0x80000048  }
0xb3: {  	_ =	swait.ge [sflag:s29], $0x1  }
0xb4: {  	[sflag:s29] =	ssyncadd.s32 $0xFFFFFFFF  }
0xb5: {  	_ =	strace $0x90000048  }
0xb6: {  	_ =	sfence  }
0xb7: {  	s30 =	sld [smem:$0x0];
	_ =	sdelay $0x2  }
0xb8: {  	s31 =	sshll.u32 s1, $0xD;
	s1 =	sshrl.u32 s1, $0x2  }
0xb9: {  	s3 =	sand.u32 $0x4000, s31;
	s1 =	sadd.s32 s1, s30  }
0xba: {  	s0 =	sor.u32 s3, s0;
	s1 =	sshll.u32 s1, $0x11  }
0xbb: {  	s0 =	sor.u32 s1, s0  }
0xbc: {  	s0 =	sadd.s32 $0x8F2B, s0  }
0xbd: {  	[sflag:s0] =	ssyncadd.remote.s32 $0x1  }
0xbe: {  	_ =	sfence.sel $0xFFFF  }
0xbf: {  	[dreg:$0x0] =	wrdreg $0xFFFFFFFF;
	(pc) =	sbr.abs _section_cstart, $3  }
0xc0: {  	[dreg:$0x1] =	wrdreg $0xFFFFFFFF  }
0xc1: {  	_ =	task.clear_ibuf [dreg:s7], $0x2FFFF;
	_ =	strace $0x9FFFFFFF  }
0xc2: {  	(tm) =	ssettm $0x7FFFFFFF  }
0xc3: {  	_ =	shalt  }
tec
execute0_lowered:
.L_overlay_start_1:
0x0: {  	(tag) =	ssettag $0x1  }
0x1: {  	s1 =	rddreg [dreg:$0x0]  }
0x2: {  	s0 =	rddreg [dreg:$0x1];
	s3 =	simm.s32 $0x0;
	s2 =	srdreg.scid  }
0x3: {  	s4 =	stileid.u32;
	s15 =	simm.s32 $0x1;
	s16 =	simm.s32 $0x80  }
0x4: {  	s14 =	simm.s32 $0x480;
	s17 =	simm.s32 $0x9D90;
	s18 =	simm.s32 $0x2  }
0x5: {  	s19 =	simm.s32 $0x3;
	s2 =	sand.u32 $0x1, s2;
	s4 =	sshll.u32 s4, $0x1  }
0x6: {  	s20 =	simm.s32 $0x0;
	[smem:$0x7FF] =	sst s3;
	s11 =	sor.u32 s2, s4  }
0x7: {  	s5 =	sadd.s32 $0xA6C00, s0;
	s6 =	sadd.s32 $0x14C200, s0;
	s7 =	smul.u32 $0x29580, s11  }
0x8: {  	_ =	strace $0x80000047;
	s2 =	ssub.s32 $0x2, s2;
	s9 =	smul.u32 $0x52B0, s11  }
0x9: {  	s4 =	sadd.s32 $0x1600, s0;
	s8 =	sshrl.u32 s2, $0x1;
	s12 =	smul.u32 $0x4980, s11  }
0xa: {  	v0 =	vlaneseq.u32;
	s0 =	simm.s32 $0x400;
	s11 =	smul.u32 $0x49800, s11;
	s30 =	ssub.s32 s2, s8  }
0xb: {  	v1 =	vimm.s32 $0x0;
	v2 =	vimm.s32 $0x1;
	v3 =	vimm.s32 $0x2;
	s31 =	sshrl.u32 s7, $0x3;
	s7 =	sadd.s32 s4, s9;
	s8 =	sadd.s32 s5, s9  }
0xc: {  	v4 =	vimm.s32 $0x3;
	v5 =	vimm.s32 $0x4;
	v6 =	vimm.s32 $0x5;
	s12 =	sadd.s32 $0x100, s12;
	s13 =	smax.u32 s30, $0x1;
	s2 =	sadd.s32 $0x90, s31  }
0xd: {  	v7 =	vimm.s32 $0x6;
	v8 =	vimm.s32 $0x7;
	v9 =	vimm.s32 $0x8;
	s9 =	sadd.s32 s4, s2;
	s10 =	sadd.s32 s5, s2;
	s2 =	simm.s32 $0x4900  }
.LBB2_1:
0xe: {  	[tilespmem:s3], [sflag:$0x1] =	stream.linear.gather [hbm4b:s7+s3], $0x480, $0x38;
	[tilespmem:$0xB220] =	vst v63  }
0xf: {  	s21 =	simm.s32 $0x9900  }
0x10: {  	[tilespmem:s21], [sflag:$0x1] =	stream.linear.gather [hbm4b:s8+s3], $0x480, $0x38;
	[tilespmem:$0xB220] =	vst v63  }
0x11: {  	_ =	swait.ge [sflag:s15], $0x480  }
0x12: {  	[sflag:s15] =	ssyncset.done $0x0  }
0x13: {  	[sflag:s15] =	ssyncadd.s32 $0xFFFFFB80  }
0x14: {  	_ =	swait.ge [sflag:s15], $0x480  }
0x15: {  	[sflag:s15] =	ssyncset.done $0x0  }
0x16: {  	s26 =	simm.s32 $0x900;
	[sflag:s15] =	ssyncadd.s32 $0xFFFFFB80  }
0x17: {  	[tilespmem:s26], [sflag:$0x2] =	stream.indirect.gather [hbm4b:s1+s16], $0x10, s3, s16, $0xb8;
	[tilespmem:$0xB220] =	vst v63  }
0x18: {  	s28 =	simm.s32 $0x1100  }
0x19: {  	[tilespmem:s28], [sflag:$0x2] =	stream.indirect.gather [hbm4b:s1+s16], $0x10, s16, s16, $0xb8;
	[tilespmem:$0xB220] =	vst v63  }
0x1a: {  	s29 =	simm.s32 $0x100;
	s22 =	simm.s32 $0x1900  }
0x1b: {  	[tilespmem:s22], [sflag:$0x2] =	stream.indirect.gather [hbm4b:s1+s16], $0x10, s29, s16, $0xb8;
	[tilespmem:$0xB220] =	vst v63  }
0x1c: {  	s30 =	simm.s32 $0x180;
	s31 =	simm.s32 $0x2100  }
0x1d: {  	[tilespmem:s31], [sflag:$0x2] =	stream.indirect.gather [hbm4b:s1+s16], $0x10, s30, s16, $0xb8;
	[tilespmem:$0xB220] =	vst v63  }
0x1e: {  	s23 =	simm.s32 $0x200;
	s24 =	simm.s32 $0x2900  }
0x1f: {  	[tilespmem:s24], [sflag:$0x2] =	stream.indirect.gather [hbm4b:s1+s16], $0x10, s23, s16, $0xb8;
	[tilespmem:$0xB220] =	vst v63  }
0x20: {  	s25 =	simm.s32 $0x280;
	s26 =	simm.s32 $0x3100  }
0x21: {  	[tilespmem:s26], [sflag:$0x2] =	stream.indirect.gather [hbm4b:s1+s16], $0x10, s25, s16, $0xb8;
	[tilespmem:$0xB220] =	vst v63  }
0x22: {  	s28 =	simm.s32 $0x300;
	s29 =	simm.s32 $0x3900  }
0x23: {  	[tilespmem:s29], [sflag:$0x2] =	stream.indirect.gather [hbm4b:s1+s16], $0x10, s28, s16, $0xb8;
	[tilespmem:$0xB220] =	vst v63  }
0x24: {  	s30 =	simm.s32 $0x380;
	s31 =	simm.s32 $0x4100  }
0x25: {  	[tilespmem:s31], [sflag:$0x2] =	stream.indirect.gather [hbm4b:s1+s16], $0x10, s30, s16, $0xb8;
	[tilespmem:$0xB220] =	vst v63  }
0x26: {  	_ = 	snop  }
0x27: {  	[tilespmem:s2], [sflag:$0x2] =	stream.indirect.gather [hbm4b:s1+s16], $0x10, s0, s16, $0xb8;
	[tilespmem:$0xB220] =	vst v63  }
0x28: {  	_ = 	snop  }
0x29: {  	[tilespmem:s14], [sflag:$0x1] =	stream.linear.gather [hbm4b:s9+s3], $0x480, $0x38;
	[tilespmem:$0xB220] =	vst v63  }
0x2a: {  	p0 =	por $0x0, $0x0;
	s21 =	simm.s32 $0x0  }
0x2b: {  	[tilespmem:s17], [sflag:$0x1] =	stream.linear.gather [hbm4b:s10+s3], $0x480, $0x38;
	[tilespmem:$0xB220] =	vst v63  }
.LBB2_2:
0x2c: {  	_ =	swait.ge [sflag:s18], $0x800  }
0x2d: {  	[sflag:s18] =	ssyncset.done $0x0  }
0x2e: {  	[sflag:s18] =	ssyncadd.s32 $0xFFFFF800  }
0x2f: {  	_ =	swait.ge [sflag:s18], $0x800  }
0x30: {  	[sflag:s18] =	ssyncset.done $0x0  }
0x31: {  	[sflag:s18] =	ssyncadd.s32 $0xFFFFF800  }
0x32: {  	_ =	swait.ge [sflag:s18], $0x800  }
0x33: {  	[sflag:s18] =	ssyncset.done $0x0  }
0x34: {  	[sflag:s18] =	ssyncadd.s32 $0xFFFFF800  }
0x35: {  	_ =	swait.ge [sflag:s18], $0x800  }
0x36: {  	[sflag:s18] =	ssyncset.done $0x0  }
0x37: {  	[sflag:s18] =	ssyncadd.s32 $0xFFFFF800  }
0x38: {  	_ =	swait.ge [sflag:s18], $0x800  }
0x39: {  	[sflag:s18] =	ssyncset.done $0x0  }
0x3a: {  	[sflag:s18] =	ssyncadd.s32 $0xFFFFF800  }
0x3b: {  	_ =	swait.ge [sflag:s18], $0x800  }
0x3c: {  	[sflag:s18] =	ssyncset.done $0x0  }
0x3d: {  	[sflag:s18] =	ssyncadd.s32 $0xFFFFF800  }
0x3e: {  	_ =	swait.ge [sflag:s18], $0x800  }
0x3f: {  	[sflag:s18] =	ssyncset.done $0x0  }
0x40: {  	[sflag:s18] =	ssyncadd.s32 $0xFFFFF800  }
0x41: {  	_ =	swait.ge [sflag:s18], $0x800  }
0x42: {  	[sflag:s18] =	ssyncset.done $0x0  }
0x43: {  	[sflag:s18] =	ssyncadd.s32 $0xFFFFF800  }
0x44: {  	_ =	swait.ge [sflag:s18], $0x800  }
0x45: {  	p1 =	seq.s32 s21, $0x92;
	[sflag:s18] =	ssyncset.done $0x0  }
0x46: {  	s23 =	simm.s32 @!p1 $0x1;
	[sflag:s18] =	ssyncadd.s32 $0xFFFFF800  }
0x47: {  	_ =	swait.ge @!p1 [sflag:s23], $0x480  }
0x48: {  	s22 =	sand.u32 $0x1, s21;
	[sflag:s23] =	ssyncset.done @!p1 $0x0  }
0x49: {  	s24 =	sxor.u32 @!p1 $0x1, s22;
	[sflag:s23] =	ssyncadd.s32 @!p1 $0xFFFFFB80  }
0x4a: {  	s25 =	smul.u32 @!p1 $0x12000, s24;
	_ =	swait.ge @!p1 [sflag:s23], $0x480  }
0x4b: {  	s24 =	smul.u32 @!p1 $0x1200, s24;
	[sflag:s23] =	ssyncset.done @!p1 $0x0  }
0x4c: {  	[sflag:s23] =	ssyncadd.s32 @!p1 $0xFFFFFB80;
	s23 =	sshrl.u32 @!p1 s25, $0x2  }
0x4d: {  	s26 =	simm.s32 @!p1 $0x80;
	s24 =	sshrl.u32 @!p1 s24, $0x2;
	s25 =	sadd.s32 @!p1 $0x900, s23  }
0x4e: {  	[tilespmem:s25], [sflag:$0x2] =	stream.indirect.gather @!p1 [hbm4b:s1+s26], $0x10, s24, s26, $0xb8;
	[tilespmem:$0xB220] =	vst v63  }
0x4f: {  	s28 =	sadd.s32 @!p1 $0x80, s24;
	s25 =	sadd.s32 @!p1 $0x1100, s23  }
0x50: {  	[tilespmem:s25], [sflag:$0x2] =	stream.indirect.gather @!p1 [hbm4b:s1+s26], $0x10, s28, s26, $0xb8;
	[tilespmem:$0xB220] =	vst v63  }
0x51: {  	s25 =	sadd.s32 @!p1 $0x1900, s23;
	s28 =	sadd.s32 @!p1 $0x100, s24  }
0x52: {  	[tilespmem:s25], [sflag:$0x2] =	stream.indirect.gather @!p1 [hbm4b:s1+s26], $0x10, s28, s26, $0xb8;
	[tilespmem:$0xB220] =	vst v63  }
0x53: {  	s25 =	sadd.s32 @!p1 $0x2100, s23;
	s28 =	sadd.s32 @!p1 $0x180, s24  }
0x54: {  	[tilespmem:s25], [sflag:$0x2] =	stream.indirect.gather @!p1 [hbm4b:s1+s26], $0x10, s28, s26, $0xb8;
	[tilespmem:$0xB220] =	vst v63  }
0x55: {  	s25 =	sadd.s32 @!p1 $0x2900, s23;
	s28 =	sadd.s32 @!p1 $0x200, s24  }
0x56: {  	[tilespmem:s25], [sflag:$0x2] =	stream.indirect.gather @!p1 [hbm4b:s1+s26], $0x10, s28, s26, $0xb8;
	[tilespmem:$0xB220] =	vst v63  }
0x57: {  	s25 =	sadd.s32 @!p1 $0x3100, s23;
	s28 =	sadd.s32 @!p1 $0x280, s24  }
0x58: {  	[tilespmem:s25], [sflag:$0x2] =	stream.indirect.gather @!p1 [hbm4b:s1+s26], $0x10, s28, s26, $0xb8;
	[tilespmem:$0xB220] =	vst v63  }
0x59: {  	s25 =	sadd.s32 @!p1 $0x3900, s23;
	s28 =	sadd.s32 @!p1 $0x300, s24  }
0x5a: {  	[tilespmem:s25], [sflag:$0x2] =	stream.indirect.gather @!p1 [hbm4b:s1+s26], $0x10, s28, s26, $0xb8;
	[tilespmem:$0xB220] =	vst v63  }
0x5b: {  	s31 =	simm.s32 $0x0;
	s25 =	sadd.s32 @!p1 $0x4100, s23;
	s28 =	sadd.s32 @!p1 $0x380, s24  }
0x5c: {  	[tilespmem:s25], [sflag:$0x2] =	stream.indirect.gather @!p1 [hbm4b:s1+s26], $0x10, s28, s26, $0xb8;
	[tilespmem:$0xB220] =	vst v63  }
0x5d: {  	p2 =	slt.u32 @!p1 s21, $0x2;
	s23 =	sadd.s32 @!p1 $0x4900, s23;
	s24 =	sadd.s32 @!p1 $0x400, s24  }
0x5e: {  	v10 =	vadd.s32 s31, v0;
	[tilespmem:s23], [sflag:$0x2] =	stream.indirect.gather @!p1 [hbm4b:s1+s26], $0x10, s24, s26, $0xb8;
	[tilespmem:$0xB220] =	vst v63  }
0x5f: {  	s25 =	simm.s32 $0x1;
	p1 =	por p1, !p2;
	s24 =	smul.u32 $0x1240, s22  }
0x60: {  	s25 =	simm.s32 @!p0 $0x0;
	_ =	swait.ge @p1 [sflag:s19], $0x800  }
0x61: {  	s26 =	smul.u32 $0x12000, s25;
	[sflag:s19] =	ssyncset.done @p1 $0x0;
	s23 =	sshrl.u32 s24, $0x2  }
0x62: {  	[sflag:s19] =	ssyncadd.s32 @p1 $0xFFFFF800;
	s23 =	sadd.s32 $0x9900, s23  }
0x63: {  	s24 =	sshrl.u32 s26, $0x2;
	v10 =	vld.idx.msk [tilespmem:v10+s23+$0x0], $0xffff  }
0x64: {  	s24 =	sadd.s32 $0x990, s24  }
0x65: {  	v11 =	vld [tilespmem:s24+$0xFFFFFF70];
	_ =	sdelay $0x1  }
0x66: {  	v12 =	vld [tilespmem:s24+$0xFFFFFF80]  }
0x67: {  	v13 =	vperm.xlane v10, v1  }
0x68: {  	v14 =	vld [tilespmem:s24+$0xFFFFFF90]  }
0x69: {  	v11 =	vmul.f32 v13, v11;
	v13 =	vperm.xlane v10, v2  }
0x6a: {  	v15 =	vld [tilespmem:s24+$0xFFFFFFA0]  }
0x6b: {  	v11 =	vadd.f32 $0.0e+00, v11;
	v12 =	vmul.f32 v13, v12;
	v13 =	vperm.xlane v10, v3  }
0x6c: {  	v16 =	vld [tilespmem:s24+$0xFFFFFFB0]  }
0x6d: {  	v11 =	vadd.f32 v12, v11;
	v12 =	vmul.f32 v13, v14;
	v13 =	vperm.xlane v10, v4  }
0x6e: {  	v14 =	vld [tilespmem:s24+$0xFFFFFFC0]  }
0x6f: {  	v11 =	vadd.f32 v12, v11;
	v12 =	vmul.f32 v13, v15;
	v13 =	vperm.xlane v10, v5  }
0x70: {  	v15 =	vld [tilespmem:s24+$0xFFFFFFD0]  }
0x71: {  	v11 =	vadd.f32 v12, v11;
	v12 =	vmul.f32 v13, v16;
	v13 =	vperm.xlane v10, v6  }
0x72: {  	v61 =	vld [tilespmem:s24+$0xFFFFFFE0]  }
0x73: {  	v11 =	vadd.f32 v12, v11;
	v12 =	vmul.f32 v13, v14;
	v13 =	vperm.xlane v10, v7  }
0x74: {  	v14 =	vld [tilespmem:s24+$0xFFFFFFF0]  }
0x75: {  	v11 =	vadd.f32 v12, v11;
	v12 =	vmul.f32 v13, v15;
	v13 =	vperm.xlane v10, v8;
	_ =	sdelay $0x1  }
0x76: {  	v10 =	vperm.xlane v10, v9;
	v11 =	vadd.f32 v12, v11;
	v12 =	vmul.f32 v13, v61  }
0x77: {  	s31 =	simm.s32 $0x9  }
0x78: {  	v10 =	vmul.f32 v10, v14;
	v11 =	vadd.f32 v12, v11;
	v12 =	vadd.s32 s31, v0;
	_ =	sdelay $0x1  }
0x79: {  	s25 =	sshll.u32 s25, $0xB;
	v10 =	vadd.f32 v10, v11  }
0x7a: {  	s25 =	sor.u32 $0xA230, s25  }
0x7b: {  	[tilespmem:s25+$0xFFFFFFF0] =	vst v10  }
0x7c: {  	v13 =	vld.idx.msk [tilespmem:v12+s23+$0x0], $0xffff;
	_ =	sdelay $0x1  }
0x7d: {  	v10 =	vld [tilespmem:s24+$0x0];
	_ =	sdelay $0x1  }
0x7e: {  	v11 =	vld [tilespmem:s24+$0x10]  }
0x7f: {  	v12 =	vperm.xlane v13, v1  }
0x80: {  	v14 =	vld [tilespmem:s24+$0x20]  }
0x81: {  	v10 =	vmul.f32 v12, v10;
	v12 =	vperm.xlane v13, v2  }
0x82: {  	v15 =	vld [tilespmem:s24+$0x30]  }
0x83: {  	v10 =	vadd.f32 $0.0e+00, v10;
	v11 =	vmul.f32 v12, v11;
	v12 =	vperm.xlane v13, v3  }
0x84: {  	v62 =	vld [tilespmem:s24+$0x40]  }
0x85: {  	v10 =	vadd.f32 v11, v10;
	v11 =	vmul.f32 v12, v14;
	v12 =	vperm.xlane v13, v4  }
0x86: {  	v14 =	vld [tilespmem:s24+$0x50]  }
0x87: {  	v10 =	vadd.f32 v11, v10;
	v11 =	vmul.f32 v12, v15;
	v12 =	vperm.xlane v13, v5;
	_ =	sdelay $0x1  }
0x88: {  	v15 =	vld [tilespmem:s24+$0x60];
	v10 =	vadd.f32 v11, v10;
	v11 =	vmul.f32 v12, v62;
	v12 =	vperm.xlane v13, v6;
	_ =	sdelay $0x1  }
0x89: {  	v63 =	vld [tilespmem:s24+$0x70];
	v10 =	vadd.f32 v11, v10;
	v11 =	vmul.f32 v12, v14  }
0x8a: {  	v12 =	vperm.xlane v13, v7  }
0x8b: {  	v11 =	vadd.f32 v11, v10;
	v10 =	vld [tilespmem:s24+$0x80]  }
0x8c: {  	v14 =	vperm.xlane v13, v8;
	v12 =	vmul.f32 v12, v15;
	_ =	sdelay $0x1  }
0x8d: {  	s29 =	simm.s32 $0x0;
	s28 =	sshll.u32 s22, $0xB;
	v13 =	vperm.xlane v13, v9;
	v11 =	vadd.f32 v12, v11;
	v12 =	vmul.f32 v14, v63  }
0x8e: {  	s30 =	simm.s32 $0x12;
	s28 =	sor.u32 $0xA220, s28;
	s26 =	sadd.s32 $0x1, s21  }
.LBB2_3:
0x8f: {  	v14 =	vadd.s32 s30, v0;
	s29 =	sadd.s32 $0x2, s29;
	v11 =	vadd.f32 v12, v11;
	v10 =	vmul.f32 v13, v10  }
0x90: {  	p1 =	slt.u32 s29, $0x7E  }
0x91: {  	v10 =	vadd.f32 v10, v11;
	_ =	sdelay $0x1  }
0x92: {  	[tilespmem:s25+$0x0] =	vst v10  }
0x93: {  	s24 =	sadd.s32 $0x120, s24;
	v10 =	vld.idx.msk [tilespmem:v14+s23+$0x0], $0xffff  }
0x94: {  	v11 =	vld [tilespmem:s24+$0xFFFFFF70]  }
0x95: {  	v12 =	vld [tilespmem:s24+$0xFFFFFF80]  }
0x96: {  	v13 =	vld [tilespmem:s24+$0xFFFFFF90]  }
0x97: {  	v14 =	vld [tilespmem:s24+$0xFFFFFFA0]  }
0x98: {  	v15 =	vld [tilespmem:s24+$0xFFFFFFB0]  }
0x99: {  	v16 =	vperm.xlane v10, v1;
	v17 =	vld [tilespmem:s24+$0xFFFFFFC0]  }
0x9a: {  	v18 =	vld [tilespmem:s24+$0xFFFFFFD0]  }
0x9b: {  	v11 =	vmul.f32 v16, v11;
	v16 =	vperm.xlane v10, v2;
	v19 =	vld [tilespmem:s24+$0xFFFFFFE0]  }
0x9c: {  	v20 =	vld [tilespmem:s24+$0xFFFFFFF0]  }
0x9d: {  	v11 =	vadd.f32 $0.0e+00, v11;
	v12 =	vmul.f32 v16, v12;
	v16 =	vperm.xlane v10, v3;
	_ =	sdelay $0x1  }
0x9e: {  	v11 =	vadd.f32 v12, v11;
	v12 =	vmul.f32 v16, v13;
	v13 =	vperm.xlane v10, v4;
	_ =	sdelay $0x1  }
0x9f: {  	v11 =	vadd.f32 v12, v11;
	v12 =	vmul.f32 v13, v14;
	v13 =	vperm.xlane v10, v5;
	_ =	sdelay $0x1  }
0xa0: {  	v11 =	vadd.f32 v12, v11;
	v12 =	vmul.f32 v13, v15;
	v13 =	vperm.xlane v10, v6;
	_ =	sdelay $0x1  }
0xa1: {  	v11 =	vadd.f32 v12, v11;
	v12 =	vmul.f32 v13, v17;
	v13 =	vperm.xlane v10, v7;
	_ =	sdelay $0x1  }
0xa2: {  	v11 =	vadd.f32 v12, v11;
	v12 =	vmul.f32 v13, v18;
	v13 =	vperm.xlane v10, v8;
	_ =	sdelay $0x1  }
0xa3: {  	v10 =	vperm.xlane v10, v9;
	v11 =	vadd.f32 v12, v11;
	v12 =	vmul.f32 v13, v19  }
0xa4: {  	s31 =	sadd.s32 $0x9, s30  }
0xa5: {  	v10 =	vmul.f32 v10, v20;
	v11 =	vadd.f32 v12, v11;
	v12 =	vadd.s32 s31, v0;
	_ =	sdelay $0x1  }
0xa6: {  	v10 =	vadd.f32 v10, v11  }
0xa7: {  	s25 =	sadd.s32 $0x20, s25  }
0xa8: {  	[tilespmem:s25+$0xFFFFFFF0] =	vst v10  }
0xa9: {  	v13 =	vld.idx.msk [tilespmem:v12+s23+$0x0], $0xffff  }
0xaa: {  	v10 =	vld [tilespmem:s24+$0x0]  }
0xab: {  	v11 =	vld [tilespmem:s24+$0x10]  }
0xac: {  	v12 =	vld [tilespmem:s24+$0x20]  }
0xad: {  	v14 =	vld [tilespmem:s24+$0x30]  }
0xae: {  	v15 =	vld [tilespmem:s24+$0x40]  }
0xaf: {  	v16 =	vperm.xlane v13, v1;
	v17 =	vld [tilespmem:s24+$0x50]  }
0xb0: {  	v18 =	vld [tilespmem:s24+$0x60]  }
0xb1: {  	v19 =	vperm.xlane v13, v2;
	v16 =	vmul.f32 v16, v10;
	v20 =	vld [tilespmem:s24+$0x70]  }
0xb2: {  	v10 =	vld [tilespmem:s24+$0x80]  }
0xb3: {  	v11 =	vmul.f32 v19, v11;
	v19 =	vperm.xlane v13, v3;
	v16 =	vadd.f32 $0.0e+00, v16;
	_ =	sdelay $0x1  }
0xb4: {  	v12 =	vmul.f32 v19, v12;
	v11 =	vadd.f32 v11, v16;
	v16 =	vperm.xlane v13, v4;
	_ =	sdelay $0x1  }
0xb5: {  	v11 =	vadd.f32 v12, v11;
	v12 =	vmul.f32 v16, v14;
	v14 =	vperm.xlane v13, v5;
	_ =	sdelay $0x1  }
0xb6: {  	v11 =	vadd.f32 v12, v11;
	v12 =	vmul.f32 v14, v15;
	v14 =	vperm.xlane v13, v6;
	_ =	sdelay $0x1  }
0xb7: {  	v11 =	vadd.f32 v12, v11;
	v12 =	vmul.f32 v14, v17;
	v14 =	vperm.xlane v13, v7  }
.Ltmp0:
0xb8: {  	(pc) =	sbr.rel @p1 .LBB2_3-.Ltmp0, $3  }
0xb9: {  	v11 =	vadd.f32 v12, v11;
	v12 =	vmul.f32 v14, v18;
	v14 =	vperm.xlane v13, v8;
	_ =	sdelay $0x1  }
0xba: {  	v13 =	vperm.xlane v13, v9;
	v11 =	vadd.f32 v12, v11;
	v12 =	vmul.f32 v14, v20  }
0xbb: {  	s30 =	sadd.s32 $0x12, s30  }
0xbc: {  	v11 =	vadd.f32 v12, v11;
	v10 =	vmul.f32 v13, v10  }
0xbd: {  	s24 =	sshll.u32 s21, $0xB  }
0xbe: {  	p1 =	sgt.u32 s21, $0x90;
	s24 =	sadd.s32 s11, s24;
	v10 =	vadd.f32 v10, v11  }
0xbf: {  	s21 =	sshll.u32 @!p1 s21, $0x7;
	s24 =	sshrl.u32 s24, $0x3  }
0xc0: {  	s21 =	sadd.s32 @!p1 s21, s12;
	s24 =	sadd.s32 s6, s24;
	[tilespmem:s25+$0x0] =	vst v10  }
0xc1: {  	[hbm4b:s24+s3] =	stream.linear.scatter [tilespmem:s28], [sflag:$0x3], $0x800, $0x38;
	[tilespmem:$0xB220] =	vst v63  }
0xc2: {  	s22 =	smul.u32 @!p1 $0x1200, s22;
	s24 =	sshrl.u32 @!p1 s21, $0x3  }
0xc3: {  	s21 =	sadd.s32 @!p1 s21, s24  }
0xc4: {  	s22 =	sshrl.u32 @!p1 s22, $0x2;
	s25 =	simm.s32 @!p1 $0x0;
	s24 =	sadd.s32 @!p1 s4, s21  }
0xc5: {  	[tilespmem:s22], [sflag:$0x1] =	stream.linear.gather @!p1 [hbm4b:s24+s25], $0x480, $0x38;
	[tilespmem:$0xB220] =	vst v63  }
0xc6: {  	s21 =	sadd.s32 @!p1 s5, s21  }
0xc7: {  	[tilespmem:s23], [sflag:$0x1] =	stream.linear.gather @!p1 [hbm4b:s21+s25], $0x480, $0x38;
	[tilespmem:$0xB220] =	vst v63  }
0xc8: {  	p1 =	sne.s32 s26, $0x93  }
.Ltmp1:
0xc9: {  	_ = 	snop;
	(pc) =	sbr.rel @p1 .LBB2_2-.Ltmp1, $2  }
0xca: {  	_ =	sdelay $0x2  }
0xcb: {  	p0 =	por !p0, !p0;
	s21 =	smov.u32 s26  }
0xcc: {  	s20 =	sadd.s32 $0x1, s20  }
0xcd: {  	_ =	swait.ge [sflag:s19], $0x800;
	p0 =	sne.s32 s20, s13  }
.Ltmp2:
0xce: {  	[sflag:s19] =	ssyncset.done $0x0;
	(pc) =	sbr.rel @p0 .LBB2_1-.Ltmp2, $4  }
0xcf: {  	[sflag:s19] =	ssyncadd.s32 $0xFFFFF800  }
0xd0: {  	_ =	swait.ge [sflag:s19], $0x800  }
0xd1: {  	[sflag:s19] =	ssyncset.done $0x0  }
0xd2: {  	[sflag:s19] =	ssyncadd.s32 $0xFFFFF800  }
0xd3: {  	_ =	sfence.sel $0x180000  }
0xd4: {  	[bflag:$0x0] =	sbarrier.arrive $0xFFFF  }
0xd5: {  	_ =	strace $0x90000047  }
0xd6: {  	s0 =	stileid.u32;
	[bflag:$0x2] =	sbarrier.arrive $0xFFFF  }
0xd7: {  	p0 =	sne.s32 s0, $0x0;
	s0 =	rddreg [dreg:$0x2]  }
0xd8: {  	s0 =	sadd.s32 @!p0 $0x100000, s0  }
0xd9: {  	[sflag:s0] =	ssyncadd.tile.s32 @!p0 $0x1;
	_ =	shalt  }
.Lfunc_end2:
_tile_overlayer_lowered:
.L_overlay_start_2:
0xda: {  	(tag) =	ssettag $0x2  }
0xdb: {  	s0 =	rddreg [dreg:$0x0];
	s2 =	stileid.u32  }
0xdc: {  	s1 =	rddreg [dreg:$0x1];
	p0 =	sne.s32 s2, $0x0  }
0xdd: {  	s3 =	rddreg [dreg:$0x2];
	[bflag:$0x3] =	sbarrier.arrive $0xFFFF;
	s2 =	simm.s32 @!p0 $0x1C04  }
0xde: {  	[timem:s3], [sflag:s2] =	dma.local @!p0 [hbm:s0], s1  }
0xdf: {  	s0 =	simm.s32 @!p0 $0x4  }
0xe0: {  	_ =	swait.ge @!p0 [sflag:s0], s1  }
0xe1: {  	s1 =	ssub.s32 @!p0 $0x0, s1;
	[sflag:s0] =	ssyncset.done @!p0 $0x0  }
0xe2: {  	[sflag:s0] =	ssyncadd.s32 @!p0 s1  }
0xe3: {  	[bflag:$0x3] =	sbarrier.arrive $0xFFFF  }
0xe4: {  	_ =	shalt  }

// kernel: sparse-core-data-format-call.cloned.1.call-start
scs
called_computation_lowered:
.L_overlay_start_0:
0x0: {  	s2 =	sld [smem:$0x3FD9]  }
0x1: {  	s3 =	sld [smem:$0x3FFE];
	_ =	sdelay $0x1  }
0x2: {  	s1 =	srdreg.scid  }
0x3: {  	s0 =	sand.u32 $0x1, s1  }
0x4: {  	s18 =	sshll.u32 s0, $0xA;
	s2 =	sadd.s32 s3, s2  }
0x5: {  	s2 =	sadd.s32 s2, s18  }
0x6: {  	[smem:$0x3FBB] =	sst s2  }
0x7: {  	_ = 	snop  }
0x8: {  	s2 =	sld [smem:$0x3FD0];
	(tm) =	ssettm $0x1  }
0x9: {  	s19 =	sld [smem:$0x3FFB];
	_ =	sdelay $0x3  }
0xa: {  	_ =	strace s19  }
0xb: {  	s3 =	sld [smem:$0x3FFC];
	_ =	sdelay $0x3  }
0xc: {  	_ =	strace s3  }
0xd: {  	s3 =	sld [smem:$0x3FFD];
	_ =	sdelay $0x3  }
0xe: {  	_ =	strace s3  }
0xf: {  	_ =	strace $0x8FFFFFFF  }
0x10: {  	s20 =	sld [smem:$0x3FDB];
	_ =	sdelay $0x1  }
0x11: {  	s4 =	simm.s32 $_scs_section_size  }
0x12: {  	s5 =	simm.s32 $_size__tile_overlayer_lowered;
	s6 =	simm.s32 $_tile_overlayer_lowered  }
0x13: {  	s23 =	simm.s32 $0x1BFF;
	s22 =	sshll.u32 s6, $0x1;
	s3 =	sadd.s32 s4, s20  }
0x14: {  	s7 =	simm.s32 $0x0;
	s21 =	sshll.u32 s5, $0x1;
	s5 =	sadd.s32 s22, s3  }
0x15: {  	[timem:s7], [sflag:s23] =	dma.local [hbm:s5], s21  }
0x16: {  	_ =	swait.ge [sflag:s23], s21  }
0x17: {  	s4 =	ssub.s32 $0x0, s21;
	[sflag:s23] =	ssyncset.done $0x0  }
0x18: {  	[sflag:s23] =	ssyncadd.s32 s4;
	_ =	sdelay $0x1  }
0x19: {  	s24 =	simm.s32 $0x1B8B  }
0x1a: {  	_ =	swait.ge [sflag:s24], $0x1  }
0x1b: {  	[sflag:s24] =	ssyncset.done $0x0  }
0x1c: {  	s26 =	simm.s32 $0x1B8E;
	s25 =	sld [smem:$0x3FFE];
	[sflag:s24] =	ssyncadd.s32 $0xFFFFFFFF  }
0x1d: {  	s27 =	simm.s32 $execute0_lowered;
	[smem:$0x3FD2] =	sst s26  }
0x1e: {  	s5 =	sshll.u32 s27, $0x1;
	_ =	strace $0x80000049;
	[dreg:$0x1] =	wrdreg $0xFFFFFFFF  }
0x1f: {  	s28 =	simm.s32 $_size_execute0_lowered;
	s3 =	sadd.s32 s3, s5;
	[dreg:$0x0] =	wrdreg $0x0  }
0x20: {  	s5 =	sshll.u32 s28, $0x1;
	[dreg:$0x2] =	wrdreg s3  }
0x21: {  	[dreg:$0x3] =	wrdreg s5  }
0x22: {  	[dreg:$0x4] =	wrdreg $0xC0  }
0x23: {  	_ =	task [dreg:s7], $0x5FFFF  }
0x24: {  	[dreg:$0x1] =	wrdreg $0xFFFFFFFF  }
0x25: {  	[dreg:$0x0] =	wrdreg $0x60  }
0x26: {  	[dreg:$0x2] =	wrdreg s25  }
0x27: {  	[dreg:$0x3] =	wrdreg s2  }
0x28: {  	[dreg:$0x4] =	wrdreg $0x9  }
0x29: {  	_ =	task.clear_ibuf [dreg:s7], $0x5FFFF;
	_ =	strace $0x90000049  }
0x2a: {  	s29 =	simm.s32 $0x9;
	_ =	strace $0x8000004B  }
0x2b: {  	_ =	swait.ge [sflag:s29], $0x1  }
0x2c: {  	[sflag:s29] =	ssyncadd.s32 $0xFFFFFFFF  }
0x2d: {  	_ =	strace $0x9000004B  }
0x2e: {  	_ =	sfence  }
0x2f: {  	s30 =	sld [smem:$0x0];
	_ =	sdelay $0x2  }
0x30: {  	s31 =	sshll.u32 s1, $0xD;
	s1 =	sshrl.u32 s1, $0x2  }
0x31: {  	s3 =	sand.u32 $0x4000, s31;
	s1 =	sadd.s32 s1, s30  }
0x32: {  	s0 =	sor.u32 s3, s0;
	s1 =	sshll.u32 s1, $0x11  }
0x33: {  	s0 =	sor.u32 s1, s0  }
0x34: {  	s0 =	sadd.s32 $0x8F2B, s0  }
0x35: {  	[sflag:s0] =	ssyncadd.remote.s32 $0x1  }
0x36: {  	_ =	sfence.sel $0xFFFF  }
0x37: {  	[dreg:$0x0] =	wrdreg $0xFFFFFFFF;
	(pc) =	sbr.abs _section_cstart, $3  }
0x38: {  	[dreg:$0x1] =	wrdreg $0xFFFFFFFF  }
0x39: {  	_ =	task.clear_ibuf [dreg:s7], $0x2FFFF;
	_ =	strace $0x9FFFFFFF  }
0x3a: {  	(tm) =	ssettm $0x7FFFFFFF  }
0x3b: {  	_ =	shalt  }
tec
execute0_lowered:
.L_overlay_start_1:
0x0: {  	(tag) =	ssettag $0x1  }
0x1: {  	s0 =	rddreg [dreg:$0x0];
	s3 =	stileid.u32;
	_ =	strace $0x8000004A  }
0x2: {  	s2 =	srdreg.scid;
	s30 =	simm.s32 $0x1;
	s31 =	simm.s32 $0x2  }
0x3: {  	s17 =	simm.s32 $0x0;
	s18 =	simm.s32 $0x0;
	s19 =	simm.s32 $0x0  }
0x4: {  	s10 =	simm.s32 $0x0;
	s11 =	simm.s32 $0x0;
	s13 =	simm.s32 $0x0  }
0x5: {  	s12 =	simm.s32 $0x0;
	s6 =	sand.u32 $0x1, s3;
	s29 =	sshll.u32 s2, $0x4  }
0x6: {  	s7 =	sadd.s32 $0x1600, s0;
	s1 =	ssub.s32 $0x2, s6;
	s0 =	sand.u32 $0x10, s29  }
0x7: {  	[dreg:$0x3] =	wrdreg s6;
	s5 =	sshrl.u32 s1, $0x1;
	s1 =	sand.u32 $0x1, s1  }
.Ltmp0:
0x8: {  	s0 =	sor.u32 s3, s0;
	s1 =	sadd.s32 s1, s5;
	(pc) =	sbr.rel .LBB1_1-.Ltmp0, $4  }
0x9: {  	[dreg:$0x4] =	wrdreg s7;
	s22 =	sshrl.u32 s0, $0x1;
	s8 =	smul.u32 $0x1C, s1  }
0xa: {  	s16 =	simm.s32 $0x0;
	[sflag:s30] =	ssyncpa.u1 $0x0;
	[dreg:$0x6] =	wrdreg s22  }
0xb: {  	[sflag:s31] =	ssyncpa.u1 $0x0;
	s23 =	sor.u32 $0x1, s8;
	[dreg:$0x5] =	wrdreg s8  }
0xc: {  	s15 =	smov.u32 s6;
	s14 =	smov.u32 s22;
	[dreg:$0x7] =	wrdreg s23  }
.LBB1_9:
0xd: {  	p0 =	sgt.s32 s10, $0x80;
	s0 =	smov.u32 s10;
	s3 =	smul.u32 $0xA8000, s13  }
0xe: {  	s1 =	sshrl.u32 s10, $0x5;
	s27 =	smul.u32 $0xC00, s11;
	s4 =	sshrl.u32 s10, $0x3  }
0xf: {  	s5 =	rddreg [dreg:$0x1];
	s28 =	sand.u32 $0x7, s10;
	s0 =	simm.s32 @!p0 $0x80  }
0x10: {  	s29 =	sor.u32 $0x8000, s22;
	s1 =	sand.u32 $0xFFFFFC, s1;
	s0 =	sadd.s32 s21, s0  }
0x11: {  	s6 =	rddreg [dreg:$0x3];
	s26 =	smulhi.u32 $0x2AAAAAB, s1;
	s2 =	sadd.s32 $0xFFFFFF80, s0  }
0x12: {  	s7 =	rddreg [dreg:$0x4];
	s0 =	ssub.s32 $0x100, s0;
	p0 =	sgt.s32 s2, $0x7F  }
0x13: {  	s8 =	rddreg [dreg:$0x5];
	s2 =	smul.u32 $0x60, s26;
	s0 =	simm.s32 @p0 $0x0  }
0x14: {  	s31 =	simm.s32 $0x800;
	s22 =	rddreg [dreg:$0x6];
	s0 =	smul.u32 s0, s20  }
0x15: {  	s23 =	rddreg [dreg:$0x7];
	s4 =	sand.u32 $0xF, s4;
	s3 =	sadd.s32 s5, s3  }
0x16: {  	s1 =	ssub.s32 s1, s2;
	s2 =	sadd.s32 s27, s3;
	s0 =	smul.u32 $0x60, s0  }
0x17: {  	s3 =	sshll.u32 s28, $0x12;
	s1 =	sshll.u32 s1, $0x5;
	s2 =	sadd.s32 s4, s2  }
0x18: {  	s30 =	sor.u32 $0x400, s3;
	s1 =	sadd.s32 s1, s2;
	s0 =	sand.u32 $0x3FFFFFE0, s0  }
0x19: {  	[hbm4b:s1+s30] =	stream.strided.scatter [tilespmem:s29], [sflag:$0x2], s0, s31, s30, $0x20;
	[tilespmem:$0x10100] =	vst v63  }
.LBB1_10:
0x1a: {  	p0 =	slt.u32 s16, $0x2;
	s1 =	smov.u32 s19  }
0x1b: {  	s3 =	smov.u32 s17;
	p1 =	sgt.s32 @!p0 s19, $0x1;
	s0 =	sshra.s32 @!p0 s19, $0x1F  }
0x1c: {  	s2 =	sshra.s32 @!p0 s18, $0x1F;
	p1 =	por !p1, p0;
	s0 =	sand.u32 @!p0 s0, s19  }
0x1d: {  	s1 =	simm.s32 @p1 $0x1;
	s0 =	sxor.u32 @!p0 $0xFFFFFFFF, s0;
	p1 =	sgt.s32 @!p0 s18, $0xDF  }
0x1e: {  	s0 =	sadd.s32 @!p0 s0, s1;
	p2 =	por !p1, p0;
	s1 =	smov.u32 s18  }
0x1f: {  	s4 =	sshra.s32 @!p0 s17, $0x1F;
	s2 =	sand.u32 @!p0 s2, s18;
	s1 =	simm.s32 @p2 $0xDF  }
0x20: {  	p1 =	sgt.s32 @!p0 s0, $0x0;
	p2 =	sgt.s32 @!p0 s17, $0x80;
	s1 =	ssub.s32 @!p0 s1, s2  }
0x21: {  	s0 =	ssub.s32 @!p0 $0x1, s0;
	p2 =	por !p2, p0;
	s2 =	sadd.s32 @!p0 $0xFFFFFF21, s1  }
0x22: {  	s3 =	simm.s32 @p2 $0x80;
	p2 =	sgt.s32 @!p0 s2, $0x0;
	s2 =	sand.u32 @!p0 s4, s17  }
0x23: {  	s0 =	smul.u32 @!p0 $0x60, s0;
	p1 =	por !p1, p0;
	s2 =	ssub.s32 @!p0 s3, s2  }
0x24: {  	s1 =	ssub.s32 @!p0 $0xE0, s1;
	p2 =	por !p2, p0;
	s3 =	sadd.s32 @!p0 $0xFFFFFF80, s2  }
0x25: {  	s0 =	simm.s32 @!p1 $0x0;
	s1 =	simm.s32 @!p2 $0x0;
	p2 =	sgt.s32 @!p0 s3, $0x7F  }
0x26: {  	s2 =	ssub.s32 @!p0 $0x100, s2;
	s0 =	smul.u32 @!p0 s1, s0;
	p1 =	por !p2, p0  }
0x27: {  	s1 =	sadd.s32 $0x80, s12;
	s3 =	smov.u32 s14;
	s2 =	simm.s32 @!p1 $0x0  }
0x28: {  	p1 =	sgt.s32 s1, $0xDF;
	s0 =	smul.u32 @!p0 s2, s0;
	s2 =	sadd.s32 $0x10, s14  }
0x29: {  	s3 =	smov.u32 @p1 s2  }
0x2a: {  	s5 =	smov.u32 s15;
	s2 =	sadd.s32 $0x2, s15;
	p2 =	sgt.s32 s3, $0xDF  }
0x2b: {  	s19 =	smov.u32 s13;
	s5 =	smov.u32 @p2 s2  }
0x2c: {  	s13 =	smov.u32 s15;
	s1 =	simm.s32 @p1 $0x0;
	p1 =	sgt.s32 s5, $0x1  }
0x2d: {  	s18 =	smov.u32 s11;
	s5 =	smov.u32 @p1 s6;
	p1 =	sne.s32 s16, s23  }
.Ltmp1:
0x2e: {  	s11 =	smov.u32 s14;
	s4 =	simm.s32 @!p0 $0x2;
	(pc) =	sbr.rel @!p1 .LBB1_11-.Ltmp1, $4  }
0x2f: {  	s17 =	smov.u32 s10;
	s10 =	smov.u32 s12;
	s0 =	sand.u32 @!p0 $0x3FFFFFE0, s0  }
0x30: {  	s12 =	smov.u32 s1;
	_ =	swait.ge @!p0 [sflag:s4], s0;
	s3 =	smov.u32 @p2 s22  }
0x31: {  	s0 =	ssub.s32 @!p0 $0x0, s0;
	[sflag:s4] =	ssyncset.done @!p0 $0x0;
	s14 =	smov.u32 s3  }
0x32: {  	s16 =	sadd.s32 $0x1, s16;
	[sflag:s4] =	ssyncadd.s32 @!p0 s0;
	s15 =	smov.u32 s5  }
.LBB1_1:
0x33: {  	p0 =	sge.u32 s16, s8;
	s2 =	smov.u32 s15;
	s20 =	smov.u32 s14  }
0x34: {  	s31 =	sadd.s32 $0xFFFFFFFF, s16;
	s0 =	sand.u32 @!p0 $0x1FFFFFF, s12;
	p1 =	sgt.s32 @!p0 s15, $0x1  }
0x35: {  	s9 =	sshra.s32 @!p0 s15, $0x1F;
	s21 =	sshra.s32 @!p0 s14, $0x1F;
	s1 =	smulhi.u32 @!p0 $0x2492493, s0  }
0x36: {  	p1 =	por !p1, p0;
	s9 =	sand.u32 @!p0 s9, s15;
	s21 =	sand.u32 @!p0 s21, s14  }
0x37: {  	s2 =	simm.s32 @p1 $0x1;
	p1 =	sgt.s32 @!p0 s14, $0xDF;
	s9 =	sxor.u32 @!p0 $0xFFFFFFFF, s9  }
0x38: {  	s1 =	sshrl.u32 @!p0 s1, $0x1;
	p1 =	por !p1, p0;
	s2 =	sadd.s32 @!p0 s9, s2  }
0x39: {  	s1 =	smul.u32 @!p0 $0xE0, s1;
	s20 =	simm.s32 @p1 $0xDF;
	p1 =	sgt.s32 @!p0 s12, $0x60  }
0x3a: {  	p2 =	sgt.s32 @!p0 s2, $0x0;
	s2 =	sshll.u32 @!p0 s2, $0x7;
	s9 =	ssub.s32 @!p0 s20, s21  }
0x3b: {  	p1 =	por !p1, p0;
	s20 =	smov.u32 s12;
	s21 =	sadd.s32 @!p0 $0xFFFFFF21, s9  }
0x3c: {  	s20 =	simm.s32 @p1 $0x60;
	p1 =	sgt.s32 @!p0 s21, $0x0;
	s21 =	sshra.s32 @!p0 s12, $0x1F  }
0x3d: {  	s2 =	ssub.s32 @!p0 $0x80, s2;
	p2 =	por !p2, p0;
	s21 =	sand.u32 @!p0 s21, s12  }
0x3e: {  	s9 =	ssub.s32 @!p0 $0xE0, s9;
	p1 =	por !p1, p0;
	s20 =	ssub.s32 @!p0 s20, s21  }
0x3f: {  	s2 =	simm.s32 @!p2 $0x0;
	s9 =	simm.s32 @!p1 $0x0;
	s21 =	sadd.s32 @!p0 $0xFFFFFFA0, s20  }
0x40: {  	s0 =	ssub.s32 @!p0 s0, s1;
	s2 =	smul.u32 @!p0 s9, s2;
	p1 =	sgt.s32 @!p0 s21, $0x7F  }
0x41: {  	s9 =	ssub.s32 @!p0 $0xE0, s20;
	s20 =	smul.u32 @!p0 $0xC4000, s15;
	p1 =	por !p1, p0  }
0x42: {  	s1 =	smul.u32 @!p0 $0xE00, s14;
	s21 =	sxor.u32 @!p0 $0xFFFFFFFF, s16;
	s9 =	simm.s32 @!p1 $0x0  }
0x43: {  	s21 =	sshll.u32 @!p0 s21, $0xE;
	s2 =	smul.u32 @!p0 s9, s2;
	s9 =	sadd.s32 @!p0 s7, s20  }
0x44: {  	s0 =	sshll.u32 @!p0 s0, $0x4;
	s20 =	sand.u32 @!p0 $0x4000, s21;
	s1 =	sadd.s32 @!p0 s1, s9  }
0x45: {  	s2 =	sand.u32 @!p0 $0x3FFFFF80, s2;
	s0 =	sadd.s32 @!p0 s0, s1;
	s1 =	simm.s32 @!p0 $0x0  }
0x46: {  	[tilespmem:s20], [sflag:$0x1] =	stream.linear.gather @!p0 [hbm4b:s0+s1], s2, $0x38;
	[tilespmem:$0x10100] =	vst v63  }
0x47: {  	p0 =	sge.u32 s31, s8  }
.Ltmp2:
0x48: {  	_ = 	snop;
	(pc) =	sbr.rel @p0 .LBB1_10-.Ltmp2, $1  }
0x49: {  	_ =	sdelay $0x3  }
0x4a: {  	p0 =	sgt.s32 s13, $0x1;
	s0 =	smov.u32 s13;
	s1 =	sshra.s32 s13, $0x1F  }
0x4b: {  	s2 =	smov.u32 s11;
	s9 =	sshra.s32 s11, $0x1F;
	s27 =	ssub.s32 $0x0, s10  }
0x4c: {  	s28 =	sshra.s32 s10, $0x1F;
	p1 =	sgt.s32 s10, $0x60;
	s20 =	smov.u32 s10  }
0x4d: {  	s0 =	simm.s32 @!p0 $0x1;
	s1 =	sand.u32 s1, s13;
	p0 =	sgt.s32 s11, $0xDF  }
0x4e: {  	s26 =	sand.u32 s9, s11;
	s21 =	sand.u32 s27, s28;
	s1 =	sxor.u32 $0xFFFFFFFF, s1  }
0x4f: {  	s20 =	simm.s32 @!p1 $0x60;
	s2 =	simm.s32 @!p0 $0xDF;
	s0 =	sadd.s32 s1, s0  }
0x50: {  	s1 =	ssub.s32 s2, s26;
	s2 =	sadd.s32 s21, s20;
	p0 =	sgt.s32 s0, $0x0  }
0x51: {  	s0 =	ssub.s32 $0x1, s0;
	s22 =	sadd.s32 $0xFFFFFF21, s1;
	s1 =	ssub.s32 $0xE0, s1  }
0x52: {  	s2 =	sadd.s32 $0xFFFFFFA0, s2;
	p1 =	sgt.s32 s22, $0x0;
	s0 =	simm.s32 @p0 $0x0  }
0x53: {  	s29 =	sshll.u32 s2, $0x7;
	p0 =	sgt.s32 s2, $0x7F;
	s1 =	simm.s32 @p1 $0x0  }
0x54: {  	s20 =	smul.u32 s0, s1;
	s0 =	ssub.s32 $0x4000, s29;
	s1 =	sadd.s32 $0x1, s13  }
0x55: {  	s2 =	sadd.s32 $0x1, s11;
	s0 =	simm.s32 @p0 $0x0;
	p0 =	slt.s32 s1, $0x2  }
0x56: {  	s1 =	simm.s32 @!p0 $0x2;
	p0 =	slt.s32 s2, $0xE0  }
0x57: {  	s23 =	ssub.s32 s1, s13;
	s2 =	simm.s32 @!p0 $0xE0;
	s1 =	sadd.s32 $0x80, s10  }
0x58: {  	s24 =	ssub.s32 s2, s11;
	p1 =	slt.s32 s1, $0xE0;
	p0 =	slt.s32 s23, $0x1  }
0x59: {  	s1 =	simm.s32 @!p1 $0xE0;
	p1 =	slt.s32 @!p0 s24, $0x1  }
0x5a: {  	s25 =	ssub.s32 s1, s10;
	p1 =	por p0, p1  }
0x5b: {  	p2 =	slt.s32 @!p1 s25, $0x1  }
0x5c: {  	s0 =	smul.u32 s20, s0;
	p1 =	por p1, p2  }
.Ltmp3:
0x5d: {  	_ = 	snop;
	(pc) =	sbr.rel @p1 .LBB1_9-.Ltmp3, $4  }
0x5e: {  	s3 =	simm.s32 $0x1;
	s30 =	sand.u32 $0x3FFFFF80, s0  }
0x5f: {  	_ =	swait.ge [sflag:s3], s30  }
0x60: {  	s0 =	sand.u32 $0x1, s16;
	s31 =	ssub.s32 $0x0, s30;
	[sflag:s3] =	ssyncset.done $0x0  }
0x61: {  	s22 =	smul.u32 $0x4080, s0;
	[sflag:s3] =	ssyncadd.s32 s31  }
0x62: {  	_ = 	snop  }
0x63: {  	s26 =	sshll.u32 @!p0 s0, $0xE;
	s28 =	simm.s32 $0x0;
	s27 =	sor.u32 @!p0 $0x8000, s22  }
.LBB1_4:
0x64: {  	s29 =	simm.s32 $0x0  }
.LBB1_5:
0x65: {  	s0 =	sadd.s32 s28, s29  }
0x66: {  	s1 =	sshll.u32 s0, $0x10  }
0x67: {  	s31 =	simm.s32 $0x0;
	s1 =	sshra.s32 s1, $0x2  }
0x68: {  	s8 =	simm.s32 $0x0;
	p0 =	sne.s32 s25, $0x1;
	s1 =	sadd.s32 s1, s26  }
0x69: {  	s9 =	simm.s32 $0x10;
	s4 =	simm.s32 $0x20;
	s3 =	simm.s32 $0x50;
	v0 =	vmov s1  }
0x6a: {  	s0 =	smul.u32 $0x10200, s0;
	s2 =	sand.u32 $0x3F80, s31;
	s9 =	sand.u32 $0x78, s9  }
0x6b: {  	s4 =	sand.u32 $0x78, s4;
	s3 =	sand.u32 $0x78, s3;
	s9 =	smul.u32 $0x204, s9  }
0x6c: {  	s7 =	sand.u32 $0x7F, s31;
	s4 =	smul.u32 $0x204, s4;
	s1 =	sand.u32 $0x78, s8  }
0x6d: {  	s3 =	smul.u32 $0x204, s3;
	s0 =	sshra.s32 s0, $0x2;
	s5 =	sxor.u32 $0x40, s1  }
0x6e: {  	s30 =	sadd.s32 s0, s27;
	s8 =	simm.s32 $0x30;
	s5 =	smul.u32 $0x204, s5;
	v1 =	vld.idx.msk [tilespmem:v0+s2+$0x40 ss:$0x1], $0xffff  }
0x6f: {  	s9 =	sshrl.u32 s9, $0x2;
	s4 =	sshrl.u32 s4, $0x2;
	s1 =	smul.u32 $0x204, s1;
	v2 =	vld.idx.msk [tilespmem:v0+s2+$0x0 ss:$0x1], $0xffff  }
0x70: {  	s3 =	sshrl.u32 s3, $0x2;
	s8 =	sand.u32 $0x78, s8;
	s5 =	sshrl.u32 s5, $0x2;
	v4 =	vld.idx.msk [tilespmem:v0+s2+$0x20 ss:$0x1], $0xffff  }
0x71: {  	s8 =	smul.u32 $0x204, s8;
	s1 =	sshrl.u32 s1, $0x2;
	v3 =	vld.idx.msk [tilespmem:v0+s2+$0x10 ss:$0x1], $0xffff;
	s5 =	sadd.s32 s5, s30  }
.Ltmp4:
0x72: {  	s1 =	sadd.s32 s1, s30;
	s5 =	sadd.s32 s7, s5;
	(pc) =	sbr.rel @!p0 .LBB1_7-.Ltmp4, $4  }
0x73: {  	s4 =	sadd.s32 s4, s30;
	s8 =	sshrl.u32 s8, $0x2;
	s1 =	sadd.s32 s7, s1;
	[tilespmem:s5+$0x0 ss:$0x81] =	vst.msk $0xffff, v1;
	v1 =	vld.idx.msk [tilespmem:v0+s2+$0x30 ss:$0x1], $0xffff  }
0x74: {  	s9 =	sadd.s32 s9, s30;
	s6 =	sadd.s32 s8, s30;
	s8 =	sadd.s32 s7, s4;
	[tilespmem:s1+$0x0 ss:$0x81] =	vst.msk $0xffff, v2;
	v2 =	vld.idx.msk [tilespmem:v0+s2+$0x50 ss:$0x1], $0xffff  }
0x75: {  	s0 =	simm.s32 $0x1;
	s3 =	sadd.s32 s3, s30;
	s5 =	sadd.s32 s7, s9;
	[tilespmem:s8+$0x0 ss:$0x81] =	vst.msk $0xffff, v4  }
0x76: {  	s9 =	sadd.s32 s7, s6;
	s2 =	sadd.s32 s7, s3;
	s1 =	simm.s32 $0x2808;
	[tilespmem:s5+$0x0 ss:$0x81] =	vst.msk $0xffff, v3  }
.LBB1_6:
0x77: {  	s3 =	sadd.s32 $0xFFFFD800, s1;
	s4 =	sadd.s32 $0xFFFFE000, s1  }
0x78: {  	[tilespmem:s9+$0x0 ss:$0x81] =	vst.msk $0xffff, v1;
	s5 =	smov.u32 s0;
	s0 =	sadd.s32 $0x1, s0;
	s31 =	sadd.s32 $0x80, s31  }
0x79: {  	s7 =	sadd.s32 $0xFFFFE800, s1;
	s3 =	sshrl.u32 s3, $0x7;
	p0 =	sne.s32 s25, s0;
	[tilespmem:s2+$0x0 ss:$0x81] =	vst.msk $0xffff, v2  }
0x7a: {  	s8 =	sadd.s32 $0xFFFFF000, s1;
	s2 =	sand.u32 $0x3F80, s31;
	s3 =	sand.u32 $0x78, s3  }
0x7b: {  	s6 =	sshrl.u32 s1, $0x7;
	s4 =	sshrl.u32 s4, $0x7;
	v3 =	vld.idx.msk [tilespmem:v0+s2+$0x40 ss:$0x1], $0xffff;
	s9 =	sxor.u32 $0x40, s3  }
0x7c: {  	s7 =	sshrl.u32 s7, $0x7;
	s8 =	sshrl.u32 s8, $0x7;
	v4 =	vld.idx.msk [tilespmem:v0+s2+$0x0 ss:$0x1], $0xffff;
	s9 =	smul.u32 $0x204, s9  }
0x7d: {  	s6 =	sand.u32 $0x78, s6;
	s4 =	sand.u32 $0x78, s4;
	s7 =	sand.u32 $0x78, s7;
	v5 =	vld.idx.msk [tilespmem:v0+s2+$0x10 ss:$0x1], $0xffff  }
0x7e: {  	s8 =	sand.u32 $0x78, s8;
	s6 =	smul.u32 $0x204, s6;
	v6 =	vld.idx.msk [tilespmem:v0+s2+$0x20 ss:$0x1], $0xffff;
	s9 =	sshrl.u32 s9, $0x2  }
0x7f: {  	s5 =	sand.u32 $0x7F, s5;
	s3 =	smul.u32 $0x204, s3;
	v1 =	vld.idx.msk [tilespmem:v0+s2+$0x30 ss:$0x1], $0xffff;
	s9 =	sadd.s32 s9, s30  }
0x80: {  	s4 =	smul.u32 $0x204, s4;
	s9 =	sadd.s32 s5, s9;
	v2 =	vld.idx.msk [tilespmem:v0+s2+$0x50 ss:$0x1], $0xffff  }
0x81: {  	s2 =	sshrl.u32 s3, $0x2;
	s3 =	smul.u32 $0x204, s7;
	[tilespmem:s9+$0x0 ss:$0x81] =	vst.msk $0xffff, v3  }
0x82: {  	s4 =	sshrl.u32 s4, $0x2;
	s7 =	smul.u32 $0x204, s8;
	s2 =	sadd.s32 s2, s30  }
.Ltmp5:
0x83: {  	s4 =	sadd.s32 s4, s30;
	s3 =	sshrl.u32 s3, $0x2;
	(pc) =	sbr.rel @p0 .LBB1_6-.Ltmp5, $4  }
0x84: {  	s2 =	sadd.s32 s5, s2;
	s7 =	sshrl.u32 s7, $0x2;
	s3 =	sadd.s32 s3, s30  }
0x85: {  	s6 =	sshrl.u32 s6, $0x2;
	[tilespmem:s2+$0x0 ss:$0x81] =	vst.msk $0xffff, v4;
	s2 =	sadd.s32 s5, s4;
	s4 =	sadd.s32 s7, s30  }
0x86: {  	[tilespmem:s2+$0x0 ss:$0x81] =	vst.msk $0xffff, v5;
	s2 =	sadd.s32 s5, s3;
	s9 =	sadd.s32 s5, s4;
	s3 =	sadd.s32 s6, s30  }
0x87: {  	s1 =	sadd.s32 $0x8, s1;
	[tilespmem:s2+$0x0 ss:$0x81] =	vst.msk $0xffff, v6;
	s2 =	sadd.s32 s5, s3  }
.LBB1_7:
0x88: {  	s29 =	sadd.s32 $0x1, s29  }
0x89: {  	p0 =	sne.s32 s29, s24  }
.Ltmp6:
0x8a: {  	_ = 	snop;
	(pc) =	sbr.rel @p0 .LBB1_5-.Ltmp6, $3  }
0x8b: {  	_ =	sdelay $0x1  }
0x8c: {  	[tilespmem:s9+$0x0 ss:$0x81] =	vst.msk $0xffff, v1  }
0x8d: {  	[tilespmem:s2+$0x0 ss:$0x81] =	vst.msk $0xffff, v2  }
0x8e: {  	s28 =	sadd.s32 $0x1, s28  }
0x8f: {  	p0 =	sne.s32 s28, s23  }
.Ltmp7:
0x90: {  	_ = 	snop;
	(pc) =	sbr.rel @p0 .LBB1_4-.Ltmp7, $4  }
.Ltmp8:
0x91: {  	_ = 	snop;
	(pc) =	sbr.rel @!p0 .LBB1_9-.Ltmp8, $4  }
0x92: {  	_ = 	snop  }
0x93: {  	_ = 	snop  }
0x94: {  	_ = 	snop  }
0x95: {  	_ = 	snop  }
.LBB1_11:
0x96: {  	_ =	sfence.sel $0x180000  }
0x97: {  	s0 =	simm.s32 $0x1;
	[bflag:$0x0] =	sbarrier.arrive $0xFFFF  }
0x98: {  	s30 =	simm.s32 $0x2;
	[sflag:s0] =	ssyncpa.u1 $0x1  }
0x99: {  	[sflag:s30] =	ssyncpa.u1 $0x1  }
0x9a: {  	_ =	strace $0x9000004A  }
0x9b: {  	s31 =	stileid.u32;
	[bflag:$0x2] =	sbarrier.arrive $0xFFFF  }
0x9c: {  	p0 =	sne.s32 s31, $0x0;
	s0 =	rddreg [dreg:$0x2]  }
0x9d: {  	s0 =	sadd.s32 @!p0 $0x100000, s0  }
0x9e: {  	[sflag:s0] =	ssyncadd.tile.s32 @!p0 $0x1;
	_ =	shalt  }
.Lfunc_end1:
_tile_overlayer_lowered:
.L_overlay_start_2:
0x9f: {  	(tag) =	ssettag $0x2  }
0xa0: {  	s0 =	rddreg [dreg:$0x0];
	s2 =	stileid.u32  }
0xa1: {  	s1 =	rddreg [dreg:$0x1];
	p0 =	sne.s32 s2, $0x0  }
0xa2: {  	s3 =	rddreg [dreg:$0x2];
	[bflag:$0x3] =	sbarrier.arrive $0xFFFF;
	s2 =	simm.s32 @!p0 $0x1C01  }
0xa3: {  	[timem:s3], [sflag:s2] =	dma.local @!p0 [hbm:s0], s1  }
0xa4: {  	s0 =	simm.s32 @!p0 $0x1  }
0xa5: {  	_ =	swait.ge @!p0 [sflag:s0], s1  }
0xa6: {  	s1 =	ssub.s32 @!p0 $0x0, s1;
	[sflag:s0] =	ssyncset.done @!p0 $0x0  }
0xa7: {  	[sflag:s0] =	ssyncadd.s32 @!p0 s1  }
0xa8: {  	[bflag:$0x3] =	sbarrier.arrive $0xFFFF  }
0xa9: {  	_ =	shalt  }

</sc_bundles>
